<compile_context>
chip_gen: v7x
topology: tpu7x:2x2x1
jax: 0.10.2.dev20260603
libtpu: 0.0.44.dev20260713+nightly
codegen_flags: <defaults>
</compile_context>

<pallas_src>
import functools

import jax
import jax.numpy as jnp
from jax import lax
from jax.experimental import pallas as pl
from jax.experimental.pallas import tpu as pltpu
from jax.experimental.pallas import tpu_sc as plsc

LANES = 16
CHUNK = 384
NSUB = 16
NW = 32
BLK = 4000
SPLIT_UNIT = 4000
SC_FRAC = 0.5375


def _make_seg_sum_sc(n_rows: int, d: int, nseg: int, split: int):
  nlane_blocks = d // LANES
  pt = n_rows // NSUB
  bits = []
  b = 1
  while b <= pt:
    b *= 2
  while b >= 1:
    bits.append(b)
    b //= 2
  mesh = plsc.VectorSubcoreMesh(core_axis_name="c", subcore_axis_name="s")

  @functools.partial(
      pl.kernel,
      out_type=(
          jax.ShapeDtypeStruct((NW, nseg, d), jnp.float32),
          jax.ShapeDtypeStruct((48,), jnp.int32),
          jax.ShapeDtypeStruct((2 * NSUB, 2 * LANES), jnp.int32),
      ),
      mesh=mesh,
      compiler_params=pltpu.CompilerParams(needs_layout_passes=False),
      scratch_types=[
          pltpu.VMEM((pt,), jnp.int32),
          pltpu.VMEM((CHUNK, d), jnp.float32),
          pltpu.VMEM((CHUNK, d), jnp.float32),
          pltpu.VMEM((48,), jnp.int32),
          pltpu.VMEM((2 * LANES,), jnp.int32),
          pltpu.VMEM((NSUB, 2 * LANES), jnp.int32),
          pltpu.VMEM((nseg, d), jnp.float32),
          pltpu.SemaphoreType.DMA,
          pltpu.SemaphoreType.DMA,
      ],
  )
  def seg_sum(x_hbm, labels_hbm, out_hbm, bounds_hbm, stage_hbm,
              lab, buf0, buf1, bnd, cbuf, call, acc2d, sem0, sem1):
    num_cores = jax.lax.axis_size("c")
    cid = lax.axis_index("c")
    tid = lax.axis_index("s")
    sid = tid * num_cores + cid

    pltpu.sync_copy(labels_hbm.at[pl.ds(tid * pt, pt)], lab)
    iota = lax.iota(jnp.int32, LANES)
    q0 = iota + 1
    q1 = iota + 17
    pos0 = jnp.zeros((LANES,), jnp.int32)
    pos1 = jnp.zeros((LANES,), jnp.int32)
    for bit in bits:
      cand0 = pos0 + bit
      cand1 = pos1 + bit
      v0 = plsc.load_gather(lab, [jnp.minimum(cand0, pt) - 1])
      v1 = plsc.load_gather(lab, [jnp.minimum(cand1, pt) - 1])
      pos0 = jnp.where((cand0 <= pt) & (v0 < q0), cand0, pos0)
      pos1 = jnp.where((cand1 <= pt) & (v1 < q1), cand1, pos1)
    cbuf[pl.ds(0, LANES)] = pos0
    cbuf[pl.ds(LANES, LANES)] = pos1
    pltpu.sync_copy(cbuf, stage_hbm.at[cid * NSUB + tid])
    plsc.subcore_barrier()
    pltpu.sync_copy(stage_hbm.at[pl.ds(cid * NSUB, NSUB)], call)
    g0 = jnp.zeros((LANES,), jnp.int32)
    g1 = jnp.zeros((LANES,), jnp.int32)
    for i in range(NSUB):
      g0 = g0 + call[i, pl.ds(0, LANES)]
      g1 = g1 + call[i, pl.ds(LANES, LANES)]
    bnd[pl.ds(0, LANES)] = g0
    bnd[pl.ds(LANES, LANES)] = g1

    @pl.when(sid == 0)
    def _():
      pltpu.sync_copy(bnd, bounds_hbm)

    share = split // NW
    lo = sid * share
    hi = lo + share
    s_first = (jnp.sum((g0 <= lo).astype(jnp.int32))
               + jnp.sum((g1 <= lo).astype(jnp.int32)))
    s_last = (jnp.sum((g0 <= hi - 1).astype(jnp.int32))
              + jnp.sum((g1 <= hi - 1).astype(jnp.int32)))

    def win_start(base0, j):
      return jnp.minimum(base0 + j * CHUNK, n_rows - CHUNK)

    def dma_start(base0, j, buf, sem):
      pltpu.make_async_copy(x_hbm.at[pl.ds(win_start(base0, j), CHUNK)],
                            buf, sem).start()

    zerov = jnp.zeros((LANES,), jnp.float32)

    def zero_body(s, _):
      for k in range(nlane_blocks):
        acc2d[s, pl.ds(LANES * k, LANES)] = zerov
      return 0

    lax.fori_loop(0, nseg, zero_body, 0)

    def seg_body(s, _):
      off = jnp.maximum(s - 1, 0)
      bv = bnd[pl.ds(off, LANES)]
      is0 = s == 0
      r0 = jnp.maximum(jnp.where(is0, 0, bv[0]), lo)
      r1 = jnp.minimum(jnp.where(is0, bv[0], bv[1]), hi)
      r0 = jnp.clip(r0, 0, split)
      r1 = jnp.clip(r1, r0, split)
      base0 = (r0 // 8) * 8
      nch = jnp.where(r1 > r0,
                      lax.div(r1 - base0 + (CHUNK - 1), CHUNK), 0)

      def process(j, buf, sem, pfbuf, pfsem, accs):
        @pl.when(j + 1 < nch)
        def _():
          dma_start(base0, j + 1, pfbuf, pfsem)

        @pl.when(j < nch)
        def _():
          pltpu.make_async_copy(x_hbm.at[pl.ds(0, CHUNK)], buf, sem).wait()

        w0 = win_start(base0, j)
        a = jnp.maximum(r0, w0) - w0
        b = jnp.where(j < nch, jnp.minimum(r1, w0 + CHUNK) - w0, a)

        def row_body(r, accs):
          return tuple(accs[k] + buf[r, pl.ds(LANES * k, LANES)]
                       for k in range(nlane_blocks))

        return lax.fori_loop(a, b, row_body, accs)

      @pl.when(nch > 0)
      def _():
        dma_start(base0, 0, buf0, sem0)

      def pair_body(p, accs):
        j0 = 2 * p
        accs = process(j0, buf0, sem0, buf1, sem1, accs)
        accs = process(j0 + 1, buf1, sem1, buf0, sem0, accs)
        return accs

      zero = jnp.zeros((LANES,), jnp.float32)
      accs = lax.fori_loop(0, (nch + 1) // 2, pair_body,
                           tuple(zero for _ in range(nlane_blocks)))
      for k in range(nlane_blocks):
        acc2d[s, pl.ds(LANES * k, LANES)] = accs[k]
      return 0

    lax.fori_loop(s_first, s_last + 1, seg_body, 0)
    pltpu.sync_copy(acc2d, out_hbm.at[sid])

  return seg_sum


def _make_tc_partial(nseg: int):
  def body(x_ref, lab_ref, out_ref):
    @pl.when(pl.program_id(0) == 0)
    def _():
      out_ref[...] = jnp.zeros_like(out_ref)

    lab = lab_ref[...].reshape(1, BLK)
    rows = lax.broadcasted_iota(jnp.int32, (nseg, BLK), 0)
    oh = (rows == lab).astype(jnp.float32)
    out_ref[...] += jnp.dot(oh, x_ref[...],
                            preferred_element_type=jnp.float32)

  return body


def _make_fused_tail(nseg: int):

  def body(partials_ref, ftc_ref, bndc_ref, bndr_ref,
           w1_ref, b1_ref, w2_ref, b2_ref, probs_ref, uids_ref):
    s = ftc_ref[...]
    for w in range(NW):
      s = s + partials_ref[w]

    fdt = jnp.float32
    iota_r = lax.broadcasted_iota(jnp.int32, (nseg, nseg), 0)
    iota_c = lax.broadcasted_iota(jnp.int32, (nseg, nseg), 1)

    b_col = bndc_ref[...][:nseg, :].astype(fdt)
    shift_col = (iota_c == iota_r - 1).astype(fdt)
    prev_col = jnp.dot(shift_col, b_col, preferred_element_type=fdt)
    cnt_col = b_col - prev_col

    feats = s / cnt_col
    h = jnp.dot(feats, w1_ref[...], preferred_element_type=fdt) + b1_ref[...]
    h = jnp.maximum(h, 0.0)
    logits = jnp.dot(h, w2_ref[...], preferred_element_type=fdt) + b2_ref[...]
    m = jnp.max(logits, axis=-1, keepdims=True)
    e = jnp.exp(logits - m)
    probs_ref[...] = e / jnp.sum(e, axis=-1, keepdims=True)

    b_row = bndr_ref[...][:, :nseg].astype(fdt)
    shift_row = (iota_r == iota_c - 1).astype(fdt)
    prev_row = jnp.dot(b_row, shift_row, preferred_element_type=fdt)
    cnt_row = b_row - prev_row
    present = (cnt_row > 0).astype(fdt)
    tril_t = (iota_r <= iota_c).astype(fdt)
    cums = jnp.dot(present, tril_t, preferred_element_type=fdt)
    ranks = cums - 1.0
    k = jnp.sum(present)
    vals_row = lax.broadcasted_iota(jnp.int32, (1, nseg), 1).astype(fdt)
    minp = jnp.min(jnp.where(present > 0, vals_row, fdt(nseg)))
    oh_t = ((iota_r.astype(fdt) == ranks) * present)
    vals_col = lax.broadcasted_iota(jnp.int32, (nseg, 1), 0).astype(fdt)
    uids_col = jnp.dot(oh_t, vals_col, preferred_element_type=fdt)
    pos_col = vals_col
    uids_ref[...] = jnp.where(pos_col < k, uids_col, minp).astype(jnp.int32)

  return body


def kernel(x, subject_labels, W1, b1, W2, b2):
  n, d = x.shape
  nseg = b2.shape[0]
  labels = subject_labels.astype(jnp.int32)

  nblk = n // BLK
  nunit = n // SPLIT_UNIT
  split = int(round(SC_FRAC * nunit)) * SPLIT_UNIT
  offb = split // BLK

  partials, bnd_out, _stage = _make_seg_sum_sc(n, d, nseg, split)(x, labels)

  feats_tc = pl.pallas_call(
      _make_tc_partial(nseg),
      grid=(nblk - offb,),
      in_specs=[
          pl.BlockSpec((BLK, d), lambda i: (offb + i, 0)),
          pl.BlockSpec((1, 8, BLK // 8), lambda i: (offb + i, 0, 0)),
      ],
      out_specs=pl.BlockSpec((nseg, d), lambda i: (0, 0)),
      out_shape=jax.ShapeDtypeStruct((nseg, d), jnp.float32),
  )(x, labels.reshape(nblk, 8, BLK // 8))

  probs, uids2d = pl.pallas_call(
      _make_fused_tail(nseg),
      out_shape=(
          jax.ShapeDtypeStruct((nseg, nseg), jnp.float32),
          jax.ShapeDtypeStruct((nseg, 1), jnp.int32),
      ),
  )(partials, feats_tc, bnd_out.reshape(-1, 1), bnd_out.reshape(1, -1),
    W1, b1.reshape(1, -1), W2, b2.reshape(1, -1))

  uids = uids2d.reshape(nseg).astype(subject_labels.dtype)
  return (probs, uids)

# --- scband reference (transcript-rebuilt; emitter-appended) ---
"""Pipeline reference for scband-domain-mapper-37160057045590 (READ-ONLY COPY).

The authoritative reference and input builder live on the scoring server;
editing this copy changes nothing except your own understanding.
"""

import jax, jax.numpy as jnp
import numpy as np

N = 320000
IN_DIM = 128
HIDDEN = 256
NSRC = 32

def setup_inputs(seed: int = 0) -> dict:
    key = jax.random.key(seed)
    k1, k2, k3, k4, k5, k6 = jax.random.split(key, 6)
    x = jax.random.normal(k1, (N, IN_DIM), dtype=jnp.float32)
    subject_labels = jnp.sort(jax.random.randint(k2, (N,), 0, NSRC).astype(jnp.int64))
    W1 = jax.random.normal(k3, (IN_DIM, HIDDEN), dtype=jnp.float32) * (1.0 / np.sqrt(IN_DIM))
    b1 = jnp.zeros((HIDDEN,), dtype=jnp.float32)
    W2 = jax.random.normal(k4, (HIDDEN, NSRC), dtype=jnp.float32) * (1.0 / np.sqrt(HIDDEN))
    b2 = jnp.zeros((NSRC,), dtype=jnp.float32)
    return {"x": x, "subject_labels": subject_labels, "W1": W1, "b1": b1, "W2": W2, "b2": b2}

def reference(x, subject_labels, W1, b1, W2, b2):
    # torch.unique returns sorted unique values
    nseg = b2.shape[0]
    uids = jnp.unique(subject_labels, size=nseg)
    # map each label to its index in uids (labels are guaranteed present in uids)
    seg = jnp.searchsorted(uids, subject_labels)
    # per-subject mean == segment_sum / segment_count  (faithful to masked mean)
    sums = jax.ops.segment_sum(x, seg, num_segments=nseg)
    counts = jax.ops.segment_sum(jnp.ones((x.shape[0],), dtype=x.dtype), seg, num_segments=nseg)
    subj_feats = sums / counts[:, None]
    # MLP: Linear -> ReLU -> Linear
    h = jax.nn.relu(subj_feats @ W1 + b1)
    logits = h @ W2 + b2
    probs = jax.nn.softmax(logits, axis=-1)
    return (probs, uids)

if __name__ == "__main__":
    import jax
    _d = setup_inputs()
    print(jax.jit(kernel)(*tuple(_d.values())))

</pallas_src>

<mosaic_0001>
#map = affine_map<(d0, d1) -> (0, 0)>
#map1 = affine_map<(d0, d1) -> (0)>
#map2 = affine_map<(d0, d1) -> (0, 0, 0)>
module attributes {stable_mosaic.version = 14 : i64} {
  func.func @seg_sum(%arg0: i32, %arg1: i32, %arg2: memref<320000x128xf32, #tpu.memory_space<hbm>>, %arg3: memref<320000xi32, #tpu.memory_space<hbm>>, %arg4: memref<32x32x128xf32, #tpu.memory_space<hbm>>, %arg5: memref<48xi32, #tpu.memory_space<hbm>>, %arg6: memref<32x32xi32, #tpu.memory_space<hbm>>, %arg7: memref<20000xi32, #tpu.memory_space<vmem>>, %arg8: memref<384x128xf32, #tpu.memory_space<vmem>>, %arg9: memref<384x128xf32, #tpu.memory_space<vmem>>, %arg10: memref<48xi32, #tpu.memory_space<vmem>>, %arg11: memref<32xi32, #tpu.memory_space<vmem>>, %arg12: memref<16x32xi32, #tpu.memory_space<vmem>>, %arg13: memref<32x128xf32, #tpu.memory_space<vmem>>, %arg14: memref<!tpu.dma_semaphore, #tpu.memory_space<semaphore_mem>>, %arg15: memref<!tpu.dma_semaphore, #tpu.memory_space<semaphore_mem>>) attributes {dimension_semantics = [#tpu.dimension_semantics<core_parallel>, #tpu.dimension_semantics<subcore_parallel>], iteration_bounds = array<i64: 2, 16>, scalar_prefetch = 0 : i64, scratch_operands = 9 : i64, tpu.core_type = #tpu.core_type<sc_vector_subcore>, window_params = [{transform_indices = #map}, {transform_indices = #map1}, {transform_indices = #map2}, {transform_indices = #map1}, {transform_indices = #map}]} {
    %mul3A = arith.constant 2 : i32
    %mul3A_0 = arith.muli %arg1, %mul3A : i32
    %add3A = arith.addi %mul3A_0, %arg0 : i32
    %mul3A_1 = arith.constant 20000 : i32
    %mul3A_2 = arith.muli %arg1, %mul3A_1 : i32
    "tpu.region"() ({
      %run_scoped3A = tpu.sem_alloc : memref<!tpu.dma_semaphore, #tpu.memory_space<semaphore_mem>>
      %dma_start3A = tpu.memref_slice %arg3[%mul3A_2] : memref<320000xi32, #tpu.memory_space<hbm>> -> memref<20000xi32, #tpu.memory_space<hbm>>
      %dma_start3A_751 = tpu.memref_slice %arg3[%mul3A_2] : memref<320000xi32, #tpu.memory_space<hbm>> -> memref<20000xi32, #tpu.memory_space<hbm>>
      tpu.enqueue_dma source(%dma_start3A_751 : memref<20000xi32, #tpu.memory_space<hbm>>) target(%arg7 : memref<20000xi32, #tpu.memory_space<vmem>>) target_semaphore(%run_scoped3A : memref<!tpu.dma_semaphore, #tpu.memory_space<semaphore_mem>>)
      %dma_wait3A = tpu.memref_slice %arg3[%mul3A_2] : memref<320000xi32, #tpu.memory_space<hbm>> -> memref<20000xi32, #tpu.memory_space<hbm>>
      %dma_wait3A_752 = tpu.memref_slice %arg3[%mul3A_2] : memref<320000xi32, #tpu.memory_space<hbm>> -> memref<20000xi32, #tpu.memory_space<hbm>>
      tpu.wait_dma2 semaphore(%run_scoped3A : memref<!tpu.dma_semaphore, #tpu.memory_space<semaphore_mem>>) src(%dma_wait3A_752 : memref<20000xi32, #tpu.memory_space<hbm>>) dst(%arg7 : memref<20000xi32, #tpu.memory_space<vmem>>)
      tpu.yield
    }) : () -> ()
    %iota3A = tpu.iota {dimensions = array<i32: 0>} : vector<16xi32>
    %add3A_3 = arith.constant 1 : i32
    %add3A_4 = vector.broadcast %add3A_3 : i32 to vector<16xi32>
    %add3A_5 = arith.addi %iota3A, %add3A_4 : vector<16xi32>
    %add3A_6 = arith.constant 17 : i32
    %add3A_7 = vector.broadcast %add3A_6 : i32 to vector<16xi32>
    %add3A_8 = arith.addi %iota3A, %add3A_7 : vector<16xi32>
    %broadcast_in_dim3A = arith.constant 0 : i32
    %broadcast_in_dim3A_9 = vector.broadcast %broadcast_in_dim3A : i32 to vector<16xi32>
    %broadcast_in_dim3A_10 = arith.constant 0 : i32
    %broadcast_in_dim3A_11 = vector.broadcast %broadcast_in_dim3A_10 : i32 to vector<16xi32>
    %add3A_12 = arith.constant 32768 : i32
    %add3A_13 = vector.broadcast %add3A_12 : i32 to vector<16xi32>
    %add3A_14 = arith.addi %broadcast_in_dim3A_9, %add3A_13 : vector<16xi32>
    %add3A_15 = arith.constant 32768 : i32
    %add3A_16 = vector.broadcast %add3A_15 : i32 to vector<16xi32>
    %add3A_17 = arith.addi %broadcast_in_dim3A_11, %add3A_16 : vector<16xi32>
    %min3A = arith.constant 20000 : i32
    %min3A_18 = vector.broadcast %min3A : i32 to vector<16xi32>
    %min3A_19 = arith.minsi %add3A_14, %min3A_18 : vector<16xi32>
    %sub3A = arith.constant 1 : i32
    %sub3A_20 = vector.broadcast %sub3A : i32 to vector<16xi32>
    %sub3A_21 = arith.subi %min3A_19, %sub3A_20 : vector<16xi32>
    %gather3A = tpu.vector_load_idx %arg7[%sub3A_21] : memref<20000xi32, #tpu.memory_space<vmem>>[vector<16xi32>], vector<16xi32>,
    %min3A_22 = arith.constant 20000 : i32
    %min3A_23 = vector.broadcast %min3A_22 : i32 to vector<16xi32>
    %min3A_24 = arith.minsi %add3A_17, %min3A_23 : vector<16xi32>
    %sub3A_25 = arith.constant 1 : i32
    %sub3A_26 = vector.broadcast %sub3A_25 : i32 to vector<16xi32>
    %sub3A_27 = arith.subi %min3A_24, %sub3A_26 : vector<16xi32>
    %gather3A_28 = tpu.vector_load_idx %arg7[%sub3A_27] : memref<20000xi32, #tpu.memory_space<vmem>>[vector<16xi32>], vector<16xi32>,
    %le3A = arith.constant 20000 : i32
    %le3A_29 = vector.broadcast %le3A : i32 to vector<16xi32>
    %le3A_30 = arith.cmpi sle, %add3A_14, %le3A_29 : vector<16xi32>
    %lt3A = arith.cmpi slt, %gather3A, %add3A_5 : vector<16xi32>
    %and3A = arith.andi %le3A_30, %lt3A : vector<16xi1>
    %select_n3A = arith.select %and3A, %add3A_14, %broadcast_in_dim3A_9 : vector<16xi1>, vector<16xi32>
    %le3A_31 = arith.constant 20000 : i32
    %le3A_32 = vector.broadcast %le3A_31 : i32 to vector<16xi32>
    %le3A_33 = arith.cmpi sle, %add3A_17, %le3A_32 : vector<16xi32>
    %lt3A_34 = arith.cmpi slt, %gather3A_28, %add3A_8 : vector<16xi32>
    %and3A_35 = arith.andi %le3A_33, %lt3A_34 : vector<16xi1>
    %select_n3A_36 = arith.select %and3A_35, %add3A_17, %broadcast_in_dim3A_11 : vector<16xi1>, vector<16xi32>
    %add3A_37 = arith.constant 16384 : i32
    %add3A_38 = vector.broadcast %add3A_37 : i32 to vector<16xi32>
    %add3A_39 = arith.addi %select_n3A, %add3A_38 : vector<16xi32>
    %add3A_40 = arith.constant 16384 : i32
    %add3A_41 = vector.broadcast %add3A_40 : i32 to vector<16xi32>
    %add3A_42 = arith.addi %select_n3A_36, %add3A_41 : vector<16xi32>
    %min3A_43 = arith.constant 20000 : i32
    %min3A_44 = vector.broadcast %min3A_43 : i32 to vector<16xi32>
    %min3A_45 = arith.minsi %add3A_39, %min3A_44 : vector<16xi32>
    %sub3A_46 = arith.constant 1 : i32
    %sub3A_47 = vector.broadcast %sub3A_46 : i32 to vector<16xi32>
    %sub3A_48 = arith.subi %min3A_45, %sub3A_47 : vector<16xi32>
    %gather3A_49 = tpu.vector_load_idx %arg7[%sub3A_48] : memref<20000xi32, #tpu.memory_space<vmem>>[vector<16xi32>], vector<16xi32>,
    %min3A_50 = arith.constant 20000 : i32
    %min3A_51 = vector.broadcast %min3A_50 : i32 to vector<16xi32>
    %min3A_52 = arith.minsi %add3A_42, %min3A_51 : vector<16xi32>
    %sub3A_53 = arith.constant 1 : i32
    %sub3A_54 = vector.broadcast %sub3A_53 : i32 to vector<16xi32>
    %sub3A_55 = arith.subi %min3A_52, %sub3A_54 : vector<16xi32>
    %gather3A_56 = tpu.vector_load_idx %arg7[%sub3A_55] : memref<20000xi32, #tpu.memory_space<vmem>>[vector<16xi32>], vector<16xi32>,
    %le3A_57 = arith.constant 20000 : i32
    %le3A_58 = vector.broadcast %le3A_57 : i32 to vector<16xi32>
    %le3A_59 = arith.cmpi sle, %add3A_39, %le3A_58 : vector<16xi32>
    %lt3A_60 = arith.cmpi slt, %gather3A_49, %add3A_5 : vector<16xi32>
    %and3A_61 = arith.andi %le3A_59, %lt3A_60 : vector<16xi1>
    %select_n3A_62 = arith.select %and3A_61, %add3A_39, %select_n3A : vector<16xi1>, vector<16xi32>
    %le3A_63 = arith.constant 20000 : i32
    %le3A_64 = vector.broadcast %le3A_63 : i32 to vector<16xi32>
    %le3A_65 = arith.cmpi sle, %add3A_42, %le3A_64 : vector<16xi32>
    %lt3A_66 = arith.cmpi slt, %gather3A_56, %add3A_8 : vector<16xi32>
    %and3A_67 = arith.andi %le3A_65, %lt3A_66 : vector<16xi1>
    %select_n3A_68 = arith.select %and3A_67, %add3A_42, %select_n3A_36 : vector<16xi1>, vector<16xi32>
    %add3A_69 = arith.constant 8192 : i32
    %add3A_70 = vector.broadcast %add3A_69 : i32 to vector<16xi32>
    %add3A_71 = arith.addi %select_n3A_62, %add3A_70 : vector<16xi32>
    %add3A_72 = arith.constant 8192 : i32
    %add3A_73 = vector.broadcast %add3A_72 : i32 to vector<16xi32>
    %add3A_74 = arith.addi %select_n3A_68, %add3A_73 : vector<16xi32>
    %min3A_75 = arith.constant 20000 : i32
    %min3A_76 = vector.broadcast %min3A_75 : i32 to vector<16xi32>
    %min3A_77 = arith.minsi %add3A_71, %min3A_76 : vector<16xi32>
    %sub3A_78 = arith.constant 1 : i32
    %sub3A_79 = vector.broadcast %sub3A_78 : i32 to vector<16xi32>
    %sub3A_80 = arith.subi %min3A_77, %sub3A_79 : vector<16xi32>
    %gather3A_81 = tpu.vector_load_idx %arg7[%sub3A_80] : memref<20000xi32, #tpu.memory_space<vmem>>[vector<16xi32>], vector<16xi32>,
    %min3A_82 = arith.constant 20000 : i32
    %min3A_83 = vector.broadcast %min3A_82 : i32 to vector<16xi32>
    %min3A_84 = arith.minsi %add3A_74, %min3A_83 : vector<16xi32>
    %sub3A_85 = arith.constant 1 : i32
    %sub3A_86 = vector.broadcast %sub3A_85 : i32 to vector<16xi32>
    %sub3A_87 = arith.subi %min3A_84, %sub3A_86 : vector<16xi32>
    %gather3A_88 = tpu.vector_load_idx %arg7[%sub3A_87] : memref<20000xi32, #tpu.memory_space<vmem>>[vector<16xi32>], vector<16xi32>,
    %le3A_89 = arith.constant 20000 : i32
    %le3A_90 = vector.broadcast %le3A_89 : i32 to vector<16xi32>
    %le3A_91 = arith.cmpi sle, %add3A_71, %le3A_90 : vector<16xi32>
    %lt3A_92 = arith.cmpi slt, %gather3A_81, %add3A_5 : vector<16xi32>
    %and3A_93 = arith.andi %le3A_91, %lt3A_92 : vector<16xi1>
    %select_n3A_94 = arith.select %and3A_93, %add3A_71, %select_n3A_62 : vector<16xi1>, vector<16xi32>
    %le3A_95 = arith.constant 20000 : i32
    %le3A_96 = vector.broadcast %le3A_95 : i32 to vector<16xi32>
    %le3A_97 = arith.cmpi sle, %add3A_74, %le3A_96 : vector<16xi32>
    %lt3A_98 = arith.cmpi slt, %gather3A_88, %add3A_8 : vector<16xi32>
    %and3A_99 = arith.andi %le3A_97, %lt3A_98 : vector<16xi1>
    %select_n3A_100 = arith.select %and3A_99, %add3A_74, %select_n3A_68 : vector<16xi1>, vector<16xi32>
    %add3A_101 = arith.constant 4096 : i32
    %add3A_102 = vector.broadcast %add3A_101 : i32 to vector<16xi32>
    %add3A_103 = arith.addi %select_n3A_94, %add3A_102 : vector<16xi32>
    %add3A_104 = arith.constant 4096 : i32
    %add3A_105 = vector.broadcast %add3A_104 : i32 to vector<16xi32>
    %add3A_106 = arith.addi %select_n3A_100, %add3A_105 : vector<16xi32>
    %min3A_107 = arith.constant 20000 : i32
    %min3A_108 = vector.broadcast %min3A_107 : i32 to vector<16xi32>
    %min3A_109 = arith.minsi %add3A_103, %min3A_108 : vector<16xi32>
    %sub3A_110 = arith.constant 1 : i32
    %sub3A_111 = vector.broadcast %sub3A_110 : i32 to vector<16xi32>
    %sub3A_112 = arith.subi %min3A_109, %sub3A_111 : vector<16xi32>
    %gather3A_113 = tpu.vector_load_idx %arg7[%sub3A_112] : memref<20000xi32, #tpu.memory_space<vmem>>[vector<16xi32>], vector<16xi32>,
    %min3A_114 = arith.constant 20000 : i32
    %min3A_115 = vector.broadcast %min3A_114 : i32 to vector<16xi32>
    %min3A_116 = arith.minsi %add3A_106, %min3A_115 : vector<16xi32>
    %sub3A_117 = arith.constant 1 : i32
    %sub3A_118 = vector.broadcast %sub3A_117 : i32 to vector<16xi32>
    %sub3A_119 = arith.subi %min3A_116, %sub3A_118 : vector<16xi32>
    %gather3A_120 = tpu.vector_load_idx %arg7[%sub3A_119] : memref<20000xi32, #tpu.memory_space<vmem>>[vector<16xi32>], vector<16xi32>,
    %le3A_121 = arith.constant 20000 : i32
    %le3A_122 = vector.broadcast %le3A_121 : i32 to vector<16xi32>
    %le3A_123 = arith.cmpi sle, %add3A_103, %le3A_122 : vector<16xi32>
    %lt3A_124 = arith.cmpi slt, %gather3A_113, %add3A_5 : vector<16xi32>
    %and3A_125 = arith.andi %le3A_123, %lt3A_124 : vector<16xi1>
    %select_n3A_126 = arith.select %and3A_125, %add3A_103, %select_n3A_94 : vector<16xi1>, vector<16xi32>
    %le3A_127 = arith.constant 20000 : i32
    %le3A_128 = vector.broadcast %le3A_127 : i32 to vector<16xi32>
    %le3A_129 = arith.cmpi sle, %add3A_106, %le3A_128 : vector<16xi32>
    %lt3A_130 = arith.cmpi slt, %gather3A_120, %add3A_8 : vector<16xi32>
    %and3A_131 = arith.andi %le3A_129, %lt3A_130 : vector<16xi1>
    %select_n3A_132 = arith.select %and3A_131, %add3A_106, %select_n3A_100 : vector<16xi1>, vector<16xi32>
    %add3A_133 = arith.constant 2048 : i32
    %add3A_134 = vector.broadcast %add3A_133 : i32 to vector<16xi32>
    %add3A_135 = arith.addi %select_n3A_126, %add3A_134 : vector<16xi32>
    %add3A_136 = arith.constant 2048 : i32
    %add3A_137 = vector.broadcast %add3A_136 : i32 to vector<16xi32>
    %add3A_138 = arith.addi %select_n3A_132, %add3A_137 : vector<16xi32>
    %min3A_139 = arith.constant 20000 : i32
    %min3A_140 = vector.broadcast %min3A_139 : i32 to vector<16xi32>
    %min3A_141 = arith.minsi %add3A_135, %min3A_140 : vector<16xi32>
    %sub3A_142 = arith.constant 1 : i32
    %sub3A_143 = vector.broadcast %sub3A_142 : i32 to vector<16xi32>
    %sub3A_144 = arith.subi %min3A_141, %sub3A_143 : vector<16xi32>
    %gather3A_145 = tpu.vector_load_idx %arg7[%sub3A_144] : memref<20000xi32, #tpu.memory_space<vmem>>[vector<16xi32>], vector<16xi32>,
    %min3A_146 = arith.constant 20000 : i32
    %min3A_147 = vector.broadcast %min3A_146 : i32 to vector<16xi32>
    %min3A_148 = arith.minsi %add3A_138, %min3A_147 : vector<16xi32>
    %sub3A_149 = arith.constant 1 : i32
    %sub3A_150 = vector.broadcast %sub3A_149 : i32 to vector<16xi32>
    %sub3A_151 = arith.subi %min3A_148, %sub3A_150 : vector<16xi32>
    %gather3A_152 = tpu.vector_load_idx %arg7[%sub3A_151] : memref<20000xi32, #tpu.memory_space<vmem>>[vector<16xi32>], vector<16xi32>,
    %le3A_153 = arith.constant 20000 : i32
    %le3A_154 = vector.broadcast %le3A_153 : i32 to vector<16xi32>
    %le3A_155 = arith.cmpi sle, %add3A_135, %le3A_154 : vector<16xi32>
    %lt3A_156 = arith.cmpi slt, %gather3A_145, %add3A_5 : vector<16xi32>
    %and3A_157 = arith.andi %le3A_155, %lt3A_156 : vector<16xi1>
    %select_n3A_158 = arith.select %and3A_157, %add3A_135, %select_n3A_126 : vector<16xi1>, vector<16xi32>
    %le3A_159 = arith.constant 20000 : i32
    %le3A_160 = vector.broadcast %le3A_159 : i32 to vector<16xi32>
    %le3A_161 = arith.cmpi sle, %add3A_138, %le3A_160 : vector<16xi32>
    %lt3A_162 = arith.cmpi slt, %gather3A_152, %add3A_8 : vector<16xi32>
    %and3A_163 = arith.andi %le3A_161, %lt3A_162 : vector<16xi1>
    %select_n3A_164 = arith.select %and3A_163, %add3A_138, %select_n3A_132 : vector<16xi1>, vector<16xi32>
    %add3A_165 = arith.constant 1024 : i32
    %add3A_166 = vector.broadcast %add3A_165 : i32 to vector<16xi32>
    %add3A_167 = arith.addi %select_n3A_158, %add3A_166 : vector<16xi32>
    %add3A_168 = arith.constant 1024 : i32
    %add3A_169 = vector.broadcast %add3A_168 : i32 to vector<16xi32>
    %add3A_170 = arith.addi %select_n3A_164, %add3A_169 : vector<16xi32>
    %min3A_171 = arith.constant 20000 : i32
    %min3A_172 = vector.broadcast %min3A_171 : i32 to vector<16xi32>
    %min3A_173 = arith.minsi %add3A_167, %min3A_172 : vector<16xi32>
    %sub3A_174 = arith.constant 1 : i32
    %sub3A_175 = vector.broadcast %sub3A_174 : i32 to vector<16xi32>
    %sub3A_176 = arith.subi %min3A_173, %sub3A_175 : vector<16xi32>
    %gather3A_177 = tpu.vector_load_idx %arg7[%sub3A_176] : memref<20000xi32, #tpu.memory_space<vmem>>[vector<16xi32>], vector<16xi32>,
    %min3A_178 = arith.constant 20000 : i32
    %min3A_179 = vector.broadcast %min3A_178 : i32 to vector<16xi32>
    %min3A_180 = arith.minsi %add3A_170, %min3A_179 : vector<16xi32>
    %sub3A_181 = arith.constant 1 : i32
    %sub3A_182 = vector.broadcast %sub3A_181 : i32 to vector<16xi32>
    %sub3A_183 = arith.subi %min3A_180, %sub3A_182 : vector<16xi32>
    %gather3A_184 = tpu.vector_load_idx %arg7[%sub3A_183] : memref<20000xi32, #tpu.memory_space<vmem>>[vector<16xi32>], vector<16xi32>,
    %le3A_185 = arith.constant 20000 : i32
    %le3A_186 = vector.broadcast %le3A_185 : i32 to vector<16xi32>
    %le3A_187 = arith.cmpi sle, %add3A_167, %le3A_186 : vector<16xi32>
    %lt3A_188 = arith.cmpi slt, %gather3A_177, %add3A_5 : vector<16xi32>
    %and3A_189 = arith.andi %le3A_187, %lt3A_188 : vector<16xi1>
    %select_n3A_190 = arith.select %and3A_189, %add3A_167, %select_n3A_158 : vector<16xi1>, vector<16xi32>
    %le3A_191 = arith.constant 20000 : i32
    %le3A_192 = vector.broadcast %le3A_191 : i32 to vector<16xi32>
    %le3A_193 = arith.cmpi sle, %add3A_170, %le3A_192 : vector<16xi32>
    %lt3A_194 = arith.cmpi slt, %gather3A_184, %add3A_8 : vector<16xi32>
    %and3A_195 = arith.andi %le3A_193, %lt3A_194 : vector<16xi1>
    %select_n3A_196 = arith.select %and3A_195, %add3A_170, %select_n3A_164 : vector<16xi1>, vector<16xi32>
    %add3A_197 = arith.constant 512 : i32
    %add3A_198 = vector.broadcast %add3A_197 : i32 to vector<16xi32>
    %add3A_199 = arith.addi %select_n3A_190, %add3A_198 : vector<16xi32>
    %add3A_200 = arith.constant 512 : i32
    %add3A_201 = vector.broadcast %add3A_200 : i32 to vector<16xi32>
    %add3A_202 = arith.addi %select_n3A_196, %add3A_201 : vector<16xi32>
    %min3A_203 = arith.constant 20000 : i32
    %min3A_204 = vector.broadcast %min3A_203 : i32 to vector<16xi32>
    %min3A_205 = arith.minsi %add3A_199, %min3A_204 : vector<16xi32>
    %sub3A_206 = arith.constant 1 : i32
    %sub3A_207 = vector.broadcast %sub3A_206 : i32 to vector<16xi32>
    %sub3A_208 = arith.subi %min3A_205, %sub3A_207 : vector<16xi32>
    %gather3A_209 = tpu.vector_load_idx %arg7[%sub3A_208] : memref<20000xi32, #tpu.memory_space<vmem>>[vector<16xi32>], vector<16xi32>,
    %min3A_210 = arith.constant 20000 : i32
    %min3A_211 = vector.broadcast %min3A_210 : i32 to vector<16xi32>
    %min3A_212 = arith.minsi %add3A_202, %min3A_211 : vector<16xi32>
    %sub3A_213 = arith.constant 1 : i32
    %sub3A_214 = vector.broadcast %sub3A_213 : i32 to vector<16xi32>
    %sub3A_215 = arith.subi %min3A_212, %sub3A_214 : vector<16xi32>
    %gather3A_216 = tpu.vector_load_idx %arg7[%sub3A_215] : memref<20000xi32, #tpu.memory_space<vmem>>[vector<16xi32>], vector<16xi32>,
    %le3A_217 = arith.constant 20000 : i32
    %le3A_218 = vector.broadcast %le3A_217 : i32 to vector<16xi32>
    %le3A_219 = arith.cmpi sle, %add3A_199, %le3A_218 : vector<16xi32>
    %lt3A_220 = arith.cmpi slt, %gather3A_209, %add3A_5 : vector<16xi32>
    %and3A_221 = arith.andi %le3A_219, %lt3A_220 : vector<16xi1>
    %select_n3A_222 = arith.select %and3A_221, %add3A_199, %select_n3A_190 : vector<16xi1>, vector<16xi32>
    %le3A_223 = arith.constant 20000 : i32
    %le3A_224 = vector.broadcast %le3A_223 : i32 to vector<16xi32>
    %le3A_225 = arith.cmpi sle, %add3A_202, %le3A_224 : vector<16xi32>
    %lt3A_226 = arith.cmpi slt, %gather3A_216, %add3A_8 : vector<16xi32>
    %and3A_227 = arith.andi %le3A_225, %lt3A_226 : vector<16xi1>
    %select_n3A_228 = arith.select %and3A_227, %add3A_202, %select_n3A_196 : vector<16xi1>, vector<16xi32>
    %add3A_229 = arith.constant 256 : i32
    %add3A_230 = vector.broadcast %add3A_229 : i32 to vector<16xi32>
    %add3A_231 = arith.addi %select_n3A_222, %add3A_230 : vector<16xi32>
    %add3A_232 = arith.constant 256 : i32
    %add3A_233 = vector.broadcast %add3A_232 : i32 to vector<16xi32>
    %add3A_234 = arith.addi %select_n3A_228, %add3A_233 : vector<16xi32>
    %min3A_235 = arith.constant 20000 : i32
    %min3A_236 = vector.broadcast %min3A_235 : i32 to vector<16xi32>
    %min3A_237 = arith.minsi %add3A_231, %min3A_236 : vector<16xi32>
    %sub3A_238 = arith.constant 1 : i32
    %sub3A_239 = vector.broadcast %sub3A_238 : i32 to vector<16xi32>
    %sub3A_240 = arith.subi %min3A_237, %sub3A_239 : vector<16xi32>
    %gather3A_241 = tpu.vector_load_idx %arg7[%sub3A_240] : memref<20000xi32, #tpu.memory_space<vmem>>[vector<16xi32>], vector<16xi32>,
    %min3A_242 = arith.constant 20000 : i32
    %min3A_243 = vector.broadcast %min3A_242 : i32 to vector<16xi32>
    %min3A_244 = arith.minsi %add3A_234, %min3A_243 : vector<16xi32>
    %sub3A_245 = arith.constant 1 : i32
    %sub3A_246 = vector.broadcast %sub3A_245 : i32 to vector<16xi32>
    %sub3A_247 = arith.subi %min3A_244, %sub3A_246 : vector<16xi32>
    %gather3A_248 = tpu.vector_load_idx %arg7[%sub3A_247] : memref<20000xi32, #tpu.memory_space<vmem>>[vector<16xi32>], vector<16xi32>,
    %le3A_249 = arith.constant 20000 : i32
    %le3A_250 = vector.broadcast %le3A_249 : i32 to vector<16xi32>
    %le3A_251 = arith.cmpi sle, %add3A_231, %le3A_250 : vector<16xi32>
    %lt3A_252 = arith.cmpi slt, %gather3A_241, %add3A_5 : vector<16xi32>
    %and3A_253 = arith.andi %le3A_251, %lt3A_252 : vector<16xi1>
    %select_n3A_254 = arith.select %and3A_253, %add3A_231, %select_n3A_222 : vector<16xi1>, vector<16xi32>
    %le3A_255 = arith.constant 20000 : i32
    %le3A_256 = vector.broadcast %le3A_255 : i32 to vector<16xi32>
    %le3A_257 = arith.cmpi sle, %add3A_234, %le3A_256 : vector<16xi32>
    %lt3A_258 = arith.cmpi slt, %gather3A_248, %add3A_8 : vector<16xi32>
    %and3A_259 = arith.andi %le3A_257, %lt3A_258 : vector<16xi1>
    %select_n3A_260 = arith.select %and3A_259, %add3A_234, %select_n3A_228 : vector<16xi1>, vector<16xi32>
    %add3A_261 = arith.constant 128 : i32
    %add3A_262 = vector.broadcast %add3A_261 : i32 to vector<16xi32>
    %add3A_263 = arith.addi %select_n3A_254, %add3A_262 : vector<16xi32>
    %add3A_264 = arith.constant 128 : i32
    %add3A_265 = vector.broadcast %add3A_264 : i32 to vector<16xi32>
    %add3A_266 = arith.addi %select_n3A_260, %add3A_265 : vector<16xi32>
    %min3A_267 = arith.constant 20000 : i32
    %min3A_268 = vector.broadcast %min3A_267 : i32 to vector<16xi32>
    %min3A_269 = arith.minsi %add3A_263, %min3A_268 : vector<16xi32>
    %sub3A_270 = arith.constant 1 : i32
    %sub3A_271 = vector.broadcast %sub3A_270 : i32 to vector<16xi32>
    %sub3A_272 = arith.subi %min3A_269, %sub3A_271 : vector<16xi32>
    %gather3A_273 = tpu.vector_load_idx %arg7[%sub3A_272] : memref<20000xi32, #tpu.memory_space<vmem>>[vector<16xi32>], vector<16xi32>,
    %min3A_274 = arith.constant 20000 : i32
    %min3A_275 = vector.broadcast %min3A_274 : i32 to vector<16xi32>
    %min3A_276 = arith.minsi %add3A_266, %min3A_275 : vector<16xi32>
    %sub3A_277 = arith.constant 1 : i32
    %sub3A_278 = vector.broadcast %sub3A_277 : i32 to vector<16xi32>
    %sub3A_279 = arith.subi %min3A_276, %sub3A_278 : vector<16xi32>
    %gather3A_280 = tpu.vector_load_idx %arg7[%sub3A_279] : memref<20000xi32, #tpu.memory_space<vmem>>[vector<16xi32>], vector<16xi32>,
    %le3A_281 = arith.constant 20000 : i32
    %le3A_282 = vector.broadcast %le3A_281 : i32 to vector<16xi32>
    %le3A_283 = arith.cmpi sle, %add3A_263, %le3A_282 : vector<16xi32>
    %lt3A_284 = arith.cmpi slt, %gather3A_273, %add3A_5 : vector<16xi32>
    %and3A_285 = arith.andi %le3A_283, %lt3A_284 : vector<16xi1>
    %select_n3A_286 = arith.select %and3A_285, %add3A_263, %select_n3A_254 : vector<16xi1>, vector<16xi32>
    %le3A_287 = arith.constant 20000 : i32
    %le3A_288 = vector.broadcast %le3A_287 : i32 to vector<16xi32>
    %le3A_289 = arith.cmpi sle, %add3A_266, %le3A_288 : vector<16xi32>
    %lt3A_290 = arith.cmpi slt, %gather3A_280, %add3A_8 : vector<16xi32>
    %and3A_291 = arith.andi %le3A_289, %lt3A_290 : vector<16xi1>
    %select_n3A_292 = arith.select %and3A_291, %add3A_266, %select_n3A_260 : vector<16xi1>, vector<16xi32>
    %add3A_293 = arith.constant 64 : i32
    %add3A_294 = vector.broadcast %add3A_293 : i32 to vector<16xi32>
    %add3A_295 = arith.addi %select_n3A_286, %add3A_294 : vector<16xi32>
    %add3A_296 = arith.constant 64 : i32
    %add3A_297 = vector.broadcast %add3A_296 : i32 to vector<16xi32>
    %add3A_298 = arith.addi %select_n3A_292, %add3A_297 : vector<16xi32>
    %min3A_299 = arith.constant 20000 : i32
    %min3A_300 = vector.broadcast %min3A_299 : i32 to vector<16xi32>
    %min3A_301 = arith.minsi %add3A_295, %min3A_300 : vector<16xi32>
    %sub3A_302 = arith.constant 1 : i32
    %sub3A_303 = vector.broadcast %sub3A_302 : i32 to vector<16xi32>
    %sub3A_304 = arith.subi %min3A_301, %sub3A_303 : vector<16xi32>
    %gather3A_305 = tpu.vector_load_idx %arg7[%sub3A_304] : memref<20000xi32, #tpu.memory_space<vmem>>[vector<16xi32>], vector<16xi32>,
    %min3A_306 = arith.constant 20000 : i32
    %min3A_307 = vector.broadcast %min3A_306 : i32 to vector<16xi32>
    %min3A_308 = arith.minsi %add3A_298, %min3A_307 : vector<16xi32>
    %sub3A_309 = arith.constant 1 : i32
    %sub3A_310 = vector.broadcast %sub3A_309 : i32 to vector<16xi32>
    %sub3A_311 = arith.subi %min3A_308, %sub3A_310 : vector<16xi32>
    %gather3A_312 = tpu.vector_load_idx %arg7[%sub3A_311] : memref<20000xi32, #tpu.memory_space<vmem>>[vector<16xi32>], vector<16xi32>,
    %le3A_313 = arith.constant 20000 : i32
    %le3A_314 = vector.broadcast %le3A_313 : i32 to vector<16xi32>
    %le3A_315 = arith.cmpi sle, %add3A_295, %le3A_314 : vector<16xi32>
    %lt3A_316 = arith.cmpi slt, %gather3A_305, %add3A_5 : vector<16xi32>
    %and3A_317 = arith.andi %le3A_315, %lt3A_316 : vector<16xi1>
    %select_n3A_318 = arith.select %and3A_317, %add3A_295, %select_n3A_286 : vector<16xi1>, vector<16xi32>
    %le3A_319 = arith.constant 20000 : i32
    %le3A_320 = vector.broadcast %le3A_319 : i32 to vector<16xi32>
    %le3A_321 = arith.cmpi sle, %add3A_298, %le3A_320 : vector<16xi32>
    %lt3A_322 = arith.cmpi slt, %gather3A_312, %add3A_8 : vector<16xi32>
    %and3A_323 = arith.andi %le3A_321, %lt3A_322 : vector<16xi1>
    %select_n3A_324 = arith.select %and3A_323, %add3A_298, %select_n3A_292 : vector<16xi1>, vector<16xi32>
    %add3A_325 = arith.constant 32 : i32
    %add3A_326 = vector.broadcast %add3A_325 : i32 to vector<16xi32>
    %add3A_327 = arith.addi %select_n3A_318, %add3A_326 : vector<16xi32>
    %add3A_328 = arith.constant 32 : i32
    %add3A_329 = vector.broadcast %add3A_328 : i32 to vector<16xi32>
    %add3A_330 = arith.addi %select_n3A_324, %add3A_329 : vector<16xi32>
    %min3A_331 = arith.constant 20000 : i32
    %min3A_332 = vector.broadcast %min3A_331 : i32 to vector<16xi32>
    %min3A_333 = arith.minsi %add3A_327, %min3A_332 : vector<16xi32>
    %sub3A_334 = arith.constant 1 : i32
    %sub3A_335 = vector.broadcast %sub3A_334 : i32 to vector<16xi32>
    %sub3A_336 = arith.subi %min3A_333, %sub3A_335 : vector<16xi32>
    %gather3A_337 = tpu.vector_load_idx %arg7[%sub3A_336] : memref<20000xi32, #tpu.memory_space<vmem>>[vector<16xi32>], vector<16xi32>,
    %min3A_338 = arith.constant 20000 : i32
    %min3A_339 = vector.broadcast %min3A_338 : i32 to vector<16xi32>
    %min3A_340 = arith.minsi %add3A_330, %min3A_339 : vector<16xi32>
    %sub3A_341 = arith.constant 1 : i32
    %sub3A_342 = vector.broadcast %sub3A_341 : i32 to vector<16xi32>
    %sub3A_343 = arith.subi %min3A_340, %sub3A_342 : vector<16xi32>
    %gather3A_344 = tpu.vector_load_idx %arg7[%sub3A_343] : memref<20000xi32, #tpu.memory_space<vmem>>[vector<16xi32>], vector<16xi32>,
    %le3A_345 = arith.constant 20000 : i32
    %le3A_346 = vector.broadcast %le3A_345 : i32 to vector<16xi32>
    %le3A_347 = arith.cmpi sle, %add3A_327, %le3A_346 : vector<16xi32>
    %lt3A_348 = arith.cmpi slt, %gather3A_337, %add3A_5 : vector<16xi32>
    %and3A_349 = arith.andi %le3A_347, %lt3A_348 : vector<16xi1>
    %select_n3A_350 = arith.select %and3A_349, %add3A_327, %select_n3A_318 : vector<16xi1>, vector<16xi32>
    %le3A_351 = arith.constant 20000 : i32
    %le3A_352 = vector.broadcast %le3A_351 : i32 to vector<16xi32>
    %le3A_353 = arith.cmpi sle, %add3A_330, %le3A_352 : vector<16xi32>
    %lt3A_354 = arith.cmpi slt, %gather3A_344, %add3A_8 : vector<16xi32>
    %and3A_355 = arith.andi %le3A_353, %lt3A_354 : vector<16xi1>
    %select_n3A_356 = arith.select %and3A_355, %add3A_330, %select_n3A_324 : vector<16xi1>, vector<16xi32>
    %add3A_357 = arith.constant 16 : i32
    %add3A_358 = vector.broadcast %add3A_357 : i32 to vector<16xi32>
    %add3A_359 = arith.addi %select_n3A_350, %add3A_358 : vector<16xi32>
    %add3A_360 = arith.constant 16 : i32
    %add3A_361 = vector.broadcast %add3A_360 : i32 to vector<16xi32>
    %add3A_362 = arith.addi %select_n3A_356, %add3A_361 : vector<16xi32>
    %min3A_363 = arith.constant 20000 : i32
    %min3A_364 = vector.broadcast %min3A_363 : i32 to vector<16xi32>
    %min3A_365 = arith.minsi %add3A_359, %min3A_364 : vector<16xi32>
    %sub3A_366 = arith.constant 1 : i32
    %sub3A_367 = vector.broadcast %sub3A_366 : i32 to vector<16xi32>
    %sub3A_368 = arith.subi %min3A_365, %sub3A_367 : vector<16xi32>
    %gather3A_369 = tpu.vector_load_idx %arg7[%sub3A_368] : memref<20000xi32, #tpu.memory_space<vmem>>[vector<16xi32>], vector<16xi32>,
    %min3A_370 = arith.constant 20000 : i32
    %min3A_371 = vector.broadcast %min3A_370 : i32 to vector<16xi32>
    %min3A_372 = arith.minsi %add3A_362, %min3A_371 : vector<16xi32>
    %sub3A_373 = arith.constant 1 : i32
    %sub3A_374 = vector.broadcast %sub3A_373 : i32 to vector<16xi32>
    %sub3A_375 = arith.subi %min3A_372, %sub3A_374 : vector<16xi32>
    %gather3A_376 = tpu.vector_load_idx %arg7[%sub3A_375] : memref<20000xi32, #tpu.memory_space<vmem>>[vector<16xi32>], vector<16xi32>,
    %le3A_377 = arith.constant 20000 : i32
    %le3A_378 = vector.broadcast %le3A_377 : i32 to vector<16xi32>
    %le3A_379 = arith.cmpi sle, %add3A_359, %le3A_378 : vector<16xi32>
    %lt3A_380 = arith.cmpi slt, %gather3A_369, %add3A_5 : vector<16xi32>
    %and3A_381 = arith.andi %le3A_379, %lt3A_380 : vector<16xi1>
    %select_n3A_382 = arith.select %and3A_381, %add3A_359, %select_n3A_350 : vector<16xi1>, vector<16xi32>
    %le3A_383 = arith.constant 20000 : i32
    %le3A_384 = vector.broadcast %le3A_383 : i32 to vector<16xi32>
    %le3A_385 = arith.cmpi sle, %add3A_362, %le3A_384 : vector<16xi32>
    %lt3A_386 = arith.cmpi slt, %gather3A_376, %add3A_8 : vector<16xi32>
    %and3A_387 = arith.andi %le3A_385, %lt3A_386 : vector<16xi1>
    %select_n3A_388 = arith.select %and3A_387, %add3A_362, %select_n3A_356 : vector<16xi1>, vector<16xi32>
    %add3A_389 = arith.constant 8 : i32
    %add3A_390 = vector.broadcast %add3A_389 : i32 to vector<16xi32>
    %add3A_391 = arith.addi %select_n3A_382, %add3A_390 : vector<16xi32>
    %add3A_392 = arith.constant 8 : i32
    %add3A_393 = vector.broadcast %add3A_392 : i32 to vector<16xi32>
    %add3A_394 = arith.addi %select_n3A_388, %add3A_393 : vector<16xi32>
    %min3A_395 = arith.constant 20000 : i32
    %min3A_396 = vector.broadcast %min3A_395 : i32 to vector<16xi32>
    %min3A_397 = arith.minsi %add3A_391, %min3A_396 : vector<16xi32>
    %sub3A_398 = arith.constant 1 : i32
    %sub3A_399 = vector.broadcast %sub3A_398 : i32 to vector<16xi32>
    %sub3A_400 = arith.subi %min3A_397, %sub3A_399 : vector<16xi32>
    %gather3A_401 = tpu.vector_load_idx %arg7[%sub3A_400] : memref<20000xi32, #tpu.memory_space<vmem>>[vector<16xi32>], vector<16xi32>,
    %min3A_402 = arith.constant 20000 : i32
    %min3A_403 = vector.broadcast %min3A_402 : i32 to vector<16xi32>
    %min3A_404 = arith.minsi %add3A_394, %min3A_403 : vector<16xi32>
    %sub3A_405 = arith.constant 1 : i32
    %sub3A_406 = vector.broadcast %sub3A_405 : i32 to vector<16xi32>
    %sub3A_407 = arith.subi %min3A_404, %sub3A_406 : vector<16xi32>
    %gather3A_408 = tpu.vector_load_idx %arg7[%sub3A_407] : memref<20000xi32, #tpu.memory_space<vmem>>[vector<16xi32>], vector<16xi32>,
    %le3A_409 = arith.constant 20000 : i32
    %le3A_410 = vector.broadcast %le3A_409 : i32 to vector<16xi32>
    %le3A_411 = arith.cmpi sle, %add3A_391, %le3A_410 : vector<16xi32>
    %lt3A_412 = arith.cmpi slt, %gather3A_401, %add3A_5 : vector<16xi32>
    %and3A_413 = arith.andi %le3A_411, %lt3A_412 : vector<16xi1>
    %select_n3A_414 = arith.select %and3A_413, %add3A_391, %select_n3A_382 : vector<16xi1>, vector<16xi32>
    %le3A_415 = arith.constant 20000 : i32
    %le3A_416 = vector.broadcast %le3A_415 : i32 to vector<16xi32>
    %le3A_417 = arith.cmpi sle, %add3A_394, %le3A_416 : vector<16xi32>
    %lt3A_418 = arith.cmpi slt, %gather3A_408, %add3A_8 : vector<16xi32>
    %and3A_419 = arith.andi %le3A_417, %lt3A_418 : vector<16xi1>
    %select_n3A_420 = arith.select %and3A_419, %add3A_394, %select_n3A_388 : vector<16xi1>, vector<16xi32>
    %add3A_421 = arith.constant 4 : i32
    %add3A_422 = vector.broadcast %add3A_421 : i32 to vector<16xi32>
    %add3A_423 = arith.addi %select_n3A_414, %add3A_422 : vector<16xi32>
    %add3A_424 = arith.constant 4 : i32
    %add3A_425 = vector.broadcast %add3A_424 : i32 to vector<16xi32>
    %add3A_426 = arith.addi %select_n3A_420, %add3A_425 : vector<16xi32>
    %min3A_427 = arith.constant 20000 : i32
    %min3A_428 = vector.broadcast %min3A_427 : i32 to vector<16xi32>
    %min3A_429 = arith.minsi %add3A_423, %min3A_428 : vector<16xi32>
    %sub3A_430 = arith.constant 1 : i32
    %sub3A_431 = vector.broadcast %sub3A_430 : i32 to vector<16xi32>
    %sub3A_432 = arith.subi %min3A_429, %sub3A_431 : vector<16xi32>
    %gather3A_433 = tpu.vector_load_idx %arg7[%sub3A_432] : memref<20000xi32, #tpu.memory_space<vmem>>[vector<16xi32>], vector<16xi32>,
    %min3A_434 = arith.constant 20000 : i32
    %min3A_435 = vector.broadcast %min3A_434 : i32 to vector<16xi32>
    %min3A_436 = arith.minsi %add3A_426, %min3A_435 : vector<16xi32>
    %sub3A_437 = arith.constant 1 : i32
    %sub3A_438 = vector.broadcast %sub3A_437 : i32 to vector<16xi32>
    %sub3A_439 = arith.subi %min3A_436, %sub3A_438 : vector<16xi32>
    %gather3A_440 = tpu.vector_load_idx %arg7[%sub3A_439] : memref<20000xi32, #tpu.memory_space<vmem>>[vector<16xi32>], vector<16xi32>,
    %le3A_441 = arith.constant 20000 : i32
    %le3A_442 = vector.broadcast %le3A_441 : i32 to vector<16xi32>
    %le3A_443 = arith.cmpi sle, %add3A_423, %le3A_442 : vector<16xi32>
    %lt3A_444 = arith.cmpi slt, %gather3A_433, %add3A_5 : vector<16xi32>
    %and3A_445 = arith.andi %le3A_443, %lt3A_444 : vector<16xi1>
    %select_n3A_446 = arith.select %and3A_445, %add3A_423, %select_n3A_414 : vector<16xi1>, vector<16xi32>
    %le3A_447 = arith.constant 20000 : i32
    %le3A_448 = vector.broadcast %le3A_447 : i32 to vector<16xi32>
    %le3A_449 = arith.cmpi sle, %add3A_426, %le3A_448 : vector<16xi32>
    %lt3A_450 = arith.cmpi slt, %gather3A_440, %add3A_8 : vector<16xi32>
    %and3A_451 = arith.andi %le3A_449, %lt3A_450 : vector<16xi1>
    %select_n3A_452 = arith.select %and3A_451, %add3A_426, %select_n3A_420 : vector<16xi1>, vector<16xi32>
    %add3A_453 = arith.constant 2 : i32
    %add3A_454 = vector.broadcast %add3A_453 : i32 to vector<16xi32>
    %add3A_455 = arith.addi %select_n3A_446, %add3A_454 : vector<16xi32>
    %add3A_456 = arith.constant 2 : i32
    %add3A_457 = vector.broadcast %add3A_456 : i32 to vector<16xi32>
    %add3A_458 = arith.addi %select_n3A_452, %add3A_457 : vector<16xi32>
    %min3A_459 = arith.constant 20000 : i32
    %min3A_460 = vector.broadcast %min3A_459 : i32 to vector<16xi32>
    %min3A_461 = arith.minsi %add3A_455, %min3A_460 : vector<16xi32>
    %sub3A_462 = arith.constant 1 : i32
    %sub3A_463 = vector.broadcast %sub3A_462 : i32 to vector<16xi32>
    %sub3A_464 = arith.subi %min3A_461, %sub3A_463 : vector<16xi32>
    %gather3A_465 = tpu.vector_load_idx %arg7[%sub3A_464] : memref<20000xi32, #tpu.memory_space<vmem>>[vector<16xi32>], vector<16xi32>,
    %min3A_466 = arith.constant 20000 : i32
    %min3A_467 = vector.broadcast %min3A_466 : i32 to vector<16xi32>
    %min3A_468 = arith.minsi %add3A_458, %min3A_467 : vector<16xi32>
    %sub3A_469 = arith.constant 1 : i32
    %sub3A_470 = vector.broadcast %sub3A_469 : i32 to vector<16xi32>
    %sub3A_471 = arith.subi %min3A_468, %sub3A_470 : vector<16xi32>
    %gather3A_472 = tpu.vector_load_idx %arg7[%sub3A_471] : memref<20000xi32, #tpu.memory_space<vmem>>[vector<16xi32>], vector<16xi32>,
    %le3A_473 = arith.constant 20000 : i32
    %le3A_474 = vector.broadcast %le3A_473 : i32 to vector<16xi32>
    %le3A_475 = arith.cmpi sle, %add3A_455, %le3A_474 : vector<16xi32>
    %lt3A_476 = arith.cmpi slt, %gather3A_465, %add3A_5 : vector<16xi32>
    %and3A_477 = arith.andi %le3A_475, %lt3A_476 : vector<16xi1>
    %select_n3A_478 = arith.select %and3A_477, %add3A_455, %select_n3A_446 : vector<16xi1>, vector<16xi32>
    %le3A_479 = arith.constant 20000 : i32
    %le3A_480 = vector.broadcast %le3A_479 : i32 to vector<16xi32>
    %le3A_481 = arith.cmpi sle, %add3A_458, %le3A_480 : vector<16xi32>
    %lt3A_482 = arith.cmpi slt, %gather3A_472, %add3A_8 : vector<16xi32>
    %and3A_483 = arith.andi %le3A_481, %lt3A_482 : vector<16xi1>
    %select_n3A_484 = arith.select %and3A_483, %add3A_458, %select_n3A_452 : vector<16xi1>, vector<16xi32>
    %add3A_485 = arith.constant 1 : i32
    %add3A_486 = vector.broadcast %add3A_485 : i32 to vector<16xi32>
    %add3A_487 = arith.addi %select_n3A_478, %add3A_486 : vector<16xi32>
    %add3A_488 = arith.constant 1 : i32
    %add3A_489 = vector.broadcast %add3A_488 : i32 to vector<16xi32>
    %add3A_490 = arith.addi %select_n3A_484, %add3A_489 : vector<16xi32>
    %min3A_491 = arith.constant 20000 : i32
    %min3A_492 = vector.broadcast %min3A_491 : i32 to vector<16xi32>
    %min3A_493 = arith.minsi %add3A_487, %min3A_492 : vector<16xi32>
    %sub3A_494 = arith.constant 1 : i32
    %sub3A_495 = vector.broadcast %sub3A_494 : i32 to vector<16xi32>
    %sub3A_496 = arith.subi %min3A_493, %sub3A_495 : vector<16xi32>
    %gather3A_497 = tpu.vector_load_idx %arg7[%sub3A_496] : memref<20000xi32, #tpu.memory_space<vmem>>[vector<16xi32>], vector<16xi32>,
    %min3A_498 = arith.constant 20000 : i32
    %min3A_499 = vector.broadcast %min3A_498 : i32 to vector<16xi32>
    %min3A_500 = arith.minsi %add3A_490, %min3A_499 : vector<16xi32>
    %sub3A_501 = arith.constant 1 : i32
    %sub3A_502 = vector.broadcast %sub3A_501 : i32 to vector<16xi32>
    %sub3A_503 = arith.subi %min3A_500, %sub3A_502 : vector<16xi32>
    %gather3A_504 = tpu.vector_load_idx %arg7[%sub3A_503] : memref<20000xi32, #tpu.memory_space<vmem>>[vector<16xi32>], vector<16xi32>,
    %le3A_505 = arith.constant 20000 : i32
    %le3A_506 = vector.broadcast %le3A_505 : i32 to vector<16xi32>
    %le3A_507 = arith.cmpi sle, %add3A_487, %le3A_506 : vector<16xi32>
    %lt3A_508 = arith.cmpi slt, %gather3A_497, %add3A_5 : vector<16xi32>
    %and3A_509 = arith.andi %le3A_507, %lt3A_508 : vector<16xi1>
    %select_n3A_510 = arith.select %and3A_509, %add3A_487, %select_n3A_478 : vector<16xi1>, vector<16xi32>
    %le3A_511 = arith.constant 20000 : i32
    %le3A_512 = vector.broadcast %le3A_511 : i32 to vector<16xi32>
    %le3A_513 = arith.cmpi sle, %add3A_490, %le3A_512 : vector<16xi32>
    %lt3A_514 = arith.cmpi slt, %gather3A_504, %add3A_8 : vector<16xi32>
    %and3A_515 = arith.andi %le3A_513, %lt3A_514 : vector<16xi1>
    %select_n3A_516 = arith.select %and3A_515, %add3A_490, %select_n3A_484 : vector<16xi1>, vector<16xi32>
    %swap3A = arith.constant 0 : index
    %swap3A_517 = tpu.vector_load %arg11[%swap3A] {strides = array<i32>} : memref<32xi32, #tpu.memory_space<vmem>>, vector<16xi32>,
    tpu.vector_store %arg11[%swap3A], %select_n3A_510 {strides = array<i32>} : memref<32xi32, #tpu.memory_space<vmem>>, vector<16xi32>,
    %swap3A_518 = arith.constant 16 : index
    %swap3A_519 = tpu.vector_load %arg11[%swap3A_518] {strides = array<i32>} : memref<32xi32, #tpu.memory_space<vmem>>, vector<16xi32>,
    tpu.vector_store %arg11[%swap3A_518], %select_n3A_516 {strides = array<i32>} : memref<32xi32, #tpu.memory_space<vmem>>, vector<16xi32>,
    %mul3A_520 = arith.constant 16 : i32
    %mul3A_521 = arith.muli %arg0, %mul3A_520 : i32
    %add3A_522 = arith.addi %mul3A_521, %arg1 : i32
    "tpu.region"() ({
      %run_scoped3A = tpu.sem_alloc : memref<!tpu.dma_semaphore, #tpu.memory_space<semaphore_mem>>
      %dma_start3A = arith.constant 0 : i32
      %dma_start3A_751 = tpu.memref_slice %arg6[%add3A_522, %dma_start3A] : memref<32x32xi32, #tpu.memory_space<hbm>> -> memref<1x32xi32, #tpu.memory_space<hbm>>
      %dma_start3A_752 = tpu.memref_squeeze %dma_start3A_751 : memref<1x32xi32, #tpu.memory_space<hbm>> -> memref<32xi32, #tpu.memory_space<hbm>>
      %dma_start3A_753 = arith.constant 0 : i32
      %dma_start3A_754 = tpu.memref_slice %arg6[%add3A_522, %dma_start3A_753] : memref<32x32xi32, #tpu.memory_space<hbm>> -> memref<1x32xi32, #tpu.memory_space<hbm>>
      %dma_start3A_755 = tpu.memref_squeeze %dma_start3A_754 : memref<1x32xi32, #tpu.memory_space<hbm>> -> memref<32xi32, #tpu.memory_space<hbm>>
      tpu.enqueue_dma source(%arg11 : memref<32xi32, #tpu.memory_space<vmem>>) target(%dma_start3A_755 : memref<32xi32, #tpu.memory_space<hbm>>) target_semaphore(%run_scoped3A : memref<!tpu.dma_semaphore, #tpu.memory_space<semaphore_mem>>)
      %dma_wait3A = arith.constant 0 : i32
      %dma_wait3A_756 = tpu.memref_slice %arg6[%add3A_522, %dma_wait3A] : memref<32x32xi32, #tpu.memory_space<hbm>> -> memref<1x32xi32, #tpu.memory_space<hbm>>
      %dma_wait3A_757 = tpu.memref_squeeze %dma_wait3A_756 : memref<1x32xi32, #tpu.memory_space<hbm>> -> memref<32xi32, #tpu.memory_space<hbm>>
      %dma_wait3A_758 = arith.constant 0 : i32
      %dma_wait3A_759 = tpu.memref_slice %arg6[%add3A_522, %dma_wait3A_758] : memref<32x32xi32, #tpu.memory_space<hbm>> -> memref<1x32xi32, #tpu.memory_space<hbm>>
      %dma_wait3A_760 = tpu.memref_squeeze %dma_wait3A_759 : memref<1x32xi32, #tpu.memory_space<hbm>> -> memref<32xi32, #tpu.memory_space<hbm>>
      tpu.wait_dma2 semaphore(%run_scoped3A : memref<!tpu.dma_semaphore, #tpu.memory_space<semaphore_mem>>) src(%arg11 : memref<32xi32, #tpu.memory_space<vmem>>) dst(%dma_wait3A_760 : memref<32xi32, #tpu.memory_space<hbm>>)
      tpu.yield
    }) : () -> ()
    %barrier3A = arith.constant 0 : index
    tpu.barrier barrier_id(%barrier3A)
    %mul3A_523 = arith.constant 16 : i32
    %mul3A_524 = arith.muli %arg0, %mul3A_523 : i32
    "tpu.region"() ({
      %run_scoped3A = tpu.sem_alloc : memref<!tpu.dma_semaphore, #tpu.memory_space<semaphore_mem>>
      %dma_start3A = arith.constant 0 : i32
      %dma_start3A_751 = tpu.memref_slice %arg6[%mul3A_524, %dma_start3A] : memref<32x32xi32, #tpu.memory_space<hbm>> -> memref<16x32xi32, #tpu.memory_space<hbm>>
      %dma_start3A_752 = arith.constant 0 : i32
      %dma_start3A_753 = tpu.memref_slice %arg6[%mul3A_524, %dma_start3A_752] : memref<32x32xi32, #tpu.memory_space<hbm>> -> memref<16x32xi32, #tpu.memory_space<hbm>>
      tpu.enqueue_dma source(%dma_start3A_753 : memref<16x32xi32, #tpu.memory_space<hbm>>) target(%arg12 : memref<16x32xi32, #tpu.memory_space<vmem>>) target_semaphore(%run_scoped3A : memref<!tpu.dma_semaphore, #tpu.memory_space<semaphore_mem>>)
      %dma_wait3A = arith.constant 0 : i32
      %dma_wait3A_754 = tpu.memref_slice %arg6[%mul3A_524, %dma_wait3A] : memref<32x32xi32, #tpu.memory_space<hbm>> -> memref<16x32xi32, #tpu.memory_space<hbm>>
      %dma_wait3A_755 = arith.constant 0 : i32
      %dma_wait3A_756 = tpu.memref_slice %arg6[%mul3A_524, %dma_wait3A_755] : memref<32x32xi32, #tpu.memory_space<hbm>> -> memref<16x32xi32, #tpu.memory_space<hbm>>
      tpu.wait_dma2 semaphore(%run_scoped3A : memref<!tpu.dma_semaphore, #tpu.memory_space<semaphore_mem>>) src(%dma_wait3A_756 : memref<16x32xi32, #tpu.memory_space<hbm>>) dst(%arg12 : memref<16x32xi32, #tpu.memory_space<vmem>>)
      tpu.yield
    }) : () -> ()
    %broadcast_in_dim3A_525 = arith.constant 0 : i32
    %broadcast_in_dim3A_526 = vector.broadcast %broadcast_in_dim3A_525 : i32 to vector<16xi32>
    %broadcast_in_dim3A_527 = arith.constant 0 : i32
    %broadcast_in_dim3A_528 = vector.broadcast %broadcast_in_dim3A_527 : i32 to vector<16xi32>
    %get3A = arith.constant 0 : i32
    %get3A_529 = arith.index_cast %get3A : i32 to index
    %get3A_530 = arith.constant 0 : index
    %get3A_531 = tpu.vector_load %arg12[%get3A_529, %get3A_530] {strides = array<i32>} : memref<16x32xi32, #tpu.memory_space<vmem>>, vector<16xi32>,
    %add3A_532 = arith.addi %broadcast_in_dim3A_526, %get3A_531 : vector<16xi32>
    %get3A_533 = arith.constant 0 : i32
    %get3A_534 = arith.index_cast %get3A_533 : i32 to index
    %get3A_535 = arith.constant 16 : index
    %get3A_536 = tpu.vector_load %arg12[%get3A_534, %get3A_535] {strides = array<i32>} : memref<16x32xi32, #tpu.memory_space<vmem>>, vector<16xi32>,
    %add3A_537 = arith.addi %broadcast_in_dim3A_528, %get3A_536 : vector<16xi32>
    %get3A_538 = arith.constant 1 : i32
    %get3A_539 = arith.index_cast %get3A_538 : i32 to index
    %get3A_540 = arith.constant 0 : index
    %get3A_541 = tpu.vector_load %arg12[%get3A_539, %get3A_540] {strides = array<i32>} : memref<16x32xi32, #tpu.memory_space<vmem>>, vector<16xi32>,
    %add3A_542 = arith.addi %add3A_532, %get3A_541 : vector<16xi32>
    %get3A_543 = arith.constant 1 : i32
    %get3A_544 = arith.index_cast %get3A_543 : i32 to index
    %get3A_545 = arith.constant 16 : index
    %get3A_546 = tpu.vector_load %arg12[%get3A_544, %get3A_545] {strides = array<i32>} : memref<16x32xi32, #tpu.memory_space<vmem>>, vector<16xi32>,
    %add3A_547 = arith.addi %add3A_537, %get3A_546 : vector<16xi32>
    %get3A_548 = arith.constant 2 : i32
    %get3A_549 = arith.index_cast %get3A_548 : i32 to index
    %get3A_550 = arith.constant 0 : index
    %get3A_551 = tpu.vector_load %arg12[%get3A_549, %get3A_550] {strides = array<i32>} : memref<16x32xi32, #tpu.memory_space<vmem>>, vector<16xi32>,
    %add3A_552 = arith.addi %add3A_542, %get3A_551 : vector<16xi32>
    %get3A_553 = arith.constant 2 : i32
    %get3A_554 = arith.index_cast %get3A_553 : i32 to index
    %get3A_555 = arith.constant 16 : index
    %get3A_556 = tpu.vector_load %arg12[%get3A_554, %get3A_555] {strides = array<i32>} : memref<16x32xi32, #tpu.memory_space<vmem>>, vector<16xi32>,
    %add3A_557 = arith.addi %add3A_547, %get3A_556 : vector<16xi32>
    %get3A_558 = arith.constant 3 : i32
    %get3A_559 = arith.index_cast %get3A_558 : i32 to index
    %get3A_560 = arith.constant 0 : index
    %get3A_561 = tpu.vector_load %arg12[%get3A_559, %get3A_560] {strides = array<i32>} : memref<16x32xi32, #tpu.memory_space<vmem>>, vector<16xi32>,
    %add3A_562 = arith.addi %add3A_552, %get3A_561 : vector<16xi32>
    %get3A_563 = arith.constant 3 : i32
    %get3A_564 = arith.index_cast %get3A_563 : i32 to index
    %get3A_565 = arith.constant 16 : index
    %get3A_566 = tpu.vector_load %arg12[%get3A_564, %get3A_565] {strides = array<i32>} : memref<16x32xi32, #tpu.memory_space<vmem>>, vector<16xi32>,
    %add3A_567 = arith.addi %add3A_557, %get3A_566 : vector<16xi32>
    %get3A_568 = arith.constant 4 : i32
    %get3A_569 = arith.index_cast %get3A_568 : i32 to index
    %get3A_570 = arith.constant 0 : index
    %get3A_571 = tpu.vector_load %arg12[%get3A_569, %get3A_570] {strides = array<i32>} : memref<16x32xi32, #tpu.memory_space<vmem>>, vector<16xi32>,
    %add3A_572 = arith.addi %add3A_562, %get3A_571 : vector<16xi32>
    %get3A_573 = arith.constant 4 : i32
    %get3A_574 = arith.index_cast %get3A_573 : i32 to index
    %get3A_575 = arith.constant 16 : index
    %get3A_576 = tpu.vector_load %arg12[%get3A_574, %get3A_575] {strides = array<i32>} : memref<16x32xi32, #tpu.memory_space<vmem>>, vector<16xi32>,
    %add3A_577 = arith.addi %add3A_567, %get3A_576 : vector<16xi32>
    %get3A_578 = arith.constant 5 : i32
    %get3A_579 = arith.index_cast %get3A_578 : i32 to index
    %get3A_580 = arith.constant 0 : index
    %get3A_581 = tpu.vector_load %arg12[%get3A_579, %get3A_580] {strides = array<i32>} : memref<16x32xi32, #tpu.memory_space<vmem>>, vector<16xi32>,
    %add3A_582 = arith.addi %add3A_572, %get3A_581 : vector<16xi32>
    %get3A_583 = arith.constant 5 : i32
    %get3A_584 = arith.index_cast %get3A_583 : i32 to index
    %get3A_585 = arith.constant 16 : index
    %get3A_586 = tpu.vector_load %arg12[%get3A_584, %get3A_585] {strides = array<i32>} : memref<16x32xi32, #tpu.memory_space<vmem>>, vector<16xi32>,
    %add3A_587 = arith.addi %add3A_577, %get3A_586 : vector<16xi32>
    %get3A_588 = arith.constant 6 : i32
    %get3A_589 = arith.index_cast %get3A_588 : i32 to index
    %get3A_590 = arith.constant 0 : index
    %get3A_591 = tpu.vector_load %arg12[%get3A_589, %get3A_590] {strides = array<i32>} : memref<16x32xi32, #tpu.memory_space<vmem>>, vector<16xi32>,
    %add3A_592 = arith.addi %add3A_582, %get3A_591 : vector<16xi32>
    %get3A_593 = arith.constant 6 : i32
    %get3A_594 = arith.index_cast %get3A_593 : i32 to index
    %get3A_595 = arith.constant 16 : index
    %get3A_596 = tpu.vector_load %arg12[%get3A_594, %get3A_595] {strides = array<i32>} : memref<16x32xi32, #tpu.memory_space<vmem>>, vector<16xi32>,
    %add3A_597 = arith.addi %add3A_587, %get3A_596 : vector<16xi32>
    %get3A_598 = arith.constant 7 : i32
    %get3A_599 = arith.index_cast %get3A_598 : i32 to index
    %get3A_600 = arith.constant 0 : index
    %get3A_601 = tpu.vector_load %arg12[%get3A_599, %get3A_600] {strides = array<i32>} : memref<16x32xi32, #tpu.memory_space<vmem>>, vector<16xi32>,
    %add3A_602 = arith.addi %add3A_592, %get3A_601 : vector<16xi32>
    %get3A_603 = arith.constant 7 : i32
    %get3A_604 = arith.index_cast %get3A_603 : i32 to index
    %get3A_605 = arith.constant 16 : index
    %get3A_606 = tpu.vector_load %arg12[%get3A_604, %get3A_605] {strides = array<i32>} : memref<16x32xi32, #tpu.memory_space<vmem>>, vector<16xi32>,
    %add3A_607 = arith.addi %add3A_597, %get3A_606 : vector<16xi32>
    %get3A_608 = arith.constant 8 : i32
    %get3A_609 = arith.index_cast %get3A_608 : i32 to index
    %get3A_610 = arith.constant 0 : index
    %get3A_611 = tpu.vector_load %arg12[%get3A_609, %get3A_610] {strides = array<i32>} : memref<16x32xi32, #tpu.memory_space<vmem>>, vector<16xi32>,
    %add3A_612 = arith.addi %add3A_602, %get3A_611 : vector<16xi32>
    %get3A_613 = arith.constant 8 : i32
    %get3A_614 = arith.index_cast %get3A_613 : i32 to index
    %get3A_615 = arith.constant 16 : index
    %get3A_616 = tpu.vector_load %arg12[%get3A_614, %get3A_615] {strides = array<i32>} : memref<16x32xi32, #tpu.memory_space<vmem>>, vector<16xi32>,
    %add3A_617 = arith.addi %add3A_607, %get3A_616 : vector<16xi32>
    %get3A_618 = arith.constant 9 : i32
    %get3A_619 = arith.index_cast %get3A_618 : i32 to index
    %get3A_620 = arith.constant 0 : index
    %get3A_621 = tpu.vector_load %arg12[%get3A_619, %get3A_620] {strides = array<i32>} : memref<16x32xi32, #tpu.memory_space<vmem>>, vector<16xi32>,
    %add3A_622 = arith.addi %add3A_612, %get3A_621 : vector<16xi32>
    %get3A_623 = arith.constant 9 : i32
    %get3A_624 = arith.index_cast %get3A_623 : i32 to index
    %get3A_625 = arith.constant 16 : index
    %get3A_626 = tpu.vector_load %arg12[%get3A_624, %get3A_625] {strides = array<i32>} : memref<16x32xi32, #tpu.memory_space<vmem>>, vector<16xi32>,
    %add3A_627 = arith.addi %add3A_617, %get3A_626 : vector<16xi32>
    %get3A_628 = arith.constant 10 : i32
    %get3A_629 = arith.index_cast %get3A_628 : i32 to index
    %get3A_630 = arith.constant 0 : index
    %get3A_631 = tpu.vector_load %arg12[%get3A_629, %get3A_630] {strides = array<i32>} : memref<16x32xi32, #tpu.memory_space<vmem>>, vector<16xi32>,
    %add3A_632 = arith.addi %add3A_622, %get3A_631 : vector<16xi32>
    %get3A_633 = arith.constant 10 : i32
    %get3A_634 = arith.index_cast %get3A_633 : i32 to index
    %get3A_635 = arith.constant 16 : index
    %get3A_636 = tpu.vector_load %arg12[%get3A_634, %get3A_635] {strides = array<i32>} : memref<16x32xi32, #tpu.memory_space<vmem>>, vector<16xi32>,
    %add3A_637 = arith.addi %add3A_627, %get3A_636 : vector<16xi32>
    %get3A_638 = arith.constant 11 : i32
    %get3A_639 = arith.index_cast %get3A_638 : i32 to index
    %get3A_640 = arith.constant 0 : index
    %get3A_641 = tpu.vector_load %arg12[%get3A_639, %get3A_640] {strides = array<i32>} : memref<16x32xi32, #tpu.memory_space<vmem>>, vector<16xi32>,
    %add3A_642 = arith.addi %add3A_632, %get3A_641 : vector<16xi32>
    %get3A_643 = arith.constant 11 : i32
    %get3A_644 = arith.index_cast %get3A_643 : i32 to index
    %get3A_645 = arith.constant 16 : index
    %get3A_646 = tpu.vector_load %arg12[%get3A_644, %get3A_645] {strides = array<i32>} : memref<16x32xi32, #tpu.memory_space<vmem>>, vector<16xi32>,
    %add3A_647 = arith.addi %add3A_637, %get3A_646 : vector<16xi32>
    %get3A_648 = arith.constant 12 : i32
    %get3A_649 = arith.index_cast %get3A_648 : i32 to index
    %get3A_650 = arith.constant 0 : index
    %get3A_651 = tpu.vector_load %arg12[%get3A_649, %get3A_650] {strides = array<i32>} : memref<16x32xi32, #tpu.memory_space<vmem>>, vector<16xi32>,
    %add3A_652 = arith.addi %add3A_642, %get3A_651 : vector<16xi32>
    %get3A_653 = arith.constant 12 : i32
    %get3A_654 = arith.index_cast %get3A_653 : i32 to index
    %get3A_655 = arith.constant 16 : index
    %get3A_656 = tpu.vector_load %arg12[%get3A_654, %get3A_655] {strides = array<i32>} : memref<16x32xi32, #tpu.memory_space<vmem>>, vector<16xi32>,
    %add3A_657 = arith.addi %add3A_647, %get3A_656 : vector<16xi32>
    %get3A_658 = arith.constant 13 : i32
    %get3A_659 = arith.index_cast %get3A_658 : i32 to index
    %get3A_660 = arith.constant 0 : index
    %get3A_661 = tpu.vector_load %arg12[%get3A_659, %get3A_660] {strides = array<i32>} : memref<16x32xi32, #tpu.memory_space<vmem>>, vector<16xi32>,
    %add3A_662 = arith.addi %add3A_652, %get3A_661 : vector<16xi32>
    %get3A_663 = arith.constant 13 : i32
    %get3A_664 = arith.index_cast %get3A_663 : i32 to index
    %get3A_665 = arith.constant 16 : index
    %get3A_666 = tpu.vector_load %arg12[%get3A_664, %get3A_665] {strides = array<i32>} : memref<16x32xi32, #tpu.memory_space<vmem>>, vector<16xi32>,
    %add3A_667 = arith.addi %add3A_657, %get3A_666 : vector<16xi32>
    %get3A_668 = arith.constant 14 : i32
    %get3A_669 = arith.index_cast %get3A_668 : i32 to index
    %get3A_670 = arith.constant 0 : index
    %get3A_671 = tpu.vector_load %arg12[%get3A_669, %get3A_670] {strides = array<i32>} : memref<16x32xi32, #tpu.memory_space<vmem>>, vector<16xi32>,
    %add3A_672 = arith.addi %add3A_662, %get3A_671 : vector<16xi32>
    %get3A_673 = arith.constant 14 : i32
    %get3A_674 = arith.index_cast %get3A_673 : i32 to index
    %get3A_675 = arith.constant 16 : index
    %get3A_676 = tpu.vector_load %arg12[%get3A_674, %get3A_675] {strides = array<i32>} : memref<16x32xi32, #tpu.memory_space<vmem>>, vector<16xi32>,
    %add3A_677 = arith.addi %add3A_667, %get3A_676 : vector<16xi32>
    %get3A_678 = arith.constant 15 : i32
    %get3A_679 = arith.index_cast %get3A_678 : i32 to index
    %get3A_680 = arith.constant 0 : index
    %get3A_681 = tpu.vector_load %arg12[%get3A_679, %get3A_680] {strides = array<i32>} : memref<16x32xi32, #tpu.memory_space<vmem>>, vector<16xi32>,
    %add3A_682 = arith.addi %add3A_672, %get3A_681 : vector<16xi32>
    %get3A_683 = arith.constant 15 : i32
    %get3A_684 = arith.index_cast %get3A_683 : i32 to index
    %get3A_685 = arith.constant 16 : index
    %get3A_686 = tpu.vector_load %arg12[%get3A_684, %get3A_685] {strides = array<i32>} : memref<16x32xi32, #tpu.memory_space<vmem>>, vector<16xi32>,
    %add3A_687 = arith.addi %add3A_677, %get3A_686 : vector<16xi32>
    %swap3A_688 = arith.constant 0 : index
    %swap3A_689 = tpu.vector_load %arg10[%swap3A_688] {strides = array<i32>} : memref<48xi32, #tpu.memory_space<vmem>>, vector<16xi32>,
    tpu.vector_store %arg10[%swap3A_688], %add3A_682 {strides = array<i32>} : memref<48xi32, #tpu.memory_space<vmem>>, vector<16xi32>,
    %swap3A_690 = arith.constant 16 : index
    %swap3A_691 = tpu.vector_load %arg10[%swap3A_690] {strides = array<i32>} : memref<48xi32, #tpu.memory_space<vmem>>, vector<16xi32>,
    tpu.vector_store %arg10[%swap3A_690], %add3A_687 {strides = array<i32>} : memref<48xi32, #tpu.memory_space<vmem>>, vector<16xi32>,
    %eq3A = arith.constant 0 : i32
    %eq3A_692 = arith.cmpi eq, %add3A, %eq3A : i32
    %convert_element_type3A = arith.extui %eq3A_692 : i1 to i32
    %cond3A = arith.constant 0 : i32
    %cond3A_693 = arith.cmpi ne, %convert_element_type3A, %cond3A : i32
    scf.if %cond3A_693 {
      "tpu.region"() ({
        %run_scoped3A = tpu.sem_alloc : memref<!tpu.dma_semaphore, #tpu.memory_space<semaphore_mem>>
        tpu.enqueue_dma source(%arg10 : memref<48xi32, #tpu.memory_space<vmem>>) target(%arg5 : memref<48xi32, #tpu.memory_space<hbm>>) target_semaphore(%run_scoped3A : memref<!tpu.dma_semaphore, #tpu.memory_space<semaphore_mem>>)
        tpu.wait_dma2 semaphore(%run_scoped3A : memref<!tpu.dma_semaphore, #tpu.memory_space<semaphore_mem>>) src(%arg10 : memref<48xi32, #tpu.memory_space<vmem>>) dst(%arg5 : memref<48xi32, #tpu.memory_space<hbm>>)
        tpu.yield
      }) : () -> ()
    } else {
    }
    %mul3A_694 = arith.constant 5375 : i32
    %mul3A_695 = arith.muli %add3A, %mul3A_694 : i32
    %add3A_696 = arith.constant 5375 : i32
    %add3A_697 = arith.addi %mul3A_695, %add3A_696 : i32
    %le3A_698 = vector.broadcast %mul3A_695 : i32 to vector<16xi32>
    %le3A_699 = arith.cmpi sle, %add3A_682, %le3A_698 : vector<16xi32>
    %convert_element_type3A_700 = arith.extui %le3A_699 : vector<16xi1> to vector<16xi32>
    %reduce_sum3A = arith.constant true
    %reduce_sum3A_701 = vector.broadcast %reduce_sum3A : i1 to vector<16xi1>
    %reduce_sum3A_702 = tpu.scan <sum>, %convert_element_type3A_700 masked %reduce_sum3A_701 : vector<16xi32>, vector<16xi1> -> vector<16xi32>
    %reduce_sum3A_703 = vector.extract %reduce_sum3A_702[15] : i32 from vector<16xi32>
    %le3A_704 = vector.broadcast %mul3A_695 : i32 to vector<16xi32>
    %le3A_705 = arith.cmpi sle, %add3A_687, %le3A_704 : vector<16xi32>
    %convert_element_type3A_706 = arith.extui %le3A_705 : vector<16xi1> to vector<16xi32>
    %reduce_sum3A_707 = arith.constant true
    %reduce_sum3A_708 = vector.broadcast %reduce_sum3A_707 : i1 to vector<16xi1>
    %reduce_sum3A_709 = tpu.scan <sum>, %convert_element_type3A_706 masked %reduce_sum3A_708 : vector<16xi32>, vector<16xi1> -> vector<16xi32>
    %reduce_sum3A_710 = vector.extract %reduce_sum3A_709[15] : i32 from vector<16xi32>
    %add3A_711 = arith.addi %reduce_sum3A_703, %reduce_sum3A_710 : i32
    %sub3A_712 = arith.constant 1 : i32
    %sub3A_713 = arith.subi %add3A_697, %sub3A_712 : i32
    %le3A_714 = vector.broadcast %sub3A_713 : i32 to vector<16xi32>
    %le3A_715 = arith.cmpi sle, %add3A_682, %le3A_714 : vector<16xi32>
    %convert_element_type3A_716 = arith.extui %le3A_715 : vector<16xi1> to vector<16xi32>
    %reduce_sum3A_717 = arith.constant true
    %reduce_sum3A_718 = vector.broadcast %reduce_sum3A_717 : i1 to vector<16xi1>
    %reduce_sum3A_719 = tpu.scan <sum>, %convert_element_type3A_716 masked %reduce_sum3A_718 : vector<16xi32>, vector<16xi1> -> vector<16xi32>
    %reduce_sum3A_720 = vector.extract %reduce_sum3A_719[15] : i32 from vector<16xi32>
    %sub3A_721 = arith.constant 1 : i32
    %sub3A_722 = arith.subi %add3A_697, %sub3A_721 : i32
    %le3A_723 = vector.broadcast %sub3A_722 : i32 to vector<16xi32>
    %le3A_724 = arith.cmpi sle, %add3A_687, %le3A_723 : vector<16xi32>
    %convert_element_type3A_725 = arith.extui %le3A_724 : vector<16xi1> to vector<16xi32>
    %reduce_sum3A_726 = arith.constant true
    %reduce_sum3A_727 = vector.broadcast %reduce_sum3A_726 : i1 to vector<16xi1>
    %reduce_sum3A_728 = tpu.scan <sum>, %convert_element_type3A_725 masked %reduce_sum3A_727 : vector<16xi32>, vector<16xi1> -> vector<16xi32>
    %reduce_sum3A_729 = vector.extract %reduce_sum3A_728[15] : i32 from vector<16xi32>
    %add3A_730 = arith.addi %reduce_sum3A_720, %reduce_sum3A_729 : i32
    %broadcast_in_dim3A_731 = arith.constant 0.000000e+00 : f32
    %broadcast_in_dim3A_732 = vector.broadcast %broadcast_in_dim3A_731 : f32 to vector<16xf32>
    %scan3A = arith.constant 0 : i32
    %scan3A_733 = arith.constant 0 : i32
    %scan3A_734 = arith.constant 32 : i32
    %scan3A_735 = arith.addi %scan3A_733, %scan3A_734 : i32
    %scan3A_736 = arith.constant 1 : i32
    %scan3A_737 = scf.for %scan3A_751 = %scan3A_733 to %scan3A_735 step %scan3A_736 iter_args(%scan3A_752 = %scan3A) -> (i32)  : i32 {
      %swap3A_753 = arith.index_cast %scan3A_751 : i32 to index
      %swap3A_754 = arith.constant 0 : index
      %swap3A_755 = tpu.vector_load %arg13[%swap3A_753, %swap3A_754] {strides = array<i32>} : memref<32x128xf32, #tpu.memory_space<vmem>>, vector<16xf32>,
      tpu.vector_store %arg13[%swap3A_753, %swap3A_754], %broadcast_in_dim3A_732 {strides = array<i32>} : memref<32x128xf32, #tpu.memory_space<vmem>>, vector<16xf32>,
      %swap3A_756 = arith.index_cast %scan3A_751 : i32 to index
      %swap3A_757 = arith.constant 16 : index
      %swap3A_758 = tpu.vector_load %arg13[%swap3A_756, %swap3A_757] {strides = array<i32>} : memref<32x128xf32, #tpu.memory_space<vmem>>, vector<16xf32>,
      tpu.vector_store %arg13[%swap3A_756, %swap3A_757], %broadcast_in_dim3A_732 {strides = array<i32>} : memref<32x128xf32, #tpu.memory_space<vmem>>, vector<16xf32>,
      %swap3A_759 = arith.index_cast %scan3A_751 : i32 to index
      %swap3A_760 = arith.constant 32 : index
      %swap3A_761 = tpu.vector_load %arg13[%swap3A_759, %swap3A_760] {strides = array<i32>} : memref<32x128xf32, #tpu.memory_space<vmem>>, vector<16xf32>,
      tpu.vector_store %arg13[%swap3A_759, %swap3A_760], %broadcast_in_dim3A_732 {strides = array<i32>} : memref<32x128xf32, #tpu.memory_space<vmem>>, vector<16xf32>,
      %swap3A_762 = arith.index_cast %scan3A_751 : i32 to index
      %swap3A_763 = arith.constant 48 : index
      %swap3A_764 = tpu.vector_load %arg13[%swap3A_762, %swap3A_763] {strides = array<i32>} : memref<32x128xf32, #tpu.memory_space<vmem>>, vector<16xf32>,
      tpu.vector_store %arg13[%swap3A_762, %swap3A_763], %broadcast_in_dim3A_732 {strides = array<i32>} : memref<32x128xf32, #tpu.memory_space<vmem>>, vector<16xf32>,
      %swap3A_765 = arith.index_cast %scan3A_751 : i32 to index
      %swap3A_766 = arith.constant 64 : index
      %swap3A_767 = tpu.vector_load %arg13[%swap3A_765, %swap3A_766] {strides = array<i32>} : memref<32x128xf32, #tpu.memory_space<vmem>>, vector<16xf32>,
      tpu.vector_store %arg13[%swap3A_765, %swap3A_766], %broadcast_in_dim3A_732 {strides = array<i32>} : memref<32x128xf32, #tpu.memory_space<vmem>>, vector<16xf32>,
      %swap3A_768 = arith.index_cast %scan3A_751 : i32 to index
      %swap3A_769 = arith.constant 80 : index
      %swap3A_770 = tpu.vector_load %arg13[%swap3A_768, %swap3A_769] {strides = array<i32>} : memref<32x128xf32, #tpu.memory_space<vmem>>, vector<16xf32>,
      tpu.vector_store %arg13[%swap3A_768, %swap3A_769], %broadcast_in_dim3A_732 {strides = array<i32>} : memref<32x128xf32, #tpu.memory_space<vmem>>, vector<16xf32>,
      %swap3A_771 = arith.index_cast %scan3A_751 : i32 to index
      %swap3A_772 = arith.constant 96 : index
      %swap3A_773 = tpu.vector_load %arg13[%swap3A_771, %swap3A_772] {strides = array<i32>} : memref<32x128xf32, #tpu.memory_space<vmem>>, vector<16xf32>,
      tpu.vector_store %arg13[%swap3A_771, %swap3A_772], %broadcast_in_dim3A_732 {strides = array<i32>} : memref<32x128xf32, #tpu.memory_space<vmem>>, vector<16xf32>,
      %swap3A_774 = arith.index_cast %scan3A_751 : i32 to index
      %swap3A_775 = arith.constant 112 : index
      %swap3A_776 = tpu.vector_load %arg13[%swap3A_774, %swap3A_775] {strides = array<i32>} : memref<32x128xf32, #tpu.memory_space<vmem>>, vector<16xf32>,
      tpu.vector_store %arg13[%swap3A_774, %swap3A_775], %broadcast_in_dim3A_732 {strides = array<i32>} : memref<32x128xf32, #tpu.memory_space<vmem>>, vector<16xf32>,
      %scan3A_777 = arith.constant 0 : i32
      scf.yield %scan3A_777 : i32
    }
    %scan3A_738 = arith.constant 32 : i32
    %add3A_739 = arith.constant 1 : i32
    %add3A_740 = arith.addi %add3A_730, %add3A_739 : i32
    %while3A = arith.constant 0 : i32
    %while3A_741 = arith.subi %add3A_740, %add3A_711 : i32
    %while3A_742 = arith.addi %add3A_711, %while3A_741 : i32
    %while3A_743 = arith.constant 1 : i32
    %while3A_744 = arith.divsi %while3A_741, %while3A_743 : i32
    %while3A_745 = arith.muli %while3A_744, %while3A_743 : i32
    %while3A_746 = arith.addi %add3A_711, %while3A_745 : i32
    %while3A_747 = arith.constant 1 : i32
    %while3A_748 = scf.for %while3A_751 = %add3A_711 to %while3A_746 step %while3A_747 iter_args(%while3A_752 = %while3A) -> (i32)  : i32 {
      %sub3A_753 = arith.constant 1 : i32
      %sub3A_754 = arith.subi %while3A_751, %sub3A_753 : i32
      %max3A = arith.constant 0 : i32
      %max3A_755 = arith.maxsi %sub3A_754, %max3A : i32
      %get3A_756 = arith.index_cast %max3A_755 : i32 to index
      %get3A_757 = tpu.vector_load %arg10[%get3A_756] {strides = array<i32>} : memref<48xi32, #tpu.memory_space<vmem>>, vector<16xi32>,
      %eq3A_758 = arith.constant 0 : i32
      %eq3A_759 = arith.cmpi eq, %while3A_751, %eq3A_758 : i32
      %slice3A = vector.extract_strided_slice %get3A_757 {offsets = [0], sizes = [1], strides = [1]} : vector<16xi32> to vector<1xi32>
      %squeeze3A = vector.extract %slice3A[0] : i32 from vector<1xi32>
      %jit3A = arith.constant 0 : i32
      %select_n3A_760 = arith.select %eq3A_759, %jit3A, %squeeze3A : i32
      %max3A_761 = arith.maxsi %select_n3A_760, %mul3A_695 : i32
      %slice3A_762 = vector.extract_strided_slice %get3A_757 {offsets = [0], sizes = [1], strides = [1]} : vector<16xi32> to vector<1xi32>
      %squeeze3A_763 = vector.extract %slice3A_762[0] : i32 from vector<1xi32>
      %slice3A_764 = vector.extract_strided_slice %get3A_757 {offsets = [1], sizes = [1], strides = [1]} : vector<16xi32> to vector<1xi32>
      %squeeze3A_765 = vector.extract %slice3A_764[0] : i32 from vector<1xi32>
      %select_n3A_766 = arith.select %eq3A_759, %squeeze3A_763, %squeeze3A_765 : i32
      %min3A_767 = arith.minsi %select_n3A_766, %add3A_697 : i32
      %jit3A_768 = arith.constant 0 : i32
      %jit3A_769 = arith.constant 172000 : i32
      %max3A_770 = arith.maxsi %jit3A_768, %max3A_761 : i32
      %min3A_771 = arith.minsi %jit3A_769, %max3A_770 : i32
      %jit3A_772 = arith.constant 172000 : i32
      %max3A_773 = arith.maxsi %min3A_771, %min3A_767 : i32
      %min3A_774 = arith.minsi %jit3A_772, %max3A_773 : i32
      %jit3A_775 = arith.constant 8 : i32
      %div3A = arith.divsi %min3A_771, %jit3A_775 : i32
      %sign3A = arith.constant 0 : i32
      %sign3A_776 = arith.cmpi sgt, %min3A_771, %sign3A : i32
      %sign3A_777 = arith.extui %sign3A_776 : i1 to i32
      %sign3A_778 = arith.constant 0 : i32
      %sign3A_779 = arith.cmpi slt, %min3A_771, %sign3A_778 : i32
      %sign3A_780 = arith.extui %sign3A_779 : i1 to i32
      %sign3A_781 = arith.subi %sign3A_777, %sign3A_780 : i32
      %sign3A_782 = arith.constant 0 : i32
      %sign3A_783 = arith.cmpi sgt, %jit3A_775, %sign3A_782 : i32
      %sign3A_784 = arith.extui %sign3A_783 : i1 to i32
      %sign3A_785 = arith.constant 0 : i32
      %sign3A_786 = arith.cmpi slt, %jit3A_775, %sign3A_785 : i32
      %sign3A_787 = arith.extui %sign3A_786 : i1 to i32
      %sign3A_788 = arith.subi %sign3A_784, %sign3A_787 : i32
      %ne3A = arith.cmpi ne, %sign3A_781, %sign3A_788 : i32
      %rem3A = arith.remsi %min3A_771, %jit3A_775 : i32
      %ne3A_789 = arith.constant 0 : i32
      %ne3A_790 = arith.cmpi ne, %rem3A, %ne3A_789 : i32
      %and3A_791 = arith.andi %ne3A, %ne3A_790 : i1
      %sub3A_792 = arith.constant 1 : i32
      %sub3A_793 = arith.subi %div3A, %sub3A_792 : i32
      %select_n3A_794 = arith.select %and3A_791, %sub3A_793, %div3A : i32
      %mul3A_795 = arith.constant 8 : i32
      %mul3A_796 = arith.muli %select_n3A_794, %mul3A_795 : i32
      %gt3A = arith.cmpi sgt, %min3A_774, %min3A_771 : i32
      %sub3A_797 = arith.subi %min3A_774, %mul3A_796 : i32
      %add3A_798 = arith.constant 383 : i32
      %add3A_799 = arith.addi %sub3A_797, %add3A_798 : i32
      %div3A_800 = arith.constant 384 : i32
      %div3A_801 = arith.divsi %add3A_799, %div3A_800 : i32
      %jit3A_802 = arith.constant 0 : i32
      %select_n3A_803 = arith.select %gt3A, %div3A_801, %jit3A_802 : i32
      %gt3A_804 = arith.constant 0 : i32
      %gt3A_805 = arith.cmpi sgt, %select_n3A_803, %gt3A_804 : i32
      %convert_element_type3A_806 = arith.extui %gt3A_805 : i1 to i32
      %cond3A_807 = arith.constant 0 : i32
      %cond3A_808 = arith.cmpi ne, %convert_element_type3A_806, %cond3A_807 : i32
      scf.if %cond3A_808 {
        %add3A_873 = arith.constant 0 : i32
        %add3A_874 = arith.addi %mul3A_796, %add3A_873 : i32
        %min3A_875 = arith.constant 319616 : i32
        %min3A_876 = arith.minsi %add3A_874, %min3A_875 : i32
        %dma_start3A = arith.constant 0 : i32
        %dma_start3A_877 = tpu.memref_slice %arg2[%min3A_876, %dma_start3A] : memref<320000x128xf32, #tpu.memory_space<hbm>> -> memref<384x128xf32, #tpu.memory_space<hbm>>
        %dma_start3A_878 = arith.constant 0 : i32
        %dma_start3A_879 = tpu.memref_slice %arg2[%min3A_876, %dma_start3A_878] : memref<320000x128xf32, #tpu.memory_space<hbm>> -> memref<384x128xf32, #tpu.memory_space<hbm>>
        tpu.enqueue_dma source(%dma_start3A_879 : memref<384x128xf32, #tpu.memory_space<hbm>>) target(%arg8 : memref<384x128xf32, #tpu.memory_space<vmem>>) target_semaphore(%arg14 : memref<!tpu.dma_semaphore, #tpu.memory_space<semaphore_mem>>)
      } else {
      }
      %broadcast_in_dim3A_809 = arith.constant 0.000000e+00 : f32
      %broadcast_in_dim3A_810 = vector.broadcast %broadcast_in_dim3A_809 : f32 to vector<16xf32>
      %add3A_811 = arith.constant 1 : i32
      %add3A_812 = arith.addi %select_n3A_803, %add3A_811 : i32
      %jit3A_813 = arith.constant 2 : i32
      %div3A_814 = arith.divsi %add3A_812, %jit3A_813 : i32
      %sign3A_815 = arith.constant 0 : i32
      %sign3A_816 = arith.cmpi sgt, %add3A_812, %sign3A_815 : i32
      %sign3A_817 = arith.extui %sign3A_816 : i1 to i32
      %sign3A_818 = arith.constant 0 : i32
      %sign3A_819 = arith.cmpi slt, %add3A_812, %sign3A_818 : i32
      %sign3A_820 = arith.extui %sign3A_819 : i1 to i32
      %sign3A_821 = arith.subi %sign3A_817, %sign3A_820 : i32
      %sign3A_822 = arith.constant 0 : i32
      %sign3A_823 = arith.cmpi sgt, %jit3A_813, %sign3A_822 : i32
      %sign3A_824 = arith.extui %sign3A_823 : i1 to i32
      %sign3A_825 = arith.constant 0 : i32
      %sign3A_826 = arith.cmpi slt, %jit3A_813, %sign3A_825 : i32
      %sign3A_827 = arith.extui %sign3A_826 : i1 to i32
      %sign3A_828 = arith.subi %sign3A_824, %sign3A_827 : i32
      %ne3A_829 = arith.cmpi ne, %sign3A_821, %sign3A_828 : i32
      %rem3A_830 = arith.remsi %add3A_812, %jit3A_813 : i32
      %ne3A_831 = arith.constant 0 : i32
      %ne3A_832 = arith.cmpi ne, %rem3A_830, %ne3A_831 : i32
      %and3A_833 = arith.andi %ne3A_829, %ne3A_832 : i1
      %sub3A_834 = arith.constant 1 : i32
      %sub3A_835 = arith.subi %div3A_814, %sub3A_834 : i32
      %select_n3A_836 = arith.select %and3A_833, %sub3A_835, %div3A_814 : i32
      %while3A_837 = arith.constant 0 : i32
      %while3A_838 = arith.subi %select_n3A_836, %while3A_837 : i32
      %while3A_839 = arith.addi %while3A_837, %while3A_838 : i32
      %while3A_840 = arith.constant 1 : i32
      %while3A_841 = arith.divsi %while3A_838, %while3A_840 : i32
      %while3A_842 = arith.muli %while3A_841, %while3A_840 : i32
      %while3A_843 = arith.addi %while3A_837, %while3A_842 : i32
      %while3A_844 = arith.constant 1 : i32
      %while3A_845:8 = scf.for %while3A_873 = %while3A_837 to %while3A_843 step %while3A_844 iter_args(%while3A_874 = %broadcast_in_dim3A_810, %while3A_875 = %broadcast_in_dim3A_810, %while3A_876 = %broadcast_in_dim3A_810, %while3A_877 = %broadcast_in_dim3A_810, %while3A_878 = %broadcast_in_dim3A_810, %while3A_879 = %broadcast_in_dim3A_810, %while3A_880 = %broadcast_in_dim3A_810, %while3A_881 = %broadcast_in_dim3A_810) -> (vector<16xf32>, vector<16xf32>, vector<16xf32>, vector<16xf32>, vector<16xf32>, vector<16xf32>, vector<16xf32>, vector<16xf32>)  : i32 {
        %mul3A_882 = arith.constant 2 : i32
        %mul3A_883 = arith.muli %mul3A_882, %while3A_873 : i32
        %add3A_884 = arith.constant 1 : i32
        %add3A_885 = arith.addi %mul3A_883, %add3A_884 : i32
        %lt3A_886 = arith.cmpi slt, %add3A_885, %select_n3A_803 : i32
        %convert_element_type3A_887 = arith.extui %lt3A_886 : i1 to i32
        %cond3A_888 = arith.constant 0 : i32
        %cond3A_889 = arith.cmpi ne, %convert_element_type3A_887, %cond3A_888 : i32
        scf.if %cond3A_889 {
          %add3A_952 = arith.constant 1 : i32
          %add3A_953 = arith.addi %mul3A_883, %add3A_952 : i32
          %mul3A_954 = arith.constant 384 : i32
          %mul3A_955 = arith.muli %add3A_953, %mul3A_954 : i32
          %add3A_956 = arith.addi %mul3A_796, %mul3A_955 : i32
          %min3A_957 = arith.constant 319616 : i32
          %min3A_958 = arith.minsi %add3A_956, %min3A_957 : i32
          %dma_start3A = arith.constant 0 : i32
          %dma_start3A_959 = tpu.memref_slice %arg2[%min3A_958, %dma_start3A] : memref<320000x128xf32, #tpu.memory_space<hbm>> -> memref<384x128xf32, #tpu.memory_space<hbm>>
          %dma_start3A_960 = arith.constant 0 : i32
          %dma_start3A_961 = tpu.memref_slice %arg2[%min3A_958, %dma_start3A_960] : memref<320000x128xf32, #tpu.memory_space<hbm>> -> memref<384x128xf32, #tpu.memory_space<hbm>>
          tpu.enqueue_dma source(%dma_start3A_961 : memref<384x128xf32, #tpu.memory_space<hbm>>) target(%arg9 : memref<384x128xf32, #tpu.memory_space<vmem>>) target_semaphore(%arg15 : memref<!tpu.dma_semaphore, #tpu.memory_space<semaphore_mem>>)
        } else {
        }
        %lt3A_890 = arith.cmpi slt, %mul3A_883, %select_n3A_803 : i32
        %convert_element_type3A_891 = arith.extui %lt3A_890 : i1 to i32
        %cond3A_892 = arith.constant 0 : i32
        %cond3A_893 = arith.cmpi ne, %convert_element_type3A_891, %cond3A_892 : i32
        scf.if %cond3A_893 {
          %dma_wait3A = arith.constant 0 : i32
          %dma_wait3A_952 = arith.constant 0 : i32
          %dma_wait3A_953 = tpu.memref_slice %arg2[%dma_wait3A, %dma_wait3A_952] : memref<320000x128xf32, #tpu.memory_space<hbm>> -> memref<384x128xf32, #tpu.memory_space<hbm>>
          %dma_wait3A_954 = arith.constant 0 : i32
          %dma_wait3A_955 = arith.constant 0 : i32
          %dma_wait3A_956 = tpu.memref_slice %arg2[%dma_wait3A_954, %dma_wait3A_955] : memref<320000x128xf32, #tpu.memory_space<hbm>> -> memref<384x128xf32, #tpu.memory_space<hbm>>
          tpu.wait_dma2 semaphore(%arg14 : memref<!tpu.dma_semaphore, #tpu.memory_space<semaphore_mem>>) src(%dma_wait3A_956 : memref<384x128xf32, #tpu.memory_space<hbm>>) dst(%arg8 : memref<384x128xf32, #tpu.memory_space<vmem>>)
        } else {
        }
        %mul3A_894 = arith.constant 384 : i32
        %mul3A_895 = arith.muli %mul3A_883, %mul3A_894 : i32
        %add3A_896 = arith.addi %mul3A_796, %mul3A_895 : i32
        %min3A_897 = arith.constant 319616 : i32
        %min3A_898 = arith.minsi %add3A_896, %min3A_897 : i32
        %max3A_899 = arith.maxsi %min3A_771, %min3A_898 : i32
        %sub3A_900 = arith.subi %max3A_899, %min3A_898 : i32
        %lt3A_901 = arith.cmpi slt, %mul3A_883, %select_n3A_803 : i32
        %add3A_902 = arith.constant 384 : i32
        %add3A_903 = arith.addi %min3A_898, %add3A_902 : i32
        %min3A_904 = arith.minsi %min3A_774, %add3A_903 : i32
        %sub3A_905 = arith.subi %min3A_904, %min3A_898 : i32
        %select_n3A_906 = arith.select %lt3A_901, %sub3A_905, %sub3A_900 : i32
        %while3A_907 = arith.subi %select_n3A_906, %sub3A_900 : i32
        %while3A_908 = arith.addi %sub3A_900, %while3A_907 : i32
        %while3A_909 = arith.constant 1 : i32
        %while3A_910 = arith.divsi %while3A_907, %while3A_909 : i32
        %while3A_911 = arith.muli %while3A_910, %while3A_909 : i32
        %while3A_912 = arith.addi %sub3A_900, %while3A_911 : i32
        %while3A_913 = arith.constant 1 : i32
        %while3A_914:8 = scf.for %while3A_952 = %sub3A_900 to %while3A_912 step %while3A_913 iter_args(%while3A_953 = %while3A_874, %while3A_954 = %while3A_875, %while3A_955 = %while3A_876, %while3A_956 = %while3A_877, %while3A_957 = %while3A_878, %while3A_958 = %while3A_879, %while3A_959 = %while3A_880, %while3A_960 = %while3A_881) -> (vector<16xf32>, vector<16xf32>, vector<16xf32>, vector<16xf32>, vector<16xf32>, vector<16xf32>, vector<16xf32>, vector<16xf32>)  : i32 {
          %get3A_961 = arith.index_cast %while3A_952 : i32 to index
          %get3A_962 = arith.constant 0 : index
          %get3A_963 = tpu.vector_load %arg8[%get3A_961, %get3A_962] {strides = array<i32>} : memref<384x128xf32, #tpu.memory_space<vmem>>, vector<16xf32>,
          %add3A_964 = arith.addf %while3A_953, %get3A_963 : vector<16xf32>
          %get3A_965 = arith.index_cast %while3A_952 : i32 to index
          %get3A_966 = arith.constant 16 : index
          %get3A_967 = tpu.vector_load %arg8[%get3A_965, %get3A_966] {strides = array<i32>} : memref<384x128xf32, #tpu.memory_space<vmem>>, vector<16xf32>,
          %add3A_968 = arith.addf %while3A_954, %get3A_967 : vector<16xf32>
          %get3A_969 = arith.index_cast %while3A_952 : i32 to index
          %get3A_970 = arith.constant 32 : index
          %get3A_971 = tpu.vector_load %arg8[%get3A_969, %get3A_970] {strides = array<i32>} : memref<384x128xf32, #tpu.memory_space<vmem>>, vector<16xf32>,
          %add3A_972 = arith.addf %while3A_955, %get3A_971 : vector<16xf32>
          %get3A_973 = arith.index_cast %while3A_952 : i32 to index
          %get3A_974 = arith.constant 48 : index
          %get3A_975 = tpu.vector_load %arg8[%get3A_973, %get3A_974] {strides = array<i32>} : memref<384x128xf32, #tpu.memory_space<vmem>>, vector<16xf32>,
          %add3A_976 = arith.addf %while3A_956, %get3A_975 : vector<16xf32>
          %get3A_977 = arith.index_cast %while3A_952 : i32 to index
          %get3A_978 = arith.constant 64 : index
          %get3A_979 = tpu.vector_load %arg8[%get3A_977, %get3A_978] {strides = array<i32>} : memref<384x128xf32, #tpu.memory_space<vmem>>, vector<16xf32>,
          %add3A_980 = arith.addf %while3A_957, %get3A_979 : vector<16xf32>
          %get3A_981 = arith.index_cast %while3A_952 : i32 to index
          %get3A_982 = arith.constant 80 : index
          %get3A_983 = tpu.vector_load %arg8[%get3A_981, %get3A_982] {strides = array<i32>} : memref<384x128xf32, #tpu.memory_space<vmem>>, vector<16xf32>,
          %add3A_984 = arith.addf %while3A_958, %get3A_983 : vector<16xf32>
          %get3A_985 = arith.index_cast %while3A_952 : i32 to index
          %get3A_986 = arith.constant 96 : index
          %get3A_987 = tpu.vector_load %arg8[%get3A_985, %get3A_986] {strides = array<i32>} : memref<384x128xf32, #tpu.memory_space<vmem>>, vector<16xf32>,
          %add3A_988 = arith.addf %while3A_959, %get3A_987 : vector<16xf32>
          %get3A_989 = arith.index_cast %while3A_952 : i32 to index
          %get3A_990 = arith.constant 112 : index
          %get3A_991 = tpu.vector_load %arg8[%get3A_989, %get3A_990] {strides = array<i32>} : memref<384x128xf32, #tpu.memory_space<vmem>>, vector<16xf32>,
          %add3A_992 = arith.addf %while3A_960, %get3A_991 : vector<16xf32>
          scf.yield %add3A_964, %add3A_968, %add3A_972, %add3A_976, %add3A_980, %add3A_984, %add3A_988, %add3A_992 : vector<16xf32>, vector<16xf32>, vector<16xf32>, vector<16xf32>, vector<16xf32>, vector<16xf32>, vector<16xf32>, vector<16xf32>
        }
        %while3A_915 = arith.constant 1 : i32
        %while3A_916:8 = scf.for %while3A_952 = %while3A_912 to %while3A_908 step %while3A_915 iter_args(%while3A_953 = %while3A_914#0, %while3A_954 = %while3A_914#1, %while3A_955 = %while3A_914#2, %while3A_956 = %while3A_914#3, %while3A_957 = %while3A_914#4, %while3A_958 = %while3A_914#5, %while3A_959 = %while3A_914#6, %while3A_960 = %while3A_914#7) -> (vector<16xf32>, vector<16xf32>, vector<16xf32>, vector<16xf32>, vector<16xf32>, vector<16xf32>, vector<16xf32>, vector<16xf32>)  : i32 {
          %get3A_961 = arith.index_cast %while3A_952 : i32 to index
          %get3A_962 = arith.constant 0 : index
          %get3A_963 = tpu.vector_load %arg8[%get3A_961, %get3A_962] {strides = array<i32>} : memref<384x128xf32, #tpu.memory_space<vmem>>, vector<16xf32>,
          %add3A_964 = arith.addf %while3A_953, %get3A_963 : vector<16xf32>
          %get3A_965 = arith.index_cast %while3A_952 : i32 to index
          %get3A_966 = arith.constant 16 : index
          %get3A_967 = tpu.vector_load %arg8[%get3A_965, %get3A_966] {strides = array<i32>} : memref<384x128xf32, #tpu.memory_space<vmem>>, vector<16xf32>,
          %add3A_968 = arith.addf %while3A_954, %get3A_967 : vector<16xf32>
          %get3A_969 = arith.index_cast %while3A_952 : i32 to index
          %get3A_970 = arith.constant 32 : index
          %get3A_971 = tpu.vector_load %arg8[%get3A_969, %get3A_970] {strides = array<i32>} : memref<384x128xf32, #tpu.memory_space<vmem>>, vector<16xf32>,
          %add3A_972 = arith.addf %while3A_955, %get3A_971 : vector<16xf32>
          %get3A_973 = arith.index_cast %while3A_952 : i32 to index
          %get3A_974 = arith.constant 48 : index
          %get3A_975 = tpu.vector_load %arg8[%get3A_973, %get3A_974] {strides = array<i32>} : memref<384x128xf32, #tpu.memory_space<vmem>>, vector<16xf32>,
          %add3A_976 = arith.addf %while3A_956, %get3A_975 : vector<16xf32>
          %get3A_977 = arith.index_cast %while3A_952 : i32 to index
          %get3A_978 = arith.constant 64 : index
          %get3A_979 = tpu.vector_load %arg8[%get3A_977, %get3A_978] {strides = array<i32>} : memref<384x128xf32, #tpu.memory_space<vmem>>, vector<16xf32>,
          %add3A_980 = arith.addf %while3A_957, %get3A_979 : vector<16xf32>
          %get3A_981 = arith.index_cast %while3A_952 : i32 to index
          %get3A_982 = arith.constant 80 : index
          %get3A_983 = tpu.vector_load %arg8[%get3A_981, %get3A_982] {strides = array<i32>} : memref<384x128xf32, #tpu.memory_space<vmem>>, vector<16xf32>,
          %add3A_984 = arith.addf %while3A_958, %get3A_983 : vector<16xf32>
          %get3A_985 = arith.index_cast %while3A_952 : i32 to index
          %get3A_986 = arith.constant 96 : index
          %get3A_987 = tpu.vector_load %arg8[%get3A_985, %get3A_986] {strides = array<i32>} : memref<384x128xf32, #tpu.memory_space<vmem>>, vector<16xf32>,
          %add3A_988 = arith.addf %while3A_959, %get3A_987 : vector<16xf32>
          %get3A_989 = arith.index_cast %while3A_952 : i32 to index
          %get3A_990 = arith.constant 112 : index
          %get3A_991 = tpu.vector_load %arg8[%get3A_989, %get3A_990] {strides = array<i32>} : memref<384x128xf32, #tpu.memory_space<vmem>>, vector<16xf32>,
          %add3A_992 = arith.addf %while3A_960, %get3A_991 : vector<16xf32>
          scf.yield %add3A_964, %add3A_968, %add3A_972, %add3A_976, %add3A_980, %add3A_984, %add3A_988, %add3A_992 : vector<16xf32>, vector<16xf32>, vector<16xf32>, vector<16xf32>, vector<16xf32>, vector<16xf32>, vector<16xf32>, vector<16xf32>
        }
        %add3A_917 = arith.constant 1 : i32
        %add3A_918 = arith.addi %mul3A_883, %add3A_917 : i32
        %add3A_919 = arith.constant 1 : i32
        %add3A_920 = arith.addi %add3A_918, %add3A_919 : i32
        %lt3A_921 = arith.cmpi slt, %add3A_920, %select_n3A_803 : i32
        %convert_element_type3A_922 = arith.extui %lt3A_921 : i1 to i32
        %cond3A_923 = arith.constant 0 : i32
        %cond3A_924 = arith.cmpi ne, %convert_element_type3A_922, %cond3A_923 : i32
        scf.if %cond3A_924 {
          %add3A_952 = arith.constant 1 : i32
          %add3A_953 = arith.addi %add3A_918, %add3A_952 : i32
          %mul3A_954 = arith.constant 384 : i32
          %mul3A_955 = arith.muli %add3A_953, %mul3A_954 : i32
          %add3A_956 = arith.addi %mul3A_796, %mul3A_955 : i32
          %min3A_957 = arith.constant 319616 : i32
          %min3A_958 = arith.minsi %add3A_956, %min3A_957 : i32
          %dma_start3A = arith.constant 0 : i32
          %dma_start3A_959 = tpu.memref_slice %arg2[%min3A_958, %dma_start3A] : memref<320000x128xf32, #tpu.memory_space<hbm>> -> memref<384x128xf32, #tpu.memory_space<hbm>>
          %dma_start3A_960 = arith.constant 0 : i32
          %dma_start3A_961 = tpu.memref_slice %arg2[%min3A_958, %dma_start3A_960] : memref<320000x128xf32, #tpu.memory_space<hbm>> -> memref<384x128xf32, #tpu.memory_space<hbm>>
          tpu.enqueue_dma source(%dma_start3A_961 : memref<384x128xf32, #tpu.memory_space<hbm>>) target(%arg8 : memref<384x128xf32, #tpu.memory_space<vmem>>) target_semaphore(%arg14 : memref<!tpu.dma_semaphore, #tpu.memory_space<semaphore_mem>>)
        } else {
        }
        %lt3A_925 = arith.cmpi slt, %add3A_918, %select_n3A_803 : i32
        %convert_element_type3A_926 = arith.extui %lt3A_925 : i1 to i32
        %cond3A_927 = arith.constant 0 : i32
        %cond3A_928 = arith.cmpi ne, %convert_element_type3A_926, %cond3A_927 : i32
        scf.if %cond3A_928 {
          %dma_wait3A = arith.constant 0 : i32
          %dma_wait3A_952 = arith.constant 0 : i32
          %dma_wait3A_953 = tpu.memref_slice %arg2[%dma_wait3A, %dma_wait3A_952] : memref<320000x128xf32, #tpu.memory_space<hbm>> -> memref<384x128xf32, #tpu.memory_space<hbm>>
          %dma_wait3A_954 = arith.constant 0 : i32
          %dma_wait3A_955 = arith.constant 0 : i32
          %dma_wait3A_956 = tpu.memref_slice %arg2[%dma_wait3A_954, %dma_wait3A_955] : memref<320000x128xf32, #tpu.memory_space<hbm>> -> memref<384x128xf32, #tpu.memory_space<hbm>>
          tpu.wait_dma2 semaphore(%arg15 : memref<!tpu.dma_semaphore, #tpu.memory_space<semaphore_mem>>) src(%dma_wait3A_956 : memref<384x128xf32, #tpu.memory_space<hbm>>) dst(%arg9 : memref<384x128xf32, #tpu.memory_space<vmem>>)
        } else {
        }
        %mul3A_929 = arith.constant 384 : i32
        %mul3A_930 = arith.muli %add3A_918, %mul3A_929 : i32
        %add3A_931 = arith.addi %mul3A_796, %mul3A_930 : i32
        %min3A_932 = arith.constant 319616 : i32
        %min3A_933 = arith.minsi %add3A_931, %min3A_932 : i32
        %max3A_934 = arith.maxsi %min3A_771, %min3A_933 : i32
        %sub3A_935 = arith.subi %max3A_934, %min3A_933 : i32
        %lt3A_936 = arith.cmpi slt, %add3A_918, %select_n3A_803 : i32
        %add3A_937 = arith.constant 384 : i32
        %add3A_938 = arith.addi %min3A_933, %add3A_937 : i32
        %min3A_939 = arith.minsi %min3A_774, %add3A_938 : i32
        %sub3A_940 = arith.subi %min3A_939, %min3A_933 : i32
        %select_n3A_941 = arith.select %lt3A_936, %sub3A_940, %sub3A_935 : i32
        %while3A_942 = arith.subi %select_n3A_941, %sub3A_935 : i32
        %while3A_943 = arith.addi %sub3A_935, %while3A_942 : i32
        %while3A_944 = arith.constant 1 : i32
        %while3A_945 = arith.divsi %while3A_942, %while3A_944 : i32
        %while3A_946 = arith.muli %while3A_945, %while3A_944 : i32
        %while3A_947 = arith.addi %sub3A_935, %while3A_946 : i32
        %while3A_948 = arith.constant 1 : i32
        %while3A_949:8 = scf.for %while3A_952 = %sub3A_935 to %while3A_947 step %while3A_948 iter_args(%while3A_953 = %while3A_916#0, %while3A_954 = %while3A_916#1, %while3A_955 = %while3A_916#2, %while3A_956 = %while3A_916#3, %while3A_957 = %while3A_916#4, %while3A_958 = %while3A_916#5, %while3A_959 = %while3A_916#6, %while3A_960 = %while3A_916#7) -> (vector<16xf32>, vector<16xf32>, vector<16xf32>, vector<16xf32>, vector<16xf32>, vector<16xf32>, vector<16xf32>, vector<16xf32>)  : i32 {
          %get3A_961 = arith.index_cast %while3A_952 : i32 to index
          %get3A_962 = arith.constant 0 : index
          %get3A_963 = tpu.vector_load %arg9[%get3A_961, %get3A_962] {strides = array<i32>} : memref<384x128xf32, #tpu.memory_space<vmem>>, vector<16xf32>,
          %add3A_964 = arith.addf %while3A_953, %get3A_963 : vector<16xf32>
          %get3A_965 = arith.index_cast %while3A_952 : i32 to index
          %get3A_966 = arith.constant 16 : index
          %get3A_967 = tpu.vector_load %arg9[%get3A_965, %get3A_966] {strides = array<i32>} : memref<384x128xf32, #tpu.memory_space<vmem>>, vector<16xf32>,
          %add3A_968 = arith.addf %while3A_954, %get3A_967 : vector<16xf32>
          %get3A_969 = arith.index_cast %while3A_952 : i32 to index
          %get3A_970 = arith.constant 32 : index
          %get3A_971 = tpu.vector_load %arg9[%get3A_969, %get3A_970] {strides = array<i32>} : memref<384x128xf32, #tpu.memory_space<vmem>>, vector<16xf32>,
          %add3A_972 = arith.addf %while3A_955, %get3A_971 : vector<16xf32>
          %get3A_973 = arith.index_cast %while3A_952 : i32 to index
          %get3A_974 = arith.constant 48 : index
          %get3A_975 = tpu.vector_load %arg9[%get3A_973, %get3A_974] {strides = array<i32>} : memref<384x128xf32, #tpu.memory_space<vmem>>, vector<16xf32>,
          %add3A_976 = arith.addf %while3A_956, %get3A_975 : vector<16xf32>
          %get3A_977 = arith.index_cast %while3A_952 : i32 to index
          %get3A_978 = arith.constant 64 : index
          %get3A_979 = tpu.vector_load %arg9[%get3A_977, %get3A_978] {strides = array<i32>} : memref<384x128xf32, #tpu.memory_space<vmem>>, vector<16xf32>,
          %add3A_980 = arith.addf %while3A_957, %get3A_979 : vector<16xf32>
          %get3A_981 = arith.index_cast %while3A_952 : i32 to index
          %get3A_982 = arith.constant 80 : index
          %get3A_983 = tpu.vector_load %arg9[%get3A_981, %get3A_982] {strides = array<i32>} : memref<384x128xf32, #tpu.memory_space<vmem>>, vector<16xf32>,
          %add3A_984 = arith.addf %while3A_958, %get3A_983 : vector<16xf32>
          %get3A_985 = arith.index_cast %while3A_952 : i32 to index
          %get3A_986 = arith.constant 96 : index
          %get3A_987 = tpu.vector_load %arg9[%get3A_985, %get3A_986] {strides = array<i32>} : memref<384x128xf32, #tpu.memory_space<vmem>>, vector<16xf32>,
          %add3A_988 = arith.addf %while3A_959, %get3A_987 : vector<16xf32>
          %get3A_989 = arith.index_cast %while3A_952 : i32 to index
          %get3A_990 = arith.constant 112 : index
          %get3A_991 = tpu.vector_load %arg9[%get3A_989, %get3A_990] {strides = array<i32>} : memref<384x128xf32, #tpu.memory_space<vmem>>, vector<16xf32>,
          %add3A_992 = arith.addf %while3A_960, %get3A_991 : vector<16xf32>
          scf.yield %add3A_964, %add3A_968, %add3A_972, %add3A_976, %add3A_980, %add3A_984, %add3A_988, %add3A_992 : vector<16xf32>, vector<16xf32>, vector<16xf32>, vector<16xf32>, vector<16xf32>, vector<16xf32>, vector<16xf32>, vector<16xf32>
        }
        %while3A_950 = arith.constant 1 : i32
        %while3A_951:8 = scf.for %while3A_952 = %while3A_947 to %while3A_943 step %while3A_950 iter_args(%while3A_953 = %while3A_949#0, %while3A_954 = %while3A_949#1, %while3A_955 = %while3A_949#2, %while3A_956 = %while3A_949#3, %while3A_957 = %while3A_949#4, %while3A_958 = %while3A_949#5, %while3A_959 = %while3A_949#6, %while3A_960 = %while3A_949#7) -> (vector<16xf32>, vector<16xf32>, vector<16xf32>, vector<16xf32>, vector<16xf32>, vector<16xf32>, vector<16xf32>, vector<16xf32>)  : i32 {
          %get3A_961 = arith.index_cast %while3A_952 : i32 to index
          %get3A_962 = arith.constant 0 : index
          %get3A_963 = tpu.vector_load %arg9[%get3A_961, %get3A_962] {strides = array<i32>} : memref<384x128xf32, #tpu.memory_space<vmem>>, vector<16xf32>,
          %add3A_964 = arith.addf %while3A_953, %get3A_963 : vector<16xf32>
          %get3A_965 = arith.index_cast %while3A_952 : i32 to index
          %get3A_966 = arith.constant 16 : index
          %get3A_967 = tpu.vector_load %arg9[%get3A_965, %get3A_966] {strides = array<i32>} : memref<384x128xf32, #tpu.memory_space<vmem>>, vector<16xf32>,
          %add3A_968 = arith.addf %while3A_954, %get3A_967 : vector<16xf32>
          %get3A_969 = arith.index_cast %while3A_952 : i32 to index
          %get3A_970 = arith.constant 32 : index
          %get3A_971 = tpu.vector_load %arg9[%get3A_969, %get3A_970] {strides = array<i32>} : memref<384x128xf32, #tpu.memory_space<vmem>>, vector<16xf32>,
          %add3A_972 = arith.addf %while3A_955, %get3A_971 : vector<16xf32>
          %get3A_973 = arith.index_cast %while3A_952 : i32 to index
          %get3A_974 = arith.constant 48 : index
          %get3A_975 = tpu.vector_load %arg9[%get3A_973, %get3A_974] {strides = array<i32>} : memref<384x128xf32, #tpu.memory_space<vmem>>, vector<16xf32>,
          %add3A_976 = arith.addf %while3A_956, %get3A_975 : vector<16xf32>
          %get3A_977 = arith.index_cast %while3A_952 : i32 to index
          %get3A_978 = arith.constant 64 : index
          %get3A_979 = tpu.vector_load %arg9[%get3A_977, %get3A_978] {strides = array<i32>} : memref<384x128xf32, #tpu.memory_space<vmem>>, vector<16xf32>,
          %add3A_980 = arith.addf %while3A_957, %get3A_979 : vector<16xf32>
          %get3A_981 = arith.index_cast %while3A_952 : i32 to index
          %get3A_982 = arith.constant 80 : index
          %get3A_983 = tpu.vector_load %arg9[%get3A_981, %get3A_982] {strides = array<i32>} : memref<384x128xf32, #tpu.memory_space<vmem>>, vector<16xf32>,
          %add3A_984 = arith.addf %while3A_958, %get3A_983 : vector<16xf32>
          %get3A_985 = arith.index_cast %while3A_952 : i32 to index
          %get3A_986 = arith.constant 96 : index
          %get3A_987 = tpu.vector_load %arg9[%get3A_985, %get3A_986] {strides = array<i32>} : memref<384x128xf32, #tpu.memory_space<vmem>>, vector<16xf32>,
          %add3A_988 = arith.addf %while3A_959, %get3A_987 : vector<16xf32>
          %get3A_989 = arith.index_cast %while3A_952 : i32 to index
          %get3A_990 = arith.constant 112 : index
          %get3A_991 = tpu.vector_load %arg9[%get3A_989, %get3A_990] {strides = array<i32>} : memref<384x128xf32, #tpu.memory_space<vmem>>, vector<16xf32>,
          %add3A_992 = arith.addf %while3A_960, %get3A_991 : vector<16xf32>
          scf.yield %add3A_964, %add3A_968, %add3A_972, %add3A_976, %add3A_980, %add3A_984, %add3A_988, %add3A_992 : vector<16xf32>, vector<16xf32>, vector<16xf32>, vector<16xf32>, vector<16xf32>, vector<16xf32>, vector<16xf32>, vector<16xf32>
        }
        scf.yield %while3A_951#0, %while3A_951#1, %while3A_951#2, %while3A_951#3, %while3A_951#4, %while3A_951#5, %while3A_951#6, %while3A_951#7 : vector<16xf32>, vector<16xf32>, vector<16xf32>, vector<16xf32>, vector<16xf32>, vector<16xf32>, vector<16xf32>, vector<16xf32>
      }
      %while3A_846 = arith.constant 1 : i32
      %while3A_847:8 = scf.for %while3A_873 = %while3A_843 to %while3A_839 step %while3A_846 iter_args(%while3A_874 = %while3A_845#0, %while3A_875 = %while3A_845#1, %while3A_876 = %while3A_845#2, %while3A_877 = %while3A_845#3, %while3A_878 = %while3A_845#4, %while3A_879 = %while3A_845#5, %while3A_880 = %while3A_845#6, %while3A_881 = %while3A_845#7) -> (vector<16xf32>, vector<16xf32>, vector<16xf32>, vector<16xf32>, vector<16xf32>, vector<16xf32>, vector<16xf32>, vector<16xf32>)  : i32 {
        %mul3A_882 = arith.constant 2 : i32
        %mul3A_883 = arith.muli %mul3A_882, %while3A_873 : i32
        %add3A_884 = arith.constant 1 : i32
        %add3A_885 = arith.addi %mul3A_883, %add3A_884 : i32
        %lt3A_886 = arith.cmpi slt, %add3A_885, %select_n3A_803 : i32
        %convert_element_type3A_887 = arith.extui %lt3A_886 : i1 to i32
        %cond3A_888 = arith.constant 0 : i32
        %cond3A_889 = arith.cmpi ne, %convert_element_type3A_887, %cond3A_888 : i32
        scf.if %cond3A_889 {
          %add3A_952 = arith.constant 1 : i32
          %add3A_953 = arith.addi %mul3A_883, %add3A_952 : i32
          %mul3A_954 = arith.constant 384 : i32
          %mul3A_955 = arith.muli %add3A_953, %mul3A_954 : i32
          %add3A_956 = arith.addi %mul3A_796, %mul3A_955 : i32
          %min3A_957 = arith.constant 319616 : i32
          %min3A_958 = arith.minsi %add3A_956, %min3A_957 : i32
          %dma_start3A = arith.constant 0 : i32
          %dma_start3A_959 = tpu.memref_slice %arg2[%min3A_958, %dma_start3A] : memref<320000x128xf32, #tpu.memory_space<hbm>> -> memref<384x128xf32, #tpu.memory_space<hbm>>
          %dma_start3A_960 = arith.constant 0 : i32
          %dma_start3A_961 = tpu.memref_slice %arg2[%min3A_958, %dma_start3A_960] : memref<320000x128xf32, #tpu.memory_space<hbm>> -> memref<384x128xf32, #tpu.memory_space<hbm>>
          tpu.enqueue_dma source(%dma_start3A_961 : memref<384x128xf32, #tpu.memory_space<hbm>>) target(%arg9 : memref<384x128xf32, #tpu.memory_space<vmem>>) target_semaphore(%arg15 : memref<!tpu.dma_semaphore, #tpu.memory_space<semaphore_mem>>)
        } else {
        }
        %lt3A_890 = arith.cmpi slt, %mul3A_883, %select_n3A_803 : i32
        %convert_element_type3A_891 = arith.extui %lt3A_890 : i1 to i32
        %cond3A_892 = arith.constant 0 : i32
        %cond3A_893 = arith.cmpi ne, %convert_element_type3A_891, %cond3A_892 : i32
        scf.if %cond3A_893 {
          %dma_wait3A = arith.constant 0 : i32
          %dma_wait3A_952 = arith.constant 0 : i32
          %dma_wait3A_953 = tpu.memref_slice %arg2[%dma_wait3A, %dma_wait3A_952] : memref<320000x128xf32, #tpu.memory_space<hbm>> -> memref<384x128xf32, #tpu.memory_space<hbm>>
          %dma_wait3A_954 = arith.constant 0 : i32
          %dma_wait3A_955 = arith.constant 0 : i32
          %dma_wait3A_956 = tpu.memref_slice %arg2[%dma_wait3A_954, %dma_wait3A_955] : memref<320000x128xf32, #tpu.memory_space<hbm>> -> memref<384x128xf32, #tpu.memory_space<hbm>>
          tpu.wait_dma2 semaphore(%arg14 : memref<!tpu.dma_semaphore, #tpu.memory_space<semaphore_mem>>) src(%dma_wait3A_956 : memref<384x128xf32, #tpu.memory_space<hbm>>) dst(%arg8 : memref<384x128xf32, #tpu.memory_space<vmem>>)
        } else {
        }
        %mul3A_894 = arith.constant 384 : i32
        %mul3A_895 = arith.muli %mul3A_883, %mul3A_894 : i32
        %add3A_896 = arith.addi %mul3A_796, %mul3A_895 : i32
        %min3A_897 = arith.constant 319616 : i32
        %min3A_898 = arith.minsi %add3A_896, %min3A_897 : i32
        %max3A_899 = arith.maxsi %min3A_771, %min3A_898 : i32
        %sub3A_900 = arith.subi %max3A_899, %min3A_898 : i32
        %lt3A_901 = arith.cmpi slt, %mul3A_883, %select_n3A_803 : i32
        %add3A_902 = arith.constant 384 : i32
        %add3A_903 = arith.addi %min3A_898, %add3A_902 : i32
        %min3A_904 = arith.minsi %min3A_774, %add3A_903 : i32
        %sub3A_905 = arith.subi %min3A_904, %min3A_898 : i32
        %select_n3A_906 = arith.select %lt3A_901, %sub3A_905, %sub3A_900 : i32
        %while3A_907 = arith.subi %select_n3A_906, %sub3A_900 : i32
        %while3A_908 = arith.addi %sub3A_900, %while3A_907 : i32
        %while3A_909 = arith.constant 1 : i32
        %while3A_910 = arith.divsi %while3A_907, %while3A_909 : i32
        %while3A_911 = arith.muli %while3A_910, %while3A_909 : i32
        %while3A_912 = arith.addi %sub3A_900, %while3A_911 : i32
        %while3A_913 = arith.constant 1 : i32
        %while3A_914:8 = scf.for %while3A_952 = %sub3A_900 to %while3A_912 step %while3A_913 iter_args(%while3A_953 = %while3A_874, %while3A_954 = %while3A_875, %while3A_955 = %while3A_876, %while3A_956 = %while3A_877, %while3A_957 = %while3A_878, %while3A_958 = %while3A_879, %while3A_959 = %while3A_880, %while3A_960 = %while3A_881) -> (vector<16xf32>, vector<16xf32>, vector<16xf32>, vector<16xf32>, vector<16xf32>, vector<16xf32>, vector<16xf32>, vector<16xf32>)  : i32 {
          %get3A_961 = arith.index_cast %while3A_952 : i32 to index
          %get3A_962 = arith.constant 0 : index
          %get3A_963 = tpu.vector_load %arg8[%get3A_961, %get3A_962] {strides = array<i32>} : memref<384x128xf32, #tpu.memory_space<vmem>>, vector<16xf32>,
          %add3A_964 = arith.addf %while3A_953, %get3A_963 : vector<16xf32>
          %get3A_965 = arith.index_cast %while3A_952 : i32 to index
          %get3A_966 = arith.constant 16 : index
          %get3A_967 = tpu.vector_load %arg8[%get3A_965, %get3A_966] {strides = array<i32>} : memref<384x128xf32, #tpu.memory_space<vmem>>, vector<16xf32>,
          %add3A_968 = arith.addf %while3A_954, %get3A_967 : vector<16xf32>
          %get3A_969 = arith.index_cast %while3A_952 : i32 to index
          %get3A_970 = arith.constant 32 : index
          %get3A_971 = tpu.vector_load %arg8[%get3A_969, %get3A_970] {strides = array<i32>} : memref<384x128xf32, #tpu.memory_space<vmem>>, vector<16xf32>,
          %add3A_972 = arith.addf %while3A_955, %get3A_971 : vector<16xf32>
          %get3A_973 = arith.index_cast %while3A_952 : i32 to index
          %get3A_974 = arith.constant 48 : index
          %get3A_975 = tpu.vector_load %arg8[%get3A_973, %get3A_974] {strides = array<i32>} : memref<384x128xf32, #tpu.memory_space<vmem>>, vector<16xf32>,
          %add3A_976 = arith.addf %while3A_956, %get3A_975 : vector<16xf32>
          %get3A_977 = arith.index_cast %while3A_952 : i32 to index
          %get3A_978 = arith.constant 64 : index
          %get3A_979 = tpu.vector_load %arg8[%get3A_977, %get3A_978] {strides = array<i32>} : memref<384x128xf32, #tpu.memory_space<vmem>>, vector<16xf32>,
          %add3A_980 = arith.addf %while3A_957, %get3A_979 : vector<16xf32>
          %get3A_981 = arith.index_cast %while3A_952 : i32 to index
          %get3A_982 = arith.constant 80 : index
          %get3A_983 = tpu.vector_load %arg8[%get3A_981, %get3A_982] {strides = array<i32>} : memref<384x128xf32, #tpu.memory_space<vmem>>, vector<16xf32>,
          %add3A_984 = arith.addf %while3A_958, %get3A_983 : vector<16xf32>
          %get3A_985 = arith.index_cast %while3A_952 : i32 to index
          %get3A_986 = arith.constant 96 : index
          %get3A_987 = tpu.vector_load %arg8[%get3A_985, %get3A_986] {strides = array<i32>} : memref<384x128xf32, #tpu.memory_space<vmem>>, vector<16xf32>,
          %add3A_988 = arith.addf %while3A_959, %get3A_987 : vector<16xf32>
          %get3A_989 = arith.index_cast %while3A_952 : i32 to index
          %get3A_990 = arith.constant 112 : index
          %get3A_991 = tpu.vector_load %arg8[%get3A_989, %get3A_990] {strides = array<i32>} : memref<384x128xf32, #tpu.memory_space<vmem>>, vector<16xf32>,
          %add3A_992 = arith.addf %while3A_960, %get3A_991 : vector<16xf32>
          scf.yield %add3A_964, %add3A_968, %add3A_972, %add3A_976, %add3A_980, %add3A_984, %add3A_988, %add3A_992 : vector<16xf32>, vector<16xf32>, vector<16xf32>, vector<16xf32>, vector<16xf32>, vector<16xf32>, vector<16xf32>, vector<16xf32>
        }
        %while3A_915 = arith.constant 1 : i32
        %while3A_916:8 = scf.for %while3A_952 = %while3A_912 to %while3A_908 step %while3A_915 iter_args(%while3A_953 = %while3A_914#0, %while3A_954 = %while3A_914#1, %while3A_955 = %while3A_914#2, %while3A_956 = %while3A_914#3, %while3A_957 = %while3A_914#4, %while3A_958 = %while3A_914#5, %while3A_959 = %while3A_914#6, %while3A_960 = %while3A_914#7) -> (vector<16xf32>, vector<16xf32>, vector<16xf32>, vector<16xf32>, vector<16xf32>, vector<16xf32>, vector<16xf32>, vector<16xf32>)  : i32 {
          %get3A_961 = arith.index_cast %while3A_952 : i32 to index
          %get3A_962 = arith.constant 0 : index
          %get3A_963 = tpu.vector_load %arg8[%get3A_961, %get3A_962] {strides = array<i32>} : memref<384x128xf32, #tpu.memory_space<vmem>>, vector<16xf32>,
          %add3A_964 = arith.addf %while3A_953, %get3A_963 : vector<16xf32>
          %get3A_965 = arith.index_cast %while3A_952 : i32 to index
          %get3A_966 = arith.constant 16 : index
          %get3A_967 = tpu.vector_load %arg8[%get3A_965, %get3A_966] {strides = array<i32>} : memref<384x128xf32, #tpu.memory_space<vmem>>, vector<16xf32>,
          %add3A_968 = arith.addf %while3A_954, %get3A_967 : vector<16xf32>
          %get3A_969 = arith.index_cast %while3A_952 : i32 to index
          %get3A_970 = arith.constant 32 : index
          %get3A_971 = tpu.vector_load %arg8[%get3A_969, %get3A_970] {strides = array<i32>} : memref<384x128xf32, #tpu.memory_space<vmem>>, vector<16xf32>,
          %add3A_972 = arith.addf %while3A_955, %get3A_971 : vector<16xf32>
          %get3A_973 = arith.index_cast %while3A_952 : i32 to index
          %get3A_974 = arith.constant 48 : index
          %get3A_975 = tpu.vector_load %arg8[%get3A_973, %get3A_974] {strides = array<i32>} : memref<384x128xf32, #tpu.memory_space<vmem>>, vector<16xf32>,
          %add3A_976 = arith.addf %while3A_956, %get3A_975 : vector<16xf32>
          %get3A_977 = arith.index_cast %while3A_952 : i32 to index
          %get3A_978 = arith.constant 64 : index
          %get3A_979 = tpu.vector_load %arg8[%get3A_977, %get3A_978] {strides = array<i32>} : memref<384x128xf32, #tpu.memory_space<vmem>>, vector<16xf32>,
          %add3A_980 = arith.addf %while3A_957, %get3A_979 : vector<16xf32>
          %get3A_981 = arith.index_cast %while3A_952 : i32 to index
          %get3A_982 = arith.constant 80 : index
          %get3A_983 = tpu.vector_load %arg8[%get3A_981, %get3A_982] {strides = array<i32>} : memref<384x128xf32, #tpu.memory_space<vmem>>, vector<16xf32>,
          %add3A_984 = arith.addf %while3A_958, %get3A_983 : vector<16xf32>
          %get3A_985 = arith.index_cast %while3A_952 : i32 to index
          %get3A_986 = arith.constant 96 : index
          %get3A_987 = tpu.vector_load %arg8[%get3A_985, %get3A_986] {strides = array<i32>} : memref<384x128xf32, #tpu.memory_space<vmem>>, vector<16xf32>,
          %add3A_988 = arith.addf %while3A_959, %get3A_987 : vector<16xf32>
          %get3A_989 = arith.index_cast %while3A_952 : i32 to index
          %get3A_990 = arith.constant 112 : index
          %get3A_991 = tpu.vector_load %arg8[%get3A_989, %get3A_990] {strides = array<i32>} : memref<384x128xf32, #tpu.memory_space<vmem>>, vector<16xf32>,
          %add3A_992 = arith.addf %while3A_960, %get3A_991 : vector<16xf32>
          scf.yield %add3A_964, %add3A_968, %add3A_972, %add3A_976, %add3A_980, %add3A_984, %add3A_988, %add3A_992 : vector<16xf32>, vector<16xf32>, vector<16xf32>, vector<16xf32>, vector<16xf32>, vector<16xf32>, vector<16xf32>, vector<16xf32>
        }
        %add3A_917 = arith.constant 1 : i32
        %add3A_918 = arith.addi %mul3A_883, %add3A_917 : i32
        %add3A_919 = arith.constant 1 : i32
        %add3A_920 = arith.addi %add3A_918, %add3A_919 : i32
        %lt3A_921 = arith.cmpi slt, %add3A_920, %select_n3A_803 : i32
        %convert_element_type3A_922 = arith.extui %lt3A_921 : i1 to i32
        %cond3A_923 = arith.constant 0 : i32
        %cond3A_924 = arith.cmpi ne, %convert_element_type3A_922, %cond3A_923 : i32
        scf.if %cond3A_924 {
          %add3A_952 = arith.constant 1 : i32
          %add3A_953 = arith.addi %add3A_918, %add3A_952 : i32
          %mul3A_954 = arith.constant 384 : i32
          %mul3A_955 = arith.muli %add3A_953, %mul3A_954 : i32
          %add3A_956 = arith.addi %mul3A_796, %mul3A_955 : i32
          %min3A_957 = arith.constant 319616 : i32
          %min3A_958 = arith.minsi %add3A_956, %min3A_957 : i32
          %dma_start3A = arith.constant 0 : i32
          %dma_start3A_959 = tpu.memref_slice %arg2[%min3A_958, %dma_start3A] : memref<320000x128xf32, #tpu.memory_space<hbm>> -> memref<384x128xf32, #tpu.memory_space<hbm>>
          %dma_start3A_960 = arith.constant 0 : i32
          %dma_start3A_961 = tpu.memref_slice %arg2[%min3A_958, %dma_start3A_960] : memref<320000x128xf32, #tpu.memory_space<hbm>> -> memref<384x128xf32, #tpu.memory_space<hbm>>
          tpu.enqueue_dma source(%dma_start3A_961 : memref<384x128xf32, #tpu.memory_space<hbm>>) target(%arg8 : memref<384x128xf32, #tpu.memory_space<vmem>>) target_semaphore(%arg14 : memref<!tpu.dma_semaphore, #tpu.memory_space<semaphore_mem>>)
        } else {
        }
        %lt3A_925 = arith.cmpi slt, %add3A_918, %select_n3A_803 : i32
        %convert_element_type3A_926 = arith.extui %lt3A_925 : i1 to i32
        %cond3A_927 = arith.constant 0 : i32
        %cond3A_928 = arith.cmpi ne, %convert_element_type3A_926, %cond3A_927 : i32
        scf.if %cond3A_928 {
          %dma_wait3A = arith.constant 0 : i32
          %dma_wait3A_952 = arith.constant 0 : i32
          %dma_wait3A_953 = tpu.memref_slice %arg2[%dma_wait3A, %dma_wait3A_952] : memref<320000x128xf32, #tpu.memory_space<hbm>> -> memref<384x128xf32, #tpu.memory_space<hbm>>
          %dma_wait3A_954 = arith.constant 0 : i32
          %dma_wait3A_955 = arith.constant 0 : i32
          %dma_wait3A_956 = tpu.memref_slice %arg2[%dma_wait3A_954, %dma_wait3A_955] : memref<320000x128xf32, #tpu.memory_space<hbm>> -> memref<384x128xf32, #tpu.memory_space<hbm>>
          tpu.wait_dma2 semaphore(%arg15 : memref<!tpu.dma_semaphore, #tpu.memory_space<semaphore_mem>>) src(%dma_wait3A_956 : memref<384x128xf32, #tpu.memory_space<hbm>>) dst(%arg9 : memref<384x128xf32, #tpu.memory_space<vmem>>)
        } else {
        }
        %mul3A_929 = arith.constant 384 : i32
        %mul3A_930 = arith.muli %add3A_918, %mul3A_929 : i32
        %add3A_931 = arith.addi %mul3A_796, %mul3A_930 : i32
        %min3A_932 = arith.constant 319616 : i32
        %min3A_933 = arith.minsi %add3A_931, %min3A_932 : i32
        %max3A_934 = arith.maxsi %min3A_771, %min3A_933 : i32
        %sub3A_935 = arith.subi %max3A_934, %min3A_933 : i32
        %lt3A_936 = arith.cmpi slt, %add3A_918, %select_n3A_803 : i32
        %add3A_937 = arith.constant 384 : i32
        %add3A_938 = arith.addi %min3A_933, %add3A_937 : i32
        %min3A_939 = arith.minsi %min3A_774, %add3A_938 : i32
        %sub3A_940 = arith.subi %min3A_939, %min3A_933 : i32
        %select_n3A_941 = arith.select %lt3A_936, %sub3A_940, %sub3A_935 : i32
        %while3A_942 = arith.subi %select_n3A_941, %sub3A_935 : i32
        %while3A_943 = arith.addi %sub3A_935, %while3A_942 : i32
        %while3A_944 = arith.constant 1 : i32
        %while3A_945 = arith.divsi %while3A_942, %while3A_944 : i32
        %while3A_946 = arith.muli %while3A_945, %while3A_944 : i32
        %while3A_947 = arith.addi %sub3A_935, %while3A_946 : i32
        %while3A_948 = arith.constant 1 : i32
        %while3A_949:8 = scf.for %while3A_952 = %sub3A_935 to %while3A_947 step %while3A_948 iter_args(%while3A_953 = %while3A_916#0, %while3A_954 = %while3A_916#1, %while3A_955 = %while3A_916#2, %while3A_956 = %while3A_916#3, %while3A_957 = %while3A_916#4, %while3A_958 = %while3A_916#5, %while3A_959 = %while3A_916#6, %while3A_960 = %while3A_916#7) -> (vector<16xf32>, vector<16xf32>, vector<16xf32>, vector<16xf32>, vector<16xf32>, vector<16xf32>, vector<16xf32>, vector<16xf32>)  : i32 {
          %get3A_961 = arith.index_cast %while3A_952 : i32 to index
          %get3A_962 = arith.constant 0 : index
          %get3A_963 = tpu.vector_load %arg9[%get3A_961, %get3A_962] {strides = array<i32>} : memref<384x128xf32, #tpu.memory_space<vmem>>, vector<16xf32>,
          %add3A_964 = arith.addf %while3A_953, %get3A_963 : vector<16xf32>
          %get3A_965 = arith.index_cast %while3A_952 : i32 to index
          %get3A_966 = arith.constant 16 : index
          %get3A_967 = tpu.vector_load %arg9[%get3A_965, %get3A_966] {strides = array<i32>} : memref<384x128xf32, #tpu.memory_space<vmem>>, vector<16xf32>,
          %add3A_968 = arith.addf %while3A_954, %get3A_967 : vector<16xf32>
          %get3A_969 = arith.index_cast %while3A_952 : i32 to index
          %get3A_970 = arith.constant 32 : index
          %get3A_971 = tpu.vector_load %arg9[%get3A_969, %get3A_970] {strides = array<i32>} : memref<384x128xf32, #tpu.memory_space<vmem>>, vector<16xf32>,
          %add3A_972 = arith.addf %while3A_955, %get3A_971 : vector<16xf32>
          %get3A_973 = arith.index_cast %while3A_952 : i32 to index
          %get3A_974 = arith.constant 48 : index
          %get3A_975 = tpu.vector_load %arg9[%get3A_973, %get3A_974] {strides = array<i32>} : memref<384x128xf32, #tpu.memory_space<vmem>>, vector<16xf32>,
          %add3A_976 = arith.addf %while3A_956, %get3A_975 : vector<16xf32>
          %get3A_977 = arith.index_cast %while3A_952 : i32 to index
          %get3A_978 = arith.constant 64 : index
          %get3A_979 = tpu.vector_load %arg9[%get3A_977, %get3A_978] {strides = array<i32>} : memref<384x128xf32, #tpu.memory_space<vmem>>, vector<16xf32>,
          %add3A_980 = arith.addf %while3A_957, %get3A_979 : vector<16xf32>
          %get3A_981 = arith.index_cast %while3A_952 : i32 to index
          %get3A_982 = arith.constant 80 : index
          %get3A_983 = tpu.vector_load %arg9[%get3A_981, %get3A_982] {strides = array<i32>} : memref<384x128xf32, #tpu.memory_space<vmem>>, vector<16xf32>,
          %add3A_984 = arith.addf %while3A_958, %get3A_983 : vector<16xf32>
          %get3A_985 = arith.index_cast %while3A_952 : i32 to index
          %get3A_986 = arith.constant 96 : index
          %get3A_987 = tpu.vector_load %arg9[%get3A_985, %get3A_986] {strides = array<i32>} : memref<384x128xf32, #tpu.memory_space<vmem>>, vector<16xf32>,
          %add3A_988 = arith.addf %while3A_959, %get3A_987 : vector<16xf32>
          %get3A_989 = arith.index_cast %while3A_952 : i32 to index
          %get3A_990 = arith.constant 112 : index
          %get3A_991 = tpu.vector_load %arg9[%get3A_989, %get3A_990] {strides = array<i32>} : memref<384x128xf32, #tpu.memory_space<vmem>>, vector<16xf32>,
          %add3A_992 = arith.addf %while3A_960, %get3A_991 : vector<16xf32>
          scf.yield %add3A_964, %add3A_968, %add3A_972, %add3A_976, %add3A_980, %add3A_984, %add3A_988, %add3A_992 : vector<16xf32>, vector<16xf32>, vector<16xf32>, vector<16xf32>, vector<16xf32>, vector<16xf32>, vector<16xf32>, vector<16xf32>
        }
        %while3A_950 = arith.constant 1 : i32
        %while3A_951:8 = scf.for %while3A_952 = %while3A_947 to %while3A_943 step %while3A_950 iter_args(%while3A_953 = %while3A_949#0, %while3A_954 = %while3A_949#1, %while3A_955 = %while3A_949#2, %while3A_956 = %while3A_949#3, %while3A_957 = %while3A_949#4, %while3A_958 = %while3A_949#5, %while3A_959 = %while3A_949#6, %while3A_960 = %while3A_949#7) -> (vector<16xf32>, vector<16xf32>, vector<16xf32>, vector<16xf32>, vector<16xf32>, vector<16xf32>, vector<16xf32>, vector<16xf32>)  : i32 {
          %get3A_961 = arith.index_cast %while3A_952 : i32 to index
          %get3A_962 = arith.constant 0 : index
          %get3A_963 = tpu.vector_load %arg9[%get3A_961, %get3A_962] {strides = array<i32>} : memref<384x128xf32, #tpu.memory_space<vmem>>, vector<16xf32>,
          %add3A_964 = arith.addf %while3A_953, %get3A_963 : vector<16xf32>
          %get3A_965 = arith.index_cast %while3A_952 : i32 to index
          %get3A_966 = arith.constant 16 : index
          %get3A_967 = tpu.vector_load %arg9[%get3A_965, %get3A_966] {strides = array<i32>} : memref<384x128xf32, #tpu.memory_space<vmem>>, vector<16xf32>,
          %add3A_968 = arith.addf %while3A_954, %get3A_967 : vector<16xf32>
          %get3A_969 = arith.index_cast %while3A_952 : i32 to index
          %get3A_970 = arith.constant 32 : index
          %get3A_971 = tpu.vector_load %arg9[%get3A_969, %get3A_970] {strides = array<i32>} : memref<384x128xf32, #tpu.memory_space<vmem>>, vector<16xf32>,
          %add3A_972 = arith.addf %while3A_955, %get3A_971 : vector<16xf32>
          %get3A_973 = arith.index_cast %while3A_952 : i32 to index
          %get3A_974 = arith.constant 48 : index
          %get3A_975 = tpu.vector_load %arg9[%get3A_973, %get3A_974] {strides = array<i32>} : memref<384x128xf32, #tpu.memory_space<vmem>>, vector<16xf32>,
          %add3A_976 = arith.addf %while3A_956, %get3A_975 : vector<16xf32>
          %get3A_977 = arith.index_cast %while3A_952 : i32 to index
          %get3A_978 = arith.constant 64 : index
          %get3A_979 = tpu.vector_load %arg9[%get3A_977, %get3A_978] {strides = array<i32>} : memref<384x128xf32, #tpu.memory_space<vmem>>, vector<16xf32>,
          %add3A_980 = arith.addf %while3A_957, %get3A_979 : vector<16xf32>
          %get3A_981 = arith.index_cast %while3A_952 : i32 to index
          %get3A_982 = arith.constant 80 : index
          %get3A_983 = tpu.vector_load %arg9[%get3A_981, %get3A_982] {strides = array<i32>} : memref<384x128xf32, #tpu.memory_space<vmem>>, vector<16xf32>,
          %add3A_984 = arith.addf %while3A_958, %get3A_983 : vector<16xf32>
          %get3A_985 = arith.index_cast %while3A_952 : i32 to index
          %get3A_986 = arith.constant 96 : index
          %get3A_987 = tpu.vector_load %arg9[%get3A_985, %get3A_986] {strides = array<i32>} : memref<384x128xf32, #tpu.memory_space<vmem>>, vector<16xf32>,
          %add3A_988 = arith.addf %while3A_959, %get3A_987 : vector<16xf32>
          %get3A_989 = arith.index_cast %while3A_952 : i32 to index
          %get3A_990 = arith.constant 112 : index
          %get3A_991 = tpu.vector_load %arg9[%get3A_989, %get3A_990] {strides = array<i32>} : memref<384x128xf32, #tpu.memory_space<vmem>>, vector<16xf32>,
          %add3A_992 = arith.addf %while3A_960, %get3A_991 : vector<16xf32>
          scf.yield %add3A_964, %add3A_968, %add3A_972, %add3A_976, %add3A_980, %add3A_984, %add3A_988, %add3A_992 : vector<16xf32>, vector<16xf32>, vector<16xf32>, vector<16xf32>, vector<16xf32>, vector<16xf32>, vector<16xf32>, vector<16xf32>
        }
        scf.yield %while3A_951#0, %while3A_951#1, %while3A_951#2, %while3A_951#3, %while3A_951#4, %while3A_951#5, %while3A_951#6, %while3A_951#7 : vector<16xf32>, vector<16xf32>, vector<16xf32>, vector<16xf32>, vector<16xf32>, vector<16xf32>, vector<16xf32>, vector<16xf32>
      }
      %swap3A_848 = arith.index_cast %while3A_751 : i32 to index
      %swap3A_849 = arith.constant 0 : index
      %swap3A_850 = tpu.vector_load %arg13[%swap3A_848, %swap3A_849] {strides = array<i32>} : memref<32x128xf32, #tpu.memory_space<vmem>>, vector<16xf32>,
      tpu.vector_store %arg13[%swap3A_848, %swap3A_849], %while3A_847#0 {strides = array<i32>} : memref<32x128xf32, #tpu.memory_space<vmem>>, vector<16xf32>,
      %swap3A_851 = arith.index_cast %while3A_751 : i32 to index
      %swap3A_852 = arith.constant 16 : index
      %swap3A_853 = tpu.vector_load %arg13[%swap3A_851, %swap3A_852] {strides = array<i32>} : memref<32x128xf32, #tpu.memory_space<vmem>>, vector<16xf32>,
      tpu.vector_store %arg13[%swap3A_851, %swap3A_852], %while3A_847#1 {strides = array<i32>} : memref<32x128xf32, #tpu.memory_space<vmem>>, vector<16xf32>,
      %swap3A_854 = arith.index_cast %while3A_751 : i32 to index
      %swap3A_855 = arith.constant 32 : index
      %swap3A_856 = tpu.vector_load %arg13[%swap3A_854, %swap3A_855] {strides = array<i32>} : memref<32x128xf32, #tpu.memory_space<vmem>>, vector<16xf32>,
      tpu.vector_store %arg13[%swap3A_854, %swap3A_855], %while3A_847#2 {strides = array<i32>} : memref<32x128xf32, #tpu.memory_space<vmem>>, vector<16xf32>,
      %swap3A_857 = arith.index_cast %while3A_751 : i32 to index
      %swap3A_858 = arith.constant 48 : index
      %swap3A_859 = tpu.vector_load %arg13[%swap3A_857, %swap3A_858] {strides = array<i32>} : memref<32x128xf32, #tpu.memory_space<vmem>>, vector<16xf32>,
      tpu.vector_store %arg13[%swap3A_857, %swap3A_858], %while3A_847#3 {strides = array<i32>} : memref<32x128xf32, #tpu.memory_space<vmem>>, vector<16xf32>,
      %swap3A_860 = arith.index_cast %while3A_751 : i32 to index
      %swap3A_861 = arith.constant 64 : index
      %swap3A_862 = tpu.vector_load %arg13[%swap3A_860, %swap3A_861] {strides = array<i32>} : memref<32x128xf32, #tpu.memory_space<vmem>>, vector<16xf32>,
      tpu.vector_store %arg13[%swap3A_860, %swap3A_861], %while3A_847#4 {strides = array<i32>} : memref<32x128xf32, #tpu.memory_space<vmem>>, vector<16xf32>,
      %swap3A_863 = arith.index_cast %while3A_751 : i32 to index
      %swap3A_864 = arith.constant 80 : index
      %swap3A_865 = tpu.vector_load %arg13[%swap3A_863, %swap3A_864] {strides = array<i32>} : memref<32x128xf32, #tpu.memory_space<vmem>>, vector<16xf32>,
      tpu.vector_store %arg13[%swap3A_863, %swap3A_864], %while3A_847#5 {strides = array<i32>} : memref<32x128xf32, #tpu.memory_space<vmem>>, vector<16xf32>,
      %swap3A_866 = arith.index_cast %while3A_751 : i32 to index
      %swap3A_867 = arith.constant 96 : index
      %swap3A_868 = tpu.vector_load %arg13[%swap3A_866, %swap3A_867] {strides = array<i32>} : memref<32x128xf32, #tpu.memory_space<vmem>>, vector<16xf32>,
      tpu.vector_store %arg13[%swap3A_866, %swap3A_867], %while3A_847#6 {strides = array<i32>} : memref<32x128xf32, #tpu.memory_space<vmem>>, vector<16xf32>,
      %swap3A_869 = arith.index_cast %while3A_751 : i32 to index
      %swap3A_870 = arith.constant 112 : index
      %swap3A_871 = tpu.vector_load %arg13[%swap3A_869, %swap3A_870] {strides = array<i32>} : memref<32x128xf32, #tpu.memory_space<vmem>>, vector<16xf32>,
      tpu.vector_store %arg13[%swap3A_869, %swap3A_870], %while3A_847#7 {strides = array<i32>} : memref<32x128xf32, #tpu.memory_space<vmem>>, vector<16xf32>,
      %while3A_872 = arith.constant 0 : i32
      scf.yield %while3A_872 : i32
    }
    %while3A_749 = arith.constant 1 : i32
    %while3A_750 = scf.for %while3A_751 = %while3A_746 to %while3A_742 step %while3A_749 iter_args(%while3A_752 = %while3A_748) -> (i32)  : i32 {
      %sub3A_753 = arith.constant 1 : i32
      %sub3A_754 = arith.subi %while3A_751, %sub3A_753 : i32
      %max3A = arith.constant 0 : i32
      %max3A_755 = arith.maxsi %sub3A_754, %max3A : i32
      %get3A_756 = arith.index_cast %max3A_755 : i32 to index
      %get3A_757 = tpu.vector_load %arg10[%get3A_756] {strides = array<i32>} : memref<48xi32, #tpu.memory_space<vmem>>, vector<16xi32>,
      %eq3A_758 = arith.constant 0 : i32
      %eq3A_759 = arith.cmpi eq, %while3A_751, %eq3A_758 : i32
      %slice3A = vector.extract_strided_slice %get3A_757 {offsets = [0], sizes = [1], strides = [1]} : vector<16xi32> to vector<1xi32>
      %squeeze3A = vector.extract %slice3A[0] : i32 from vector<1xi32>
      %jit3A = arith.constant 0 : i32
      %select_n3A_760 = arith.select %eq3A_759, %jit3A, %squeeze3A : i32
      %max3A_761 = arith.maxsi %select_n3A_760, %mul3A_695 : i32
      %slice3A_762 = vector.extract_strided_slice %get3A_757 {offsets = [0], sizes = [1], strides = [1]} : vector<16xi32> to vector<1xi32>
      %squeeze3A_763 = vector.extract %slice3A_762[0] : i32 from vector<1xi32>
      %slice3A_764 = vector.extract_strided_slice %get3A_757 {offsets = [1], sizes = [1], strides = [1]} : vector<16xi32> to vector<1xi32>
      %squeeze3A_765 = vector.extract %slice3A_764[0] : i32 from vector<1xi32>
      %select_n3A_766 = arith.select %eq3A_759, %squeeze3A_763, %squeeze3A_765 : i32
      %min3A_767 = arith.minsi %select_n3A_766, %add3A_697 : i32
      %jit3A_768 = arith.constant 0 : i32
      %jit3A_769 = arith.constant 172000 : i32
      %max3A_770 = arith.maxsi %jit3A_768, %max3A_761 : i32
      %min3A_771 = arith.minsi %jit3A_769, %max3A_770 : i32
      %jit3A_772 = arith.constant 172000 : i32
      %max3A_773 = arith.maxsi %min3A_771, %min3A_767 : i32
      %min3A_774 = arith.minsi %jit3A_772, %max3A_773 : i32
      %jit3A_775 = arith.constant 8 : i32
      %div3A = arith.divsi %min3A_771, %jit3A_775 : i32
      %sign3A = arith.constant 0 : i32
      %sign3A_776 = arith.cmpi sgt, %min3A_771, %sign3A : i32
      %sign3A_777 = arith.extui %sign3A_776 : i1 to i32
      %sign3A_778 = arith.constant 0 : i32
      %sign3A_779 = arith.cmpi slt, %min3A_771, %sign3A_778 : i32
      %sign3A_780 = arith.extui %sign3A_779 : i1 to i32
      %sign3A_781 = arith.subi %sign3A_777, %sign3A_780 : i32
      %sign3A_782 = arith.constant 0 : i32
      %sign3A_783 = arith.cmpi sgt, %jit3A_775, %sign3A_782 : i32
      %sign3A_784 = arith.extui %sign3A_783 : i1 to i32
      %sign3A_785 = arith.constant 0 : i32
      %sign3A_786 = arith.cmpi slt, %jit3A_775, %sign3A_785 : i32
      %sign3A_787 = arith.extui %sign3A_786 : i1 to i32
      %sign3A_788 = arith.subi %sign3A_784, %sign3A_787 : i32
      %ne3A = arith.cmpi ne, %sign3A_781, %sign3A_788 : i32
      %rem3A = arith.remsi %min3A_771, %jit3A_775 : i32
      %ne3A_789 = arith.constant 0 : i32
      %ne3A_790 = arith.cmpi ne, %rem3A, %ne3A_789 : i32
      %and3A_791 = arith.andi %ne3A, %ne3A_790 : i1
      %sub3A_792 = arith.constant 1 : i32
      %sub3A_793 = arith.subi %div3A, %sub3A_792 : i32
      %select_n3A_794 = arith.select %and3A_791, %sub3A_793, %div3A : i32
      %mul3A_795 = arith.constant 8 : i32
      %mul3A_796 = arith.muli %select_n3A_794, %mul3A_795 : i32
      %gt3A = arith.cmpi sgt, %min3A_774, %min3A_771 : i32
      %sub3A_797 = arith.subi %min3A_774, %mul3A_796 : i32
      %add3A_798 = arith.constant 383 : i32
      %add3A_799 = arith.addi %sub3A_797, %add3A_798 : i32
      %div3A_800 = arith.constant 384 : i32
      %div3A_801 = arith.divsi %add3A_799, %div3A_800 : i32
      %jit3A_802 = arith.constant 0 : i32
      %select_n3A_803 = arith.select %gt3A, %div3A_801, %jit3A_802 : i32
      %gt3A_804 = arith.constant 0 : i32
      %gt3A_805 = arith.cmpi sgt, %select_n3A_803, %gt3A_804 : i32
      %convert_element_type3A_806 = arith.extui %gt3A_805 : i1 to i32
      %cond3A_807 = arith.constant 0 : i32
      %cond3A_808 = arith.cmpi ne, %convert_element_type3A_806, %cond3A_807 : i32
      scf.if %cond3A_808 {
        %add3A_873 = arith.constant 0 : i32
        %add3A_874 = arith.addi %mul3A_796, %add3A_873 : i32
        %min3A_875 = arith.constant 319616 : i32
        %min3A_876 = arith.minsi %add3A_874, %min3A_875 : i32
        %dma_start3A = arith.constant 0 : i32
        %dma_start3A_877 = tpu.memref_slice %arg2[%min3A_876, %dma_start3A] : memref<320000x128xf32, #tpu.memory_space<hbm>> -> memref<384x128xf32, #tpu.memory_space<hbm>>
        %dma_start3A_878 = arith.constant 0 : i32
        %dma_start3A_879 = tpu.memref_slice %arg2[%min3A_876, %dma_start3A_878] : memref<320000x128xf32, #tpu.memory_space<hbm>> -> memref<384x128xf32, #tpu.memory_space<hbm>>
        tpu.enqueue_dma source(%dma_start3A_879 : memref<384x128xf32, #tpu.memory_space<hbm>>) target(%arg8 : memref<384x128xf32, #tpu.memory_space<vmem>>) target_semaphore(%arg14 : memref<!tpu.dma_semaphore, #tpu.memory_space<semaphore_mem>>)
      } else {
      }
      %broadcast_in_dim3A_809 = arith.constant 0.000000e+00 : f32
      %broadcast_in_dim3A_810 = vector.broadcast %broadcast_in_dim3A_809 : f32 to vector<16xf32>
      %add3A_811 = arith.constant 1 : i32
      %add3A_812 = arith.addi %select_n3A_803, %add3A_811 : i32
      %jit3A_813 = arith.constant 2 : i32
      %div3A_814 = arith.divsi %add3A_812, %jit3A_813 : i32
      %sign3A_815 = arith.constant 0 : i32
      %sign3A_816 = arith.cmpi sgt, %add3A_812, %sign3A_815 : i32
      %sign3A_817 = arith.extui %sign3A_816 : i1 to i32
      %sign3A_818 = arith.constant 0 : i32
      %sign3A_819 = arith.cmpi slt, %add3A_812, %sign3A_818 : i32
      %sign3A_820 = arith.extui %sign3A_819 : i1 to i32
      %sign3A_821 = arith.subi %sign3A_817, %sign3A_820 : i32
      %sign3A_822 = arith.constant 0 : i32
      %sign3A_823 = arith.cmpi sgt, %jit3A_813, %sign3A_822 : i32
      %sign3A_824 = arith.extui %sign3A_823 : i1 to i32
      %sign3A_825 = arith.constant 0 : i32
      %sign3A_826 = arith.cmpi slt, %jit3A_813, %sign3A_825 : i32
      %sign3A_827 = arith.extui %sign3A_826 : i1 to i32
      %sign3A_828 = arith.subi %sign3A_824, %sign3A_827 : i32
      %ne3A_829 = arith.cmpi ne, %sign3A_821, %sign3A_828 : i32
      %rem3A_830 = arith.remsi %add3A_812, %jit3A_813 : i32
      %ne3A_831 = arith.constant 0 : i32
      %ne3A_832 = arith.cmpi ne, %rem3A_830, %ne3A_831 : i32
      %and3A_833 = arith.andi %ne3A_829, %ne3A_832 : i1
      %sub3A_834 = arith.constant 1 : i32
      %sub3A_835 = arith.subi %div3A_814, %sub3A_834 : i32
      %select_n3A_836 = arith.select %and3A_833, %sub3A_835, %div3A_814 : i32
      %while3A_837 = arith.constant 0 : i32
      %while3A_838 = arith.subi %select_n3A_836, %while3A_837 : i32
      %while3A_839 = arith.addi %while3A_837, %while3A_838 : i32
      %while3A_840 = arith.constant 1 : i32
      %while3A_841 = arith.divsi %while3A_838, %while3A_840 : i32
      %while3A_842 = arith.muli %while3A_841, %while3A_840 : i32
      %while3A_843 = arith.addi %while3A_837, %while3A_842 : i32
      %while3A_844 = arith.constant 1 : i32
      %while3A_845:8 = scf.for %while3A_873 = %while3A_837 to %while3A_843 step %while3A_844 iter_args(%while3A_874 = %broadcast_in_dim3A_810, %while3A_875 = %broadcast_in_dim3A_810, %while3A_876 = %broadcast_in_dim3A_810, %while3A_877 = %broadcast_in_dim3A_810, %while3A_878 = %broadcast_in_dim3A_810, %while3A_879 = %broadcast_in_dim3A_810, %while3A_880 = %broadcast_in_dim3A_810, %while3A_881 = %broadcast_in_dim3A_810) -> (vector<16xf32>, vector<16xf32>, vector<16xf32>, vector<16xf32>, vector<16xf32>, vector<16xf32>, vector<16xf32>, vector<16xf32>)  : i32 {
        %mul3A_882 = arith.constant 2 : i32
        %mul3A_883 = arith.muli %mul3A_882, %while3A_873 : i32
        %add3A_884 = arith.constant 1 : i32
        %add3A_885 = arith.addi %mul3A_883, %add3A_884 : i32
        %lt3A_886 = arith.cmpi slt, %add3A_885, %select_n3A_803 : i32
        %convert_element_type3A_887 = arith.extui %lt3A_886 : i1 to i32
        %cond3A_888 = arith.constant 0 : i32
        %cond3A_889 = arith.cmpi ne, %convert_element_type3A_887, %cond3A_888 : i32
        scf.if %cond3A_889 {
          %add3A_952 = arith.constant 1 : i32
          %add3A_953 = arith.addi %mul3A_883, %add3A_952 : i32
          %mul3A_954 = arith.constant 384 : i32
          %mul3A_955 = arith.muli %add3A_953, %mul3A_954 : i32
          %add3A_956 = arith.addi %mul3A_796, %mul3A_955 : i32
          %min3A_957 = arith.constant 319616 : i32
          %min3A_958 = arith.minsi %add3A_956, %min3A_957 : i32
          %dma_start3A = arith.constant 0 : i32
          %dma_start3A_959 = tpu.memref_slice %arg2[%min3A_958, %dma_start3A] : memref<320000x128xf32, #tpu.memory_space<hbm>> -> memref<384x128xf32, #tpu.memory_space<hbm>>
          %dma_start3A_960 = arith.constant 0 : i32
          %dma_start3A_961 = tpu.memref_slice %arg2[%min3A_958, %dma_start3A_960] : memref<320000x128xf32, #tpu.memory_space<hbm>> -> memref<384x128xf32, #tpu.memory_space<hbm>>
          tpu.enqueue_dma source(%dma_start3A_961 : memref<384x128xf32, #tpu.memory_space<hbm>>) target(%arg9 : memref<384x128xf32, #tpu.memory_space<vmem>>) target_semaphore(%arg15 : memref<!tpu.dma_semaphore, #tpu.memory_space<semaphore_mem>>)
        } else {
        }
        %lt3A_890 = arith.cmpi slt, %mul3A_883, %select_n3A_803 : i32
        %convert_element_type3A_891 = arith.extui %lt3A_890 : i1 to i32
        %cond3A_892 = arith.constant 0 : i32
        %cond3A_893 = arith.cmpi ne, %convert_element_type3A_891, %cond3A_892 : i32
        scf.if %cond3A_893 {
          %dma_wait3A = arith.constant 0 : i32
          %dma_wait3A_952 = arith.constant 0 : i32
          %dma_wait3A_953 = tpu.memref_slice %arg2[%dma_wait3A, %dma_wait3A_952] : memref<320000x128xf32, #tpu.memory_space<hbm>> -> memref<384x128xf32, #tpu.memory_space<hbm>>
          %dma_wait3A_954 = arith.constant 0 : i32
          %dma_wait3A_955 = arith.constant 0 : i32
          %dma_wait3A_956 = tpu.memref_slice %arg2[%dma_wait3A_954, %dma_wait3A_955] : memref<320000x128xf32, #tpu.memory_space<hbm>> -> memref<384x128xf32, #tpu.memory_space<hbm>>
          tpu.wait_dma2 semaphore(%arg14 : memref<!tpu.dma_semaphore, #tpu.memory_space<semaphore_mem>>) src(%dma_wait3A_956 : memref<384x128xf32, #tpu.memory_space<hbm>>) dst(%arg8 : memref<384x128xf32, #tpu.memory_space<vmem>>)
        } else {
        }
        %mul3A_894 = arith.constant 384 : i32
        %mul3A_895 = arith.muli %mul3A_883, %mul3A_894 : i32
        %add3A_896 = arith.addi %mul3A_796, %mul3A_895 : i32
        %min3A_897 = arith.constant 319616 : i32
        %min3A_898 = arith.minsi %add3A_896, %min3A_897 : i32
        %max3A_899 = arith.maxsi %min3A_771, %min3A_898 : i32
        %sub3A_900 = arith.subi %max3A_899, %min3A_898 : i32
        %lt3A_901 = arith.cmpi slt, %mul3A_883, %select_n3A_803 : i32
        %add3A_902 = arith.constant 384 : i32
        %add3A_903 = arith.addi %min3A_898, %add3A_902 : i32
        %min3A_904 = arith.minsi %min3A_774, %add3A_903 : i32
        %sub3A_905 = arith.subi %min3A_904, %min3A_898 : i32
        %select_n3A_906 = arith.select %lt3A_901, %sub3A_905, %sub3A_900 : i32
        %while3A_907 = arith.subi %select_n3A_906, %sub3A_900 : i32
        %while3A_908 = arith.addi %sub3A_900, %while3A_907 : i32
        %while3A_909 = arith.constant 1 : i32
        %while3A_910 = arith.divsi %while3A_907, %while3A_909 : i32
        %while3A_911 = arith.muli %while3A_910, %while3A_909 : i32
        %while3A_912 = arith.addi %sub3A_900, %while3A_911 : i32
        %while3A_913 = arith.constant 1 : i32
        %while3A_914:8 = scf.for %while3A_952 = %sub3A_900 to %while3A_912 step %while3A_913 iter_args(%while3A_953 = %while3A_874, %while3A_954 = %while3A_875, %while3A_955 = %while3A_876, %while3A_956 = %while3A_877, %while3A_957 = %while3A_878, %while3A_958 = %while3A_879, %while3A_959 = %while3A_880, %while3A_960 = %while3A_881) -> (vector<16xf32>, vector<16xf32>, vector<16xf32>, vector<16xf32>, vector<16xf32>, vector<16xf32>, vector<16xf32>, vector<16xf32>)  : i32 {
          %get3A_961 = arith.index_cast %while3A_952 : i32 to index
          %get3A_962 = arith.constant 0 : index
          %get3A_963 = tpu.vector_load %arg8[%get3A_961, %get3A_962] {strides = array<i32>} : memref<384x128xf32, #tpu.memory_space<vmem>>, vector<16xf32>,
          %add3A_964 = arith.addf %while3A_953, %get3A_963 : vector<16xf32>
          %get3A_965 = arith.index_cast %while3A_952 : i32 to index
          %get3A_966 = arith.constant 16 : index
          %get3A_967 = tpu.vector_load %arg8[%get3A_965, %get3A_966] {strides = array<i32>} : memref<384x128xf32, #tpu.memory_space<vmem>>, vector<16xf32>,
          %add3A_968 = arith.addf %while3A_954, %get3A_967 : vector<16xf32>
          %get3A_969 = arith.index_cast %while3A_952 : i32 to index
          %get3A_970 = arith.constant 32 : index
          %get3A_971 = tpu.vector_load %arg8[%get3A_969, %get3A_970] {strides = array<i32>} : memref<384x128xf32, #tpu.memory_space<vmem>>, vector<16xf32>,
          %add3A_972 = arith.addf %while3A_955, %get3A_971 : vector<16xf32>
          %get3A_973 = arith.index_cast %while3A_952 : i32 to index
          %get3A_974 = arith.constant 48 : index
          %get3A_975 = tpu.vector_load %arg8[%get3A_973, %get3A_974] {strides = array<i32>} : memref<384x128xf32, #tpu.memory_space<vmem>>, vector<16xf32>,
          %add3A_976 = arith.addf %while3A_956, %get3A_975 : vector<16xf32>
          %get3A_977 = arith.index_cast %while3A_952 : i32 to index
          %get3A_978 = arith.constant 64 : index
          %get3A_979 = tpu.vector_load %arg8[%get3A_977, %get3A_978] {strides = array<i32>} : memref<384x128xf32, #tpu.memory_space<vmem>>, vector<16xf32>,
          %add3A_980 = arith.addf %while3A_957, %get3A_979 : vector<16xf32>
          %get3A_981 = arith.index_cast %while3A_952 : i32 to index
          %get3A_982 = arith.constant 80 : index
          %get3A_983 = tpu.vector_load %arg8[%get3A_981, %get3A_982] {strides = array<i32>} : memref<384x128xf32, #tpu.memory_space<vmem>>, vector<16xf32>,
          %add3A_984 = arith.addf %while3A_958, %get3A_983 : vector<16xf32>
          %get3A_985 = arith.index_cast %while3A_952 : i32 to index
          %get3A_986 = arith.constant 96 : index
          %get3A_987 = tpu.vector_load %arg8[%get3A_985, %get3A_986] {strides = array<i32>} : memref<384x128xf32, #tpu.memory_space<vmem>>, vector<16xf32>,
          %add3A_988 = arith.addf %while3A_959, %get3A_987 : vector<16xf32>
          %get3A_989 = arith.index_cast %while3A_952 : i32 to index
          %get3A_990 = arith.constant 112 : index
          %get3A_991 = tpu.vector_load %arg8[%get3A_989, %get3A_990] {strides = array<i32>} : memref<384x128xf32, #tpu.memory_space<vmem>>, vector<16xf32>,
          %add3A_992 = arith.addf %while3A_960, %get3A_991 : vector<16xf32>
          scf.yield %add3A_964, %add3A_968, %add3A_972, %add3A_976, %add3A_980, %add3A_984, %add3A_988, %add3A_992 : vector<16xf32>, vector<16xf32>, vector<16xf32>, vector<16xf32>, vector<16xf32>, vector<16xf32>, vector<16xf32>, vector<16xf32>
        }
        %while3A_915 = arith.constant 1 : i32
        %while3A_916:8 = scf.for %while3A_952 = %while3A_912 to %while3A_908 step %while3A_915 iter_args(%while3A_953 = %while3A_914#0, %while3A_954 = %while3A_914#1, %while3A_955 = %while3A_914#2, %while3A_956 = %while3A_914#3, %while3A_957 = %while3A_914#4, %while3A_958 = %while3A_914#5, %while3A_959 = %while3A_914#6, %while3A_960 = %while3A_914#7) -> (vector<16xf32>, vector<16xf32>, vector<16xf32>, vector<16xf32>, vector<16xf32>, vector<16xf32>, vector<16xf32>, vector<16xf32>)  : i32 {
          %get3A_961 = arith.index_cast %while3A_952 : i32 to index
          %get3A_962 = arith.constant 0 : index
          %get3A_963 = tpu.vector_load %arg8[%get3A_961, %get3A_962] {strides = array<i32>} : memref<384x128xf32, #tpu.memory_space<vmem>>, vector<16xf32>,
          %add3A_964 = arith.addf %while3A_953, %get3A_963 : vector<16xf32>
          %get3A_965 = arith.index_cast %while3A_952 : i32 to index
          %get3A_966 = arith.constant 16 : index
          %get3A_967 = tpu.vector_load %arg8[%get3A_965, %get3A_966] {strides = array<i32>} : memref<384x128xf32, #tpu.memory_space<vmem>>, vector<16xf32>,
          %add3A_968 = arith.addf %while3A_954, %get3A_967 : vector<16xf32>
          %get3A_969 = arith.index_cast %while3A_952 : i32 to index
          %get3A_970 = arith.constant 32 : index
          %get3A_971 = tpu.vector_load %arg8[%get3A_969, %get3A_970] {strides = array<i32>} : memref<384x128xf32, #tpu.memory_space<vmem>>, vector<16xf32>,
          %add3A_972 = arith.addf %while3A_955, %get3A_971 : vector<16xf32>
          %get3A_973 = arith.index_cast %while3A_952 : i32 to index
          %get3A_974 = arith.constant 48 : index
          %get3A_975 = tpu.vector_load %arg8[%get3A_973, %get3A_974] {strides = array<i32>} : memref<384x128xf32, #tpu.memory_space<vmem>>, vector<16xf32>,
          %add3A_976 = arith.addf %while3A_956, %get3A_975 : vector<16xf32>
          %get3A_977 = arith.index_cast %while3A_952 : i32 to index
          %get3A_978 = arith.constant 64 : index
          %get3A_979 = tpu.vector_load %arg8[%get3A_977, %get3A_978] {strides = array<i32>} : memref<384x128xf32, #tpu.memory_space<vmem>>, vector<16xf32>,
          %add3A_980 = arith.addf %while3A_957, %get3A_979 : vector<16xf32>
          %get3A_981 = arith.index_cast %while3A_952 : i32 to index
          %get3A_982 = arith.constant 80 : index
          %get3A_983 = tpu.vector_load %arg8[%get3A_981, %get3A_982] {strides = array<i32>} : memref<384x128xf32, #tpu.memory_space<vmem>>, vector<16xf32>,
          %add3A_984 = arith.addf %while3A_958, %get3A_983 : vector<16xf32>
          %get3A_985 = arith.index_cast %while3A_952 : i32 to index
          %get3A_986 = arith.constant 96 : index
          %get3A_987 = tpu.vector_load %arg8[%get3A_985, %get3A_986] {strides = array<i32>} : memref<384x128xf32, #tpu.memory_space<vmem>>, vector<16xf32>,
          %add3A_988 = arith.addf %while3A_959, %get3A_987 : vector<16xf32>
          %get3A_989 = arith.index_cast %while3A_952 : i32 to index
          %get3A_990 = arith.constant 112 : index
          %get3A_991 = tpu.vector_load %arg8[%get3A_989, %get3A_990] {strides = array<i32>} : memref<384x128xf32, #tpu.memory_space<vmem>>, vector<16xf32>,
          %add3A_992 = arith.addf %while3A_960, %get3A_991 : vector<16xf32>
          scf.yield %add3A_964, %add3A_968, %add3A_972, %add3A_976, %add3A_980, %add3A_984, %add3A_988, %add3A_992 : vector<16xf32>, vector<16xf32>, vector<16xf32>, vector<16xf32>, vector<16xf32>, vector<16xf32>, vector<16xf32>, vector<16xf32>
        }
        %add3A_917 = arith.constant 1 : i32
        %add3A_918 = arith.addi %mul3A_883, %add3A_917 : i32
        %add3A_919 = arith.constant 1 : i32
        %add3A_920 = arith.addi %add3A_918, %add3A_919 : i32
        %lt3A_921 = arith.cmpi slt, %add3A_920, %select_n3A_803 : i32
        %convert_element_type3A_922 = arith.extui %lt3A_921 : i1 to i32
        %cond3A_923 = arith.constant 0 : i32
        %cond3A_924 = arith.cmpi ne, %convert_element_type3A_922, %cond3A_923 : i32
        scf.if %cond3A_924 {
          %add3A_952 = arith.constant 1 : i32
          %add3A_953 = arith.addi %add3A_918, %add3A_952 : i32
          %mul3A_954 = arith.constant 384 : i32
          %mul3A_955 = arith.muli %add3A_953, %mul3A_954 : i32
          %add3A_956 = arith.addi %mul3A_796, %mul3A_955 : i32
          %min3A_957 = arith.constant 319616 : i32
          %min3A_958 = arith.minsi %add3A_956, %min3A_957 : i32
          %dma_start3A = arith.constant 0 : i32
          %dma_start3A_959 = tpu.memref_slice %arg2[%min3A_958, %dma_start3A] : memref<320000x128xf32, #tpu.memory_space<hbm>> -> memref<384x128xf32, #tpu.memory_space<hbm>>
          %dma_start3A_960 = arith.constant 0 : i32
          %dma_start3A_961 = tpu.memref_slice %arg2[%min3A_958, %dma_start3A_960] : memref<320000x128xf32, #tpu.memory_space<hbm>> -> memref<384x128xf32, #tpu.memory_space<hbm>>
          tpu.enqueue_dma source(%dma_start3A_961 : memref<384x128xf32, #tpu.memory_space<hbm>>) target(%arg8 : memref<384x128xf32, #tpu.memory_space<vmem>>) target_semaphore(%arg14 : memref<!tpu.dma_semaphore, #tpu.memory_space<semaphore_mem>>)
        } else {
        }
        %lt3A_925 = arith.cmpi slt, %add3A_918, %select_n3A_803 : i32
        %convert_element_type3A_926 = arith.extui %lt3A_925 : i1 to i32
        %cond3A_927 = arith.constant 0 : i32
        %cond3A_928 = arith.cmpi ne, %convert_element_type3A_926, %cond3A_927 : i32
        scf.if %cond3A_928 {
          %dma_wait3A = arith.constant 0 : i32
          %dma_wait3A_952 = arith.constant 0 : i32
          %dma_wait3A_953 = tpu.memref_slice %arg2[%dma_wait3A, %dma_wait3A_952] : memref<320000x128xf32, #tpu.memory_space<hbm>> -> memref<384x128xf32, #tpu.memory_space<hbm>>
          %dma_wait3A_954 = arith.constant 0 : i32
          %dma_wait3A_955 = arith.constant 0 : i32
          %dma_wait3A_956 = tpu.memref_slice %arg2[%dma_wait3A_954, %dma_wait3A_955] : memref<320000x128xf32, #tpu.memory_space<hbm>> -> memref<384x128xf32, #tpu.memory_space<hbm>>
          tpu.wait_dma2 semaphore(%arg15 : memref<!tpu.dma_semaphore, #tpu.memory_space<semaphore_mem>>) src(%dma_wait3A_956 : memref<384x128xf32, #tpu.memory_space<hbm>>) dst(%arg9 : memref<384x128xf32, #tpu.memory_space<vmem>>)
        } else {
        }
        %mul3A_929 = arith.constant 384 : i32
        %mul3A_930 = arith.muli %add3A_918, %mul3A_929 : i32
        %add3A_931 = arith.addi %mul3A_796, %mul3A_930 : i32
        %min3A_932 = arith.constant 319616 : i32
        %min3A_933 = arith.minsi %add3A_931, %min3A_932 : i32
        %max3A_934 = arith.maxsi %min3A_771, %min3A_933 : i32
        %sub3A_935 = arith.subi %max3A_934, %min3A_933 : i32
        %lt3A_936 = arith.cmpi slt, %add3A_918, %select_n3A_803 : i32
        %add3A_937 = arith.constant 384 : i32
        %add3A_938 = arith.addi %min3A_933, %add3A_937 : i32
        %min3A_939 = arith.minsi %min3A_774, %add3A_938 : i32
        %sub3A_940 = arith.subi %min3A_939, %min3A_933 : i32
        %select_n3A_941 = arith.select %lt3A_936, %sub3A_940, %sub3A_935 : i32
        %while3A_942 = arith.subi %select_n3A_941, %sub3A_935 : i32
        %while3A_943 = arith.addi %sub3A_935, %while3A_942 : i32
        %while3A_944 = arith.constant 1 : i32
        %while3A_945 = arith.divsi %while3A_942, %while3A_944 : i32
        %while3A_946 = arith.muli %while3A_945, %while3A_944 : i32
        %while3A_947 = arith.addi %sub3A_935, %while3A_946 : i32
        %while3A_948 = arith.constant 1 : i32
        %while3A_949:8 = scf.for %while3A_952 = %sub3A_935 to %while3A_947 step %while3A_948 iter_args(%while3A_953 = %while3A_916#0, %while3A_954 = %while3A_916#1, %while3A_955 = %while3A_916#2, %while3A_956 = %while3A_916#3, %while3A_957 = %while3A_916#4, %while3A_958 = %while3A_916#5, %while3A_959 = %while3A_916#6, %while3A_960 = %while3A_916#7) -> (vector<16xf32>, vector<16xf32>, vector<16xf32>, vector<16xf32>, vector<16xf32>, vector<16xf32>, vector<16xf32>, vector<16xf32>)  : i32 {
          %get3A_961 = arith.index_cast %while3A_952 : i32 to index
          %get3A_962 = arith.constant 0 : index
          %get3A_963 = tpu.vector_load %arg9[%get3A_961, %get3A_962] {strides = array<i32>} : memref<384x128xf32, #tpu.memory_space<vmem>>, vector<16xf32>,
          %add3A_964 = arith.addf %while3A_953, %get3A_963 : vector<16xf32>
          %get3A_965 = arith.index_cast %while3A_952 : i32 to index
          %get3A_966 = arith.constant 16 : index
          %get3A_967 = tpu.vector_load %arg9[%get3A_965, %get3A_966] {strides = array<i32>} : memref<384x128xf32, #tpu.memory_space<vmem>>, vector<16xf32>,
          %add3A_968 = arith.addf %while3A_954, %get3A_967 : vector<16xf32>
          %get3A_969 = arith.index_cast %while3A_952 : i32 to index
          %get3A_970 = arith.constant 32 : index
          %get3A_971 = tpu.vector_load %arg9[%get3A_969, %get3A_970] {strides = array<i32>} : memref<384x128xf32, #tpu.memory_space<vmem>>, vector<16xf32>,
          %add3A_972 = arith.addf %while3A_955, %get3A_971 : vector<16xf32>
          %get3A_973 = arith.index_cast %while3A_952 : i32 to index
          %get3A_974 = arith.constant 48 : index
          %get3A_975 = tpu.vector_load %arg9[%get3A_973, %get3A_974] {strides = array<i32>} : memref<384x128xf32, #tpu.memory_space<vmem>>, vector<16xf32>,
          %add3A_976 = arith.addf %while3A_956, %get3A_975 : vector<16xf32>
          %get3A_977 = arith.index_cast %while3A_952 : i32 to index
          %get3A_978 = arith.constant 64 : index
          %get3A_979 = tpu.vector_load %arg9[%get3A_977, %get3A_978] {strides = array<i32>} : memref<384x128xf32, #tpu.memory_space<vmem>>, vector<16xf32>,
          %add3A_980 = arith.addf %while3A_957, %get3A_979 : vector<16xf32>
          %get3A_981 = arith.index_cast %while3A_952 : i32 to index
          %get3A_982 = arith.constant 80 : index
          %get3A_983 = tpu.vector_load %arg9[%get3A_981, %get3A_982] {strides = array<i32>} : memref<384x128xf32, #tpu.memory_space<vmem>>, vector<16xf32>,
          %add3A_984 = arith.addf %while3A_958, %get3A_983 : vector<16xf32>
          %get3A_985 = arith.index_cast %while3A_952 : i32 to index
          %get3A_986 = arith.constant 96 : index
          %get3A_987 = tpu.vector_load %arg9[%get3A_985, %get3A_986] {strides = array<i32>} : memref<384x128xf32, #tpu.memory_space<vmem>>, vector<16xf32>,
          %add3A_988 = arith.addf %while3A_959, %get3A_987 : vector<16xf32>
          %get3A_989 = arith.index_cast %while3A_952 : i32 to index
          %get3A_990 = arith.constant 112 : index
          %get3A_991 = tpu.vector_load %arg9[%get3A_989, %get3A_990] {strides = array<i32>} : memref<384x128xf32, #tpu.memory_space<vmem>>, vector<16xf32>,
          %add3A_992 = arith.addf %while3A_960, %get3A_991 : vector<16xf32>
          scf.yield %add3A_964, %add3A_968, %add3A_972, %add3A_976, %add3A_980, %add3A_984, %add3A_988, %add3A_992 : vector<16xf32>, vector<16xf32>, vector<16xf32>, vector<16xf32>, vector<16xf32>, vector<16xf32>, vector<16xf32>, vector<16xf32>
        }
        %while3A_950 = arith.constant 1 : i32
        %while3A_951:8 = scf.for %while3A_952 = %while3A_947 to %while3A_943 step %while3A_950 iter_args(%while3A_953 = %while3A_949#0, %while3A_954 = %while3A_949#1, %while3A_955 = %while3A_949#2, %while3A_956 = %while3A_949#3, %while3A_957 = %while3A_949#4, %while3A_958 = %while3A_949#5, %while3A_959 = %while3A_949#6, %while3A_960 = %while3A_949#7) -> (vector<16xf32>, vector<16xf32>, vector<16xf32>, vector<16xf32>, vector<16xf32>, vector<16xf32>, vector<16xf32>, vector<16xf32>)  : i32 {
          %get3A_961 = arith.index_cast %while3A_952 : i32 to index
          %get3A_962 = arith.constant 0 : index
          %get3A_963 = tpu.vector_load %arg9[%get3A_961, %get3A_962] {strides = array<i32>} : memref<384x128xf32, #tpu.memory_space<vmem>>, vector<16xf32>,
          %add3A_964 = arith.addf %while3A_953, %get3A_963 : vector<16xf32>
          %get3A_965 = arith.index_cast %while3A_952 : i32 to index
          %get3A_966 = arith.constant 16 : index
          %get3A_967 = tpu.vector_load %arg9[%get3A_965, %get3A_966] {strides = array<i32>} : memref<384x128xf32, #tpu.memory_space<vmem>>, vector<16xf32>,
          %add3A_968 = arith.addf %while3A_954, %get3A_967 : vector<16xf32>
          %get3A_969 = arith.index_cast %while3A_952 : i32 to index
          %get3A_970 = arith.constant 32 : index
          %get3A_971 = tpu.vector_load %arg9[%get3A_969, %get3A_970] {strides = array<i32>} : memref<384x128xf32, #tpu.memory_space<vmem>>, vector<16xf32>,
          %add3A_972 = arith.addf %while3A_955, %get3A_971 : vector<16xf32>
          %get3A_973 = arith.index_cast %while3A_952 : i32 to index
          %get3A_974 = arith.constant 48 : index
          %get3A_975 = tpu.vector_load %arg9[%get3A_973, %get3A_974] {strides = array<i32>} : memref<384x128xf32, #tpu.memory_space<vmem>>, vector<16xf32>,
          %add3A_976 = arith.addf %while3A_956, %get3A_975 : vector<16xf32>
          %get3A_977 = arith.index_cast %while3A_952 : i32 to index
          %get3A_978 = arith.constant 64 : index
          %get3A_979 = tpu.vector_load %arg9[%get3A_977, %get3A_978] {strides = array<i32>} : memref<384x128xf32, #tpu.memory_space<vmem>>, vector<16xf32>,
          %add3A_980 = arith.addf %while3A_957, %get3A_979 : vector<16xf32>
          %get3A_981 = arith.index_cast %while3A_952 : i32 to index
          %get3A_982 = arith.constant 80 : index
          %get3A_983 = tpu.vector_load %arg9[%get3A_981, %get3A_982] {strides = array<i32>} : memref<384x128xf32, #tpu.memory_space<vmem>>, vector<16xf32>,
          %add3A_984 = arith.addf %while3A_958, %get3A_983 : vector<16xf32>
          %get3A_985 = arith.index_cast %while3A_952 : i32 to index
          %get3A_986 = arith.constant 96 : index
          %get3A_987 = tpu.vector_load %arg9[%get3A_985, %get3A_986] {strides = array<i32>} : memref<384x128xf32, #tpu.memory_space<vmem>>, vector<16xf32>,
          %add3A_988 = arith.addf %while3A_959, %get3A_987 : vector<16xf32>
          %get3A_989 = arith.index_cast %while3A_952 : i32 to index
          %get3A_990 = arith.constant 112 : index
          %get3A_991 = tpu.vector_load %arg9[%get3A_989, %get3A_990] {strides = array<i32>} : memref<384x128xf32, #tpu.memory_space<vmem>>, vector<16xf32>,
          %add3A_992 = arith.addf %while3A_960, %get3A_991 : vector<16xf32>
          scf.yield %add3A_964, %add3A_968, %add3A_972, %add3A_976, %add3A_980, %add3A_984, %add3A_988, %add3A_992 : vector<16xf32>, vector<16xf32>, vector<16xf32>, vector<16xf32>, vector<16xf32>, vector<16xf32>, vector<16xf32>, vector<16xf32>
        }
        scf.yield %while3A_951#0, %while3A_951#1, %while3A_951#2, %while3A_951#3, %while3A_951#4, %while3A_951#5, %while3A_951#6, %while3A_951#7 : vector<16xf32>, vector<16xf32>, vector<16xf32>, vector<16xf32>, vector<16xf32>, vector<16xf32>, vector<16xf32>, vector<16xf32>
      }
      %while3A_846 = arith.constant 1 : i32
      %while3A_847:8 = scf.for %while3A_873 = %while3A_843 to %while3A_839 step %while3A_846 iter_args(%while3A_874 = %while3A_845#0, %while3A_875 = %while3A_845#1, %while3A_876 = %while3A_845#2, %while3A_877 = %while3A_845#3, %while3A_878 = %while3A_845#4, %while3A_879 = %while3A_845#5, %while3A_880 = %while3A_845#6, %while3A_881 = %while3A_845#7) -> (vector<16xf32>, vector<16xf32>, vector<16xf32>, vector<16xf32>, vector<16xf32>, vector<16xf32>, vector<16xf32>, vector<16xf32>)  : i32 {
        %mul3A_882 = arith.constant 2 : i32
        %mul3A_883 = arith.muli %mul3A_882, %while3A_873 : i32
        %add3A_884 = arith.constant 1 : i32
        %add3A_885 = arith.addi %mul3A_883, %add3A_884 : i32
        %lt3A_886 = arith.cmpi slt, %add3A_885, %select_n3A_803 : i32
        %convert_element_type3A_887 = arith.extui %lt3A_886 : i1 to i32
        %cond3A_888 = arith.constant 0 : i32
        %cond3A_889 = arith.cmpi ne, %convert_element_type3A_887, %cond3A_888 : i32
        scf.if %cond3A_889 {
          %add3A_952 = arith.constant 1 : i32
          %add3A_953 = arith.addi %mul3A_883, %add3A_952 : i32
          %mul3A_954 = arith.constant 384 : i32
          %mul3A_955 = arith.muli %add3A_953, %mul3A_954 : i32
          %add3A_956 = arith.addi %mul3A_796, %mul3A_955 : i32
          %min3A_957 = arith.constant 319616 : i32
          %min3A_958 = arith.minsi %add3A_956, %min3A_957 : i32
          %dma_start3A = arith.constant 0 : i32
          %dma_start3A_959 = tpu.memref_slice %arg2[%min3A_958, %dma_start3A] : memref<320000x128xf32, #tpu.memory_space<hbm>> -> memref<384x128xf32, #tpu.memory_space<hbm>>
          %dma_start3A_960 = arith.constant 0 : i32
          %dma_start3A_961 = tpu.memref_slice %arg2[%min3A_958, %dma_start3A_960] : memref<320000x128xf32, #tpu.memory_space<hbm>> -> memref<384x128xf32, #tpu.memory_space<hbm>>
          tpu.enqueue_dma source(%dma_start3A_961 : memref<384x128xf32, #tpu.memory_space<hbm>>) target(%arg9 : memref<384x128xf32, #tpu.memory_space<vmem>>) target_semaphore(%arg15 : memref<!tpu.dma_semaphore, #tpu.memory_space<semaphore_mem>>)
        } else {
        }
        %lt3A_890 = arith.cmpi slt, %mul3A_883, %select_n3A_803 : i32
        %convert_element_type3A_891 = arith.extui %lt3A_890 : i1 to i32
        %cond3A_892 = arith.constant 0 : i32
        %cond3A_893 = arith.cmpi ne, %convert_element_type3A_891, %cond3A_892 : i32
        scf.if %cond3A_893 {
          %dma_wait3A = arith.constant 0 : i32
          %dma_wait3A_952 = arith.constant 0 : i32
          %dma_wait3A_953 = tpu.memref_slice %arg2[%dma_wait3A, %dma_wait3A_952] : memref<320000x128xf32, #tpu.memory_space<hbm>> -> memref<384x128xf32, #tpu.memory_space<hbm>>
          %dma_wait3A_954 = arith.constant 0 : i32
          %dma_wait3A_955 = arith.constant 0 : i32
          %dma_wait3A_956 = tpu.memref_slice %arg2[%dma_wait3A_954, %dma_wait3A_955] : memref<320000x128xf32, #tpu.memory_space<hbm>> -> memref<384x128xf32, #tpu.memory_space<hbm>>
          tpu.wait_dma2 semaphore(%arg14 : memref<!tpu.dma_semaphore, #tpu.memory_space<semaphore_mem>>) src(%dma_wait3A_956 : memref<384x128xf32, #tpu.memory_space<hbm>>) dst(%arg8 : memref<384x128xf32, #tpu.memory_space<vmem>>)
        } else {
        }
        %mul3A_894 = arith.constant 384 : i32
        %mul3A_895 = arith.muli %mul3A_883, %mul3A_894 : i32
        %add3A_896 = arith.addi %mul3A_796, %mul3A_895 : i32
        %min3A_897 = arith.constant 319616 : i32
        %min3A_898 = arith.minsi %add3A_896, %min3A_897 : i32
        %max3A_899 = arith.maxsi %min3A_771, %min3A_898 : i32
        %sub3A_900 = arith.subi %max3A_899, %min3A_898 : i32
        %lt3A_901 = arith.cmpi slt, %mul3A_883, %select_n3A_803 : i32
        %add3A_902 = arith.constant 384 : i32
        %add3A_903 = arith.addi %min3A_898, %add3A_902 : i32
        %min3A_904 = arith.minsi %min3A_774, %add3A_903 : i32
        %sub3A_905 = arith.subi %min3A_904, %min3A_898 : i32
        %select_n3A_906 = arith.select %lt3A_901, %sub3A_905, %sub3A_900 : i32
        %while3A_907 = arith.subi %select_n3A_906, %sub3A_900 : i32
        %while3A_908 = arith.addi %sub3A_900, %while3A_907 : i32
        %while3A_909 = arith.constant 1 : i32
        %while3A_910 = arith.divsi %while3A_907, %while3A_909 : i32
        %while3A_911 = arith.muli %while3A_910, %while3A_909 : i32
        %while3A_912 = arith.addi %sub3A_900, %while3A_911 : i32
        %while3A_913 = arith.constant 1 : i32
        %while3A_914:8 = scf.for %while3A_952 = %sub3A_900 to %while3A_912 step %while3A_913 iter_args(%while3A_953 = %while3A_874, %while3A_954 = %while3A_875, %while3A_955 = %while3A_876, %while3A_956 = %while3A_877, %while3A_957 = %while3A_878, %while3A_958 = %while3A_879, %while3A_959 = %while3A_880, %while3A_960 = %while3A_881) -> (vector<16xf32>, vector<16xf32>, vector<16xf32>, vector<16xf32>, vector<16xf32>, vector<16xf32>, vector<16xf32>, vector<16xf32>)  : i32 {
          %get3A_961 = arith.index_cast %while3A_952 : i32 to index
          %get3A_962 = arith.constant 0 : index
          %get3A_963 = tpu.vector_load %arg8[%get3A_961, %get3A_962] {strides = array<i32>} : memref<384x128xf32, #tpu.memory_space<vmem>>, vector<16xf32>,
          %add3A_964 = arith.addf %while3A_953, %get3A_963 : vector<16xf32>
          %get3A_965 = arith.index_cast %while3A_952 : i32 to index
          %get3A_966 = arith.constant 16 : index
          %get3A_967 = tpu.vector_load %arg8[%get3A_965, %get3A_966] {strides = array<i32>} : memref<384x128xf32, #tpu.memory_space<vmem>>, vector<16xf32>,
          %add3A_968 = arith.addf %while3A_954, %get3A_967 : vector<16xf32>
          %get3A_969 = arith.index_cast %while3A_952 : i32 to index
          %get3A_970 = arith.constant 32 : index
          %get3A_971 = tpu.vector_load %arg8[%get3A_969, %get3A_970] {strides = array<i32>} : memref<384x128xf32, #tpu.memory_space<vmem>>, vector<16xf32>,
          %add3A_972 = arith.addf %while3A_955, %get3A_971 : vector<16xf32>
          %get3A_973 = arith.index_cast %while3A_952 : i32 to index
          %get3A_974 = arith.constant 48 : index
          %get3A_975 = tpu.vector_load %arg8[%get3A_973, %get3A_974] {strides = array<i32>} : memref<384x128xf32, #tpu.memory_space<vmem>>, vector<16xf32>,
          %add3A_976 = arith.addf %while3A_956, %get3A_975 : vector<16xf32>
          %get3A_977 = arith.index_cast %while3A_952 : i32 to index
          %get3A_978 = arith.constant 64 : index
          %get3A_979 = tpu.vector_load %arg8[%get3A_977, %get3A_978] {strides = array<i32>} : memref<384x128xf32, #tpu.memory_space<vmem>>, vector<16xf32>,
          %add3A_980 = arith.addf %while3A_957, %get3A_979 : vector<16xf32>
          %get3A_981 = arith.index_cast %while3A_952 : i32 to index
          %get3A_982 = arith.constant 80 : index
          %get3A_983 = tpu.vector_load %arg8[%get3A_981, %get3A_982] {strides = array<i32>} : memref<384x128xf32, #tpu.memory_space<vmem>>, vector<16xf32>,
          %add3A_984 = arith.addf %while3A_958, %get3A_983 : vector<16xf32>
          %get3A_985 = arith.index_cast %while3A_952 : i32 to index
          %get3A_986 = arith.constant 96 : index
          %get3A_987 = tpu.vector_load %arg8[%get3A_985, %get3A_986] {strides = array<i32>} : memref<384x128xf32, #tpu.memory_space<vmem>>, vector<16xf32>,
          %add3A_988 = arith.addf %while3A_959, %get3A_987 : vector<16xf32>
          %get3A_989 = arith.index_cast %while3A_952 : i32 to index
          %get3A_990 = arith.constant 112 : index
          %get3A_991 = tpu.vector_load %arg8[%get3A_989, %get3A_990] {strides = array<i32>} : memref<384x128xf32, #tpu.memory_space<vmem>>, vector<16xf32>,
          %add3A_992 = arith.addf %while3A_960, %get3A_991 : vector<16xf32>
          scf.yield %add3A_964, %add3A_968, %add3A_972, %add3A_976, %add3A_980, %add3A_984, %add3A_988, %add3A_992 : vector<16xf32>, vector<16xf32>, vector<16xf32>, vector<16xf32>, vector<16xf32>, vector<16xf32>, vector<16xf32>, vector<16xf32>
        }
        %while3A_915 = arith.constant 1 : i32
        %while3A_916:8 = scf.for %while3A_952 = %while3A_912 to %while3A_908 step %while3A_915 iter_args(%while3A_953 = %while3A_914#0, %while3A_954 = %while3A_914#1, %while3A_955 = %while3A_914#2, %while3A_956 = %while3A_914#3, %while3A_957 = %while3A_914#4, %while3A_958 = %while3A_914#5, %while3A_959 = %while3A_914#6, %while3A_960 = %while3A_914#7) -> (vector<16xf32>, vector<16xf32>, vector<16xf32>, vector<16xf32>, vector<16xf32>, vector<16xf32>, vector<16xf32>, vector<16xf32>)  : i32 {
          %get3A_961 = arith.index_cast %while3A_952 : i32 to index
          %get3A_962 = arith.constant 0 : index
          %get3A_963 = tpu.vector_load %arg8[%get3A_961, %get3A_962] {strides = array<i32>} : memref<384x128xf32, #tpu.memory_space<vmem>>, vector<16xf32>,
          %add3A_964 = arith.addf %while3A_953, %get3A_963 : vector<16xf32>
          %get3A_965 = arith.index_cast %while3A_952 : i32 to index
          %get3A_966 = arith.constant 16 : index
          %get3A_967 = tpu.vector_load %arg8[%get3A_965, %get3A_966] {strides = array<i32>} : memref<384x128xf32, #tpu.memory_space<vmem>>, vector<16xf32>,
          %add3A_968 = arith.addf %while3A_954, %get3A_967 : vector<16xf32>
          %get3A_969 = arith.index_cast %while3A_952 : i32 to index
          %get3A_970 = arith.constant 32 : index
          %get3A_971 = tpu.vector_load %arg8[%get3A_969, %get3A_970] {strides = array<i32>} : memref<384x128xf32, #tpu.memory_space<vmem>>, vector<16xf32>,
          %add3A_972 = arith.addf %while3A_955, %get3A_971 : vector<16xf32>
          %get3A_973 = arith.index_cast %while3A_952 : i32 to index
          %get3A_974 = arith.constant 48 : index
          %get3A_975 = tpu.vector_load %arg8[%get3A_973, %get3A_974] {strides = array<i32>} : memref<384x128xf32, #tpu.memory_space<vmem>>, vector<16xf32>,
          %add3A_976 = arith.addf %while3A_956, %get3A_975 : vector<16xf32>
          %get3A_977 = arith.index_cast %while3A_952 : i32 to index
          %get3A_978 = arith.constant 64 : index
          %get3A_979 = tpu.vector_load %arg8[%get3A_977, %get3A_978] {strides = array<i32>} : memref<384x128xf32, #tpu.memory_space<vmem>>, vector<16xf32>,
          %add3A_980 = arith.addf %while3A_957, %get3A_979 : vector<16xf32>
          %get3A_981 = arith.index_cast %while3A_952 : i32 to index
          %get3A_982 = arith.constant 80 : index
          %get3A_983 = tpu.vector_load %arg8[%get3A_981, %get3A_982] {strides = array<i32>} : memref<384x128xf32, #tpu.memory_space<vmem>>, vector<16xf32>,
          %add3A_984 = arith.addf %while3A_958, %get3A_983 : vector<16xf32>
          %get3A_985 = arith.index_cast %while3A_952 : i32 to index
          %get3A_986 = arith.constant 96 : index
          %get3A_987 = tpu.vector_load %arg8[%get3A_985, %get3A_986] {strides = array<i32>} : memref<384x128xf32, #tpu.memory_space<vmem>>, vector<16xf32>,
          %add3A_988 = arith.addf %while3A_959, %get3A_987 : vector<16xf32>
          %get3A_989 = arith.index_cast %while3A_952 : i32 to index
          %get3A_990 = arith.constant 112 : index
          %get3A_991 = tpu.vector_load %arg8[%get3A_989, %get3A_990] {strides = array<i32>} : memref<384x128xf32, #tpu.memory_space<vmem>>, vector<16xf32>,
          %add3A_992 = arith.addf %while3A_960, %get3A_991 : vector<16xf32>
          scf.yield %add3A_964, %add3A_968, %add3A_972, %add3A_976, %add3A_980, %add3A_984, %add3A_988, %add3A_992 : vector<16xf32>, vector<16xf32>, vector<16xf32>, vector<16xf32>, vector<16xf32>, vector<16xf32>, vector<16xf32>, vector<16xf32>
        }
        %add3A_917 = arith.constant 1 : i32
        %add3A_918 = arith.addi %mul3A_883, %add3A_917 : i32
        %add3A_919 = arith.constant 1 : i32
        %add3A_920 = arith.addi %add3A_918, %add3A_919 : i32
        %lt3A_921 = arith.cmpi slt, %add3A_920, %select_n3A_803 : i32
        %convert_element_type3A_922 = arith.extui %lt3A_921 : i1 to i32
        %cond3A_923 = arith.constant 0 : i32
        %cond3A_924 = arith.cmpi ne, %convert_element_type3A_922, %cond3A_923 : i32
        scf.if %cond3A_924 {
          %add3A_952 = arith.constant 1 : i32
          %add3A_953 = arith.addi %add3A_918, %add3A_952 : i32
          %mul3A_954 = arith.constant 384 : i32
          %mul3A_955 = arith.muli %add3A_953, %mul3A_954 : i32
          %add3A_956 = arith.addi %mul3A_796, %mul3A_955 : i32
          %min3A_957 = arith.constant 319616 : i32
          %min3A_958 = arith.minsi %add3A_956, %min3A_957 : i32
          %dma_start3A = arith.constant 0 : i32
          %dma_start3A_959 = tpu.memref_slice %arg2[%min3A_958, %dma_start3A] : memref<320000x128xf32, #tpu.memory_space<hbm>> -> memref<384x128xf32, #tpu.memory_space<hbm>>
          %dma_start3A_960 = arith.constant 0 : i32
          %dma_start3A_961 = tpu.memref_slice %arg2[%min3A_958, %dma_start3A_960] : memref<320000x128xf32, #tpu.memory_space<hbm>> -> memref<384x128xf32, #tpu.memory_space<hbm>>
          tpu.enqueue_dma source(%dma_start3A_961 : memref<384x128xf32, #tpu.memory_space<hbm>>) target(%arg8 : memref<384x128xf32, #tpu.memory_space<vmem>>) target_semaphore(%arg14 : memref<!tpu.dma_semaphore, #tpu.memory_space<semaphore_mem>>)
        } else {
        }
        %lt3A_925 = arith.cmpi slt, %add3A_918, %select_n3A_803 : i32
        %convert_element_type3A_926 = arith.extui %lt3A_925 : i1 to i32
        %cond3A_927 = arith.constant 0 : i32
        %cond3A_928 = arith.cmpi ne, %convert_element_type3A_926, %cond3A_927 : i32
        scf.if %cond3A_928 {
          %dma_wait3A = arith.constant 0 : i32
          %dma_wait3A_952 = arith.constant 0 : i32
          %dma_wait3A_953 = tpu.memref_slice %arg2[%dma_wait3A, %dma_wait3A_952] : memref<320000x128xf32, #tpu.memory_space<hbm>> -> memref<384x128xf32, #tpu.memory_space<hbm>>
          %dma_wait3A_954 = arith.constant 0 : i32
          %dma_wait3A_955 = arith.constant 0 : i32
          %dma_wait3A_956 = tpu.memref_slice %arg2[%dma_wait3A_954, %dma_wait3A_955] : memref<320000x128xf32, #tpu.memory_space<hbm>> -> memref<384x128xf32, #tpu.memory_space<hbm>>
          tpu.wait_dma2 semaphore(%arg15 : memref<!tpu.dma_semaphore, #tpu.memory_space<semaphore_mem>>) src(%dma_wait3A_956 : memref<384x128xf32, #tpu.memory_space<hbm>>) dst(%arg9 : memref<384x128xf32, #tpu.memory_space<vmem>>)
        } else {
        }
        %mul3A_929 = arith.constant 384 : i32
        %mul3A_930 = arith.muli %add3A_918, %mul3A_929 : i32
        %add3A_931 = arith.addi %mul3A_796, %mul3A_930 : i32
        %min3A_932 = arith.constant 319616 : i32
        %min3A_933 = arith.minsi %add3A_931, %min3A_932 : i32
        %max3A_934 = arith.maxsi %min3A_771, %min3A_933 : i32
        %sub3A_935 = arith.subi %max3A_934, %min3A_933 : i32
        %lt3A_936 = arith.cmpi slt, %add3A_918, %select_n3A_803 : i32
        %add3A_937 = arith.constant 384 : i32
        %add3A_938 = arith.addi %min3A_933, %add3A_937 : i32
        %min3A_939 = arith.minsi %min3A_774, %add3A_938 : i32
        %sub3A_940 = arith.subi %min3A_939, %min3A_933 : i32
        %select_n3A_941 = arith.select %lt3A_936, %sub3A_940, %sub3A_935 : i32
        %while3A_942 = arith.subi %select_n3A_941, %sub3A_935 : i32
        %while3A_943 = arith.addi %sub3A_935, %while3A_942 : i32
        %while3A_944 = arith.constant 1 : i32
        %while3A_945 = arith.divsi %while3A_942, %while3A_944 : i32
        %while3A_946 = arith.muli %while3A_945, %while3A_944 : i32
        %while3A_947 = arith.addi %sub3A_935, %while3A_946 : i32
        %while3A_948 = arith.constant 1 : i32
        %while3A_949:8 = scf.for %while3A_952 = %sub3A_935 to %while3A_947 step %while3A_948 iter_args(%while3A_953 = %while3A_916#0, %while3A_954 = %while3A_916#1, %while3A_955 = %while3A_916#2, %while3A_956 = %while3A_916#3, %while3A_957 = %while3A_916#4, %while3A_958 = %while3A_916#5, %while3A_959 = %while3A_916#6, %while3A_960 = %while3A_916#7) -> (vector<16xf32>, vector<16xf32>, vector<16xf32>, vector<16xf32>, vector<16xf32>, vector<16xf32>, vector<16xf32>, vector<16xf32>)  : i32 {
          %get3A_961 = arith.index_cast %while3A_952 : i32 to index
          %get3A_962 = arith.constant 0 : index
          %get3A_963 = tpu.vector_load %arg9[%get3A_961, %get3A_962] {strides = array<i32>} : memref<384x128xf32, #tpu.memory_space<vmem>>, vector<16xf32>,
          %add3A_964 = arith.addf %while3A_953, %get3A_963 : vector<16xf32>
          %get3A_965 = arith.index_cast %while3A_952 : i32 to index
          %get3A_966 = arith.constant 16 : index
          %get3A_967 = tpu.vector_load %arg9[%get3A_965, %get3A_966] {strides = array<i32>} : memref<384x128xf32, #tpu.memory_space<vmem>>, vector<16xf32>,
          %add3A_968 = arith.addf %while3A_954, %get3A_967 : vector<16xf32>
          %get3A_969 = arith.index_cast %while3A_952 : i32 to index
          %get3A_970 = arith.constant 32 : index
          %get3A_971 = tpu.vector_load %arg9[%get3A_969, %get3A_970] {strides = array<i32>} : memref<384x128xf32, #tpu.memory_space<vmem>>, vector<16xf32>,
          %add3A_972 = arith.addf %while3A_955, %get3A_971 : vector<16xf32>
          %get3A_973 = arith.index_cast %while3A_952 : i32 to index
          %get3A_974 = arith.constant 48 : index
          %get3A_975 = tpu.vector_load %arg9[%get3A_973, %get3A_974] {strides = array<i32>} : memref<384x128xf32, #tpu.memory_space<vmem>>, vector<16xf32>,
          %add3A_976 = arith.addf %while3A_956, %get3A_975 : vector<16xf32>
          %get3A_977 = arith.index_cast %while3A_952 : i32 to index
          %get3A_978 = arith.constant 64 : index
          %get3A_979 = tpu.vector_load %arg9[%get3A_977, %get3A_978] {strides = array<i32>} : memref<384x128xf32, #tpu.memory_space<vmem>>, vector<16xf32>,
          %add3A_980 = arith.addf %while3A_957, %get3A_979 : vector<16xf32>
          %get3A_981 = arith.index_cast %while3A_952 : i32 to index
          %get3A_982 = arith.constant 80 : index
          %get3A_983 = tpu.vector_load %arg9[%get3A_981, %get3A_982] {strides = array<i32>} : memref<384x128xf32, #tpu.memory_space<vmem>>, vector<16xf32>,
          %add3A_984 = arith.addf %while3A_958, %get3A_983 : vector<16xf32>
          %get3A_985 = arith.index_cast %while3A_952 : i32 to index
          %get3A_986 = arith.constant 96 : index
          %get3A_987 = tpu.vector_load %arg9[%get3A_985, %get3A_986] {strides = array<i32>} : memref<384x128xf32, #tpu.memory_space<vmem>>, vector<16xf32>,
          %add3A_988 = arith.addf %while3A_959, %get3A_987 : vector<16xf32>
          %get3A_989 = arith.index_cast %while3A_952 : i32 to index
          %get3A_990 = arith.constant 112 : index
          %get3A_991 = tpu.vector_load %arg9[%get3A_989, %get3A_990] {strides = array<i32>} : memref<384x128xf32, #tpu.memory_space<vmem>>, vector<16xf32>,
          %add3A_992 = arith.addf %while3A_960, %get3A_991 : vector<16xf32>
          scf.yield %add3A_964, %add3A_968, %add3A_972, %add3A_976, %add3A_980, %add3A_984, %add3A_988, %add3A_992 : vector<16xf32>, vector<16xf32>, vector<16xf32>, vector<16xf32>, vector<16xf32>, vector<16xf32>, vector<16xf32>, vector<16xf32>
        }
        %while3A_950 = arith.constant 1 : i32
        %while3A_951:8 = scf.for %while3A_952 = %while3A_947 to %while3A_943 step %while3A_950 iter_args(%while3A_953 = %while3A_949#0, %while3A_954 = %while3A_949#1, %while3A_955 = %while3A_949#2, %while3A_956 = %while3A_949#3, %while3A_957 = %while3A_949#4, %while3A_958 = %while3A_949#5, %while3A_959 = %while3A_949#6, %while3A_960 = %while3A_949#7) -> (vector<16xf32>, vector<16xf32>, vector<16xf32>, vector<16xf32>, vector<16xf32>, vector<16xf32>, vector<16xf32>, vector<16xf32>)  : i32 {
          %get3A_961 = arith.index_cast %while3A_952 : i32 to index
          %get3A_962 = arith.constant 0 : index
          %get3A_963 = tpu.vector_load %arg9[%get3A_961, %get3A_962] {strides = array<i32>} : memref<384x128xf32, #tpu.memory_space<vmem>>, vector<16xf32>,
          %add3A_964 = arith.addf %while3A_953, %get3A_963 : vector<16xf32>
          %get3A_965 = arith.index_cast %while3A_952 : i32 to index
          %get3A_966 = arith.constant 16 : index
          %get3A_967 = tpu.vector_load %arg9[%get3A_965, %get3A_966] {strides = array<i32>} : memref<384x128xf32, #tpu.memory_space<vmem>>, vector<16xf32>,
          %add3A_968 = arith.addf %while3A_954, %get3A_967 : vector<16xf32>
          %get3A_969 = arith.index_cast %while3A_952 : i32 to index
          %get3A_970 = arith.constant 32 : index
          %get3A_971 = tpu.vector_load %arg9[%get3A_969, %get3A_970] {strides = array<i32>} : memref<384x128xf32, #tpu.memory_space<vmem>>, vector<16xf32>,
          %add3A_972 = arith.addf %while3A_955, %get3A_971 : vector<16xf32>
          %get3A_973 = arith.index_cast %while3A_952 : i32 to index
          %get3A_974 = arith.constant 48 : index
          %get3A_975 = tpu.vector_load %arg9[%get3A_973, %get3A_974] {strides = array<i32>} : memref<384x128xf32, #tpu.memory_space<vmem>>, vector<16xf32>,
          %add3A_976 = arith.addf %while3A_956, %get3A_975 : vector<16xf32>
          %get3A_977 = arith.index_cast %while3A_952 : i32 to index
          %get3A_978 = arith.constant 64 : index
          %get3A_979 = tpu.vector_load %arg9[%get3A_977, %get3A_978] {strides = array<i32>} : memref<384x128xf32, #tpu.memory_space<vmem>>, vector<16xf32>,
          %add3A_980 = arith.addf %while3A_957, %get3A_979 : vector<16xf32>
          %get3A_981 = arith.index_cast %while3A_952 : i32 to index
          %get3A_982 = arith.constant 80 : index
          %get3A_983 = tpu.vector_load %arg9[%get3A_981, %get3A_982] {strides = array<i32>} : memref<384x128xf32, #tpu.memory_space<vmem>>, vector<16xf32>,
          %add3A_984 = arith.addf %while3A_958, %get3A_983 : vector<16xf32>
          %get3A_985 = arith.index_cast %while3A_952 : i32 to index
          %get3A_986 = arith.constant 96 : index
          %get3A_987 = tpu.vector_load %arg9[%get3A_985, %get3A_986] {strides = array<i32>} : memref<384x128xf32, #tpu.memory_space<vmem>>, vector<16xf32>,
          %add3A_988 = arith.addf %while3A_959, %get3A_987 : vector<16xf32>
          %get3A_989 = arith.index_cast %while3A_952 : i32 to index
          %get3A_990 = arith.constant 112 : index
          %get3A_991 = tpu.vector_load %arg9[%get3A_989, %get3A_990] {strides = array<i32>} : memref<384x128xf32, #tpu.memory_space<vmem>>, vector<16xf32>,
          %add3A_992 = arith.addf %while3A_960, %get3A_991 : vector<16xf32>
          scf.yield %add3A_964, %add3A_968, %add3A_972, %add3A_976, %add3A_980, %add3A_984, %add3A_988, %add3A_992 : vector<16xf32>, vector<16xf32>, vector<16xf32>, vector<16xf32>, vector<16xf32>, vector<16xf32>, vector<16xf32>, vector<16xf32>
        }
        scf.yield %while3A_951#0, %while3A_951#1, %while3A_951#2, %while3A_951#3, %while3A_951#4, %while3A_951#5, %while3A_951#6, %while3A_951#7 : vector<16xf32>, vector<16xf32>, vector<16xf32>, vector<16xf32>, vector<16xf32>, vector<16xf32>, vector<16xf32>, vector<16xf32>
      }
      %swap3A_848 = arith.index_cast %while3A_751 : i32 to index
      %swap3A_849 = arith.constant 0 : index
      %swap3A_850 = tpu.vector_load %arg13[%swap3A_848, %swap3A_849] {strides = array<i32>} : memref<32x128xf32, #tpu.memory_space<vmem>>, vector<16xf32>,
      tpu.vector_store %arg13[%swap3A_848, %swap3A_849], %while3A_847#0 {strides = array<i32>} : memref<32x128xf32, #tpu.memory_space<vmem>>, vector<16xf32>,
      %swap3A_851 = arith.index_cast %while3A_751 : i32 to index
      %swap3A_852 = arith.constant 16 : index
      %swap3A_853 = tpu.vector_load %arg13[%swap3A_851, %swap3A_852] {strides = array<i32>} : memref<32x128xf32, #tpu.memory_space<vmem>>, vector<16xf32>,
      tpu.vector_store %arg13[%swap3A_851, %swap3A_852], %while3A_847#1 {strides = array<i32>} : memref<32x128xf32, #tpu.memory_space<vmem>>, vector<16xf32>,
      %swap3A_854 = arith.index_cast %while3A_751 : i32 to index
      %swap3A_855 = arith.constant 32 : index
      %swap3A_856 = tpu.vector_load %arg13[%swap3A_854, %swap3A_855] {strides = array<i32>} : memref<32x128xf32, #tpu.memory_space<vmem>>, vector<16xf32>,
      tpu.vector_store %arg13[%swap3A_854, %swap3A_855], %while3A_847#2 {strides = array<i32>} : memref<32x128xf32, #tpu.memory_space<vmem>>, vector<16xf32>,
      %swap3A_857 = arith.index_cast %while3A_751 : i32 to index
      %swap3A_858 = arith.constant 48 : index
      %swap3A_859 = tpu.vector_load %arg13[%swap3A_857, %swap3A_858] {strides = array<i32>} : memref<32x128xf32, #tpu.memory_space<vmem>>, vector<16xf32>,
      tpu.vector_store %arg13[%swap3A_857, %swap3A_858], %while3A_847#3 {strides = array<i32>} : memref<32x128xf32, #tpu.memory_space<vmem>>, vector<16xf32>,
      %swap3A_860 = arith.index_cast %while3A_751 : i32 to index
      %swap3A_861 = arith.constant 64 : index
      %swap3A_862 = tpu.vector_load %arg13[%swap3A_860, %swap3A_861] {strides = array<i32>} : memref<32x128xf32, #tpu.memory_space<vmem>>, vector<16xf32>,
      tpu.vector_store %arg13[%swap3A_860, %swap3A_861], %while3A_847#4 {strides = array<i32>} : memref<32x128xf32, #tpu.memory_space<vmem>>, vector<16xf32>,
      %swap3A_863 = arith.index_cast %while3A_751 : i32 to index
      %swap3A_864 = arith.constant 80 : index
      %swap3A_865 = tpu.vector_load %arg13[%swap3A_863, %swap3A_864] {strides = array<i32>} : memref<32x128xf32, #tpu.memory_space<vmem>>, vector<16xf32>,
      tpu.vector_store %arg13[%swap3A_863, %swap3A_864], %while3A_847#5 {strides = array<i32>} : memref<32x128xf32, #tpu.memory_space<vmem>>, vector<16xf32>,
      %swap3A_866 = arith.index_cast %while3A_751 : i32 to index
      %swap3A_867 = arith.constant 96 : index
      %swap3A_868 = tpu.vector_load %arg13[%swap3A_866, %swap3A_867] {strides = array<i32>} : memref<32x128xf32, #tpu.memory_space<vmem>>, vector<16xf32>,
      tpu.vector_store %arg13[%swap3A_866, %swap3A_867], %while3A_847#6 {strides = array<i32>} : memref<32x128xf32, #tpu.memory_space<vmem>>, vector<16xf32>,
      %swap3A_869 = arith.index_cast %while3A_751 : i32 to index
      %swap3A_870 = arith.constant 112 : index
      %swap3A_871 = tpu.vector_load %arg13[%swap3A_869, %swap3A_870] {strides = array<i32>} : memref<32x128xf32, #tpu.memory_space<vmem>>, vector<16xf32>,
      tpu.vector_store %arg13[%swap3A_869, %swap3A_870], %while3A_847#7 {strides = array<i32>} : memref<32x128xf32, #tpu.memory_space<vmem>>, vector<16xf32>,
      %while3A_872 = arith.constant 0 : i32
      scf.yield %while3A_872 : i32
    }
    "tpu.region"() ({
      %run_scoped3A = tpu.sem_alloc : memref<!tpu.dma_semaphore, #tpu.memory_space<semaphore_mem>>
      %dma_start3A = arith.constant 0 : i32
      %dma_start3A_751 = arith.constant 0 : i32
      %dma_start3A_752 = tpu.memref_slice %arg4[%add3A, %dma_start3A, %dma_start3A_751] : memref<32x32x128xf32, #tpu.memory_space<hbm>> -> memref<1x32x128xf32, #tpu.memory_space<hbm>>
      %dma_start3A_753 = tpu.memref_squeeze %dma_start3A_752 : memref<1x32x128xf32, #tpu.memory_space<hbm>> -> memref<32x128xf32, #tpu.memory_space<hbm>>
      %dma_start3A_754 = arith.constant 0 : i32
      %dma_start3A_755 = arith.constant 0 : i32
      %dma_start3A_756 = tpu.memref_slice %arg4[%add3A, %dma_start3A_754, %dma_start3A_755] : memref<32x32x128xf32, #tpu.memory_space<hbm>> -> memref<1x32x128xf32, #tpu.memory_space<hbm>>
      %dma_start3A_757 = tpu.memref_squeeze %dma_start3A_756 : memref<1x32x128xf32, #tpu.memory_space<hbm>> -> memref<32x128xf32, #tpu.memory_space<hbm>>
      tpu.enqueue_dma source(%arg13 : memref<32x128xf32, #tpu.memory_space<vmem>>) target(%dma_start3A_757 : memref<32x128xf32, #tpu.memory_space<hbm>>) target_semaphore(%run_scoped3A : memref<!tpu.dma_semaphore, #tpu.memory_space<semaphore_mem>>)
      %dma_wait3A = arith.constant 0 : i32
      %dma_wait3A_758 = arith.constant 0 : i32
      %dma_wait3A_759 = tpu.memref_slice %arg4[%add3A, %dma_wait3A, %dma_wait3A_758] : memref<32x32x128xf32, #tpu.memory_space<hbm>> -> memref<1x32x128xf32, #tpu.memory_space<hbm>>
      %dma_wait3A_760 = tpu.memref_squeeze %dma_wait3A_759 : memref<1x32x128xf32, #tpu.memory_space<hbm>> -> memref<32x128xf32, #tpu.memory_space<hbm>>
      %dma_wait3A_761 = arith.constant 0 : i32
      %dma_wait3A_762 = arith.constant 0 : i32
      %dma_wait3A_763 = tpu.memref_slice %arg4[%add3A, %dma_wait3A_761, %dma_wait3A_762] : memref<32x32x128xf32, #tpu.memory_space<hbm>> -> memref<1x32x128xf32, #tpu.memory_space<hbm>>
      %dma_wait3A_764 = tpu.memref_squeeze %dma_wait3A_763 : memref<1x32x128xf32, #tpu.memory_space<hbm>> -> memref<32x128xf32, #tpu.memory_space<hbm>>
      tpu.wait_dma2 semaphore(%run_scoped3A : memref<!tpu.dma_semaphore, #tpu.memory_space<semaphore_mem>>) src(%arg13 : memref<32x128xf32, #tpu.memory_space<vmem>>) dst(%dma_wait3A_764 : memref<32x128xf32, #tpu.memory_space<hbm>>)
      tpu.yield
    }) : () -> ()
    return
  }
}

module attributes {stable_mosaic.version = 14 : i64} {
  func.func @body(%arg0: i32, %arg1: memref<4000x128xf32, #tpu.memory_space<vmem>>, %arg2: memref<1x8x500xi32, #tpu.memory_space<vmem>>, %arg3: memref<32x128xf32, #tpu.memory_space<vmem>>) attributes {dimension_semantics = [#tpu.dimension_semantics<arbitrary>], iteration_bounds = array<i64: 37>, scalar_prefetch = 0 : i64, scratch_operands = 0 : i64, tpu.core_type = #tpu.core_type<tc>, window_params = [{transform_indices = @transform_0, window_bounds = array<i64: 4000, 128>}, {transform_indices = @transform_1, window_bounds = array<i64: 1, 8, 500>}, {pipeline_mode = #tpu.pipeline_mode<synchronous>, transform_indices = @transform_2, window_bounds = array<i64: 32, 128>}]} {
    %eq3A = arith.constant 0 : i32
    %eq3A_0 = arith.cmpi eq, %arg0, %eq3A : i32
    %convert_element_type3A = arith.extui %eq3A_0 : i1 to i32
    %cond3A = arith.constant 0 : i32
    %cond3A_1 = arith.cmpi ne, %convert_element_type3A, %cond3A : i32
    scf.if %cond3A_1 {
      %broadcast_in_dim3A = arith.constant 0.000000e+00 : f32
      %broadcast_in_dim3A_18 = vector.broadcast %broadcast_in_dim3A : f32 to vector<32x128xf32>
      %swap3A_19 = arith.constant 0 : index
      %swap3A_20 = arith.constant 0 : index
      %swap3A_21 = vector.load %arg3[%swap3A_19, %swap3A_20] : memref<32x128xf32, #tpu.memory_space<vmem>>, vector<32x128xf32>
      tpu.vector_store %arg3[%swap3A_19, %swap3A_20], %broadcast_in_dim3A_18 {strides = array<i32>} : memref<32x128xf32, #tpu.memory_space<vmem>>, vector<32x128xf32>,
    } else {
    }
    %get3A = arith.constant 0 : index
    %get3A_2 = arith.constant 0 : index
    %get3A_3 = arith.constant 0 : index
    %get3A_4 = vector.load %arg2[%get3A, %get3A_2, %get3A_3] : memref<1x8x500xi32, #tpu.memory_space<vmem>>, vector<1x8x500xi32>
    %reshape3A = vector.shape_cast %get3A_4 : vector<1x8x500xi32> to vector<1x4000xi32>
    %iota3A = tpu.iota {dimensions = array<i32: 0>} : vector<32x4000xi32>
    %eq3A_5 = vector.broadcast %reshape3A : vector<1x4000xi32> to vector<32x4000xi32>
    %eq3A_6 = arith.cmpi eq, %iota3A, %eq3A_5 : vector<32x4000xi32>
    %convert_element_type3A_7 = arith.extui %eq3A_6 : vector<32x4000xi1> to vector<32x4000xi32>
    %convert_element_type3A_8 = arith.sitofp %convert_element_type3A_7 : vector<32x4000xi32> to vector<32x4000xf32>
    %get3A_9 = arith.constant 0 : index
    %get3A_10 = arith.constant 0 : index
    %get3A_11 = vector.load %arg3[%get3A_9, %get3A_10] : memref<32x128xf32, #tpu.memory_space<vmem>>, vector<32x128xf32>
    %get3A_12 = arith.constant 0 : index
    %get3A_13 = arith.constant 0 : index
    %get3A_14 = vector.load %arg1[%get3A_12, %get3A_13] : memref<4000x128xf32, #tpu.memory_space<vmem>>, vector<4000x128xf32>
    %dot_general3A = arith.constant dense<0.000000e+00> : vector<32x128xf32>
    %dot_general3A_15 = tpu.matmul %convert_element_type3A_8, %get3A_14, %dot_general3A {dimension_numbers = #tpu.dot_dimension_numbers<[1], [0], [0], [1], [0, 0, 1, 1], [], []>, transpose_lhs_hint = false} : vector<32x4000xf32>, vector<4000x128xf32>, vector<32x128xf32> -> vector<32x128xf32>
    %add3A = arith.addf %get3A_11, %dot_general3A_15 : vector<32x128xf32>
    %swap3A = arith.constant 0 : index
    %swap3A_16 = arith.constant 0 : index
    %swap3A_17 = vector.load %arg3[%swap3A, %swap3A_16] : memref<32x128xf32, #tpu.memory_space<vmem>>, vector<32x128xf32>
    tpu.vector_store %arg3[%swap3A, %swap3A_16], %add3A {strides = array<i32>} : memref<32x128xf32, #tpu.memory_space<vmem>>, vector<32x128xf32>,
    return
  }
  func.func @transform_0(%arg0: i32) -> (i32, i32) {
    %add3A = arith.constant 43 : i32
    %add3A_0 = arith.addi %add3A, %arg0 : i32
    %c0_i32 = arith.constant 0 : i32
    %c0_i32_1 = arith.constant 0 : i32
    return %add3A_0, %c0_i32 : i32, i32
  }
  func.func @transform_1(%arg0: i32) -> (i32, i32, i32) {
    %add3A = arith.constant 43 : i32
    %add3A_0 = arith.addi %add3A, %arg0 : i32
    %c0_i32 = arith.constant 0 : i32
    %c0_i32_1 = arith.constant 0 : i32
    %c0_i32_2 = arith.constant 0 : i32
    return %add3A_0, %c0_i32, %c0_i32_1 : i32, i32, i32
  }
  func.func @transform_2(%arg0: i32) -> (i32, i32) {
    %c0_i32 = arith.constant 0 : i32
    %c0_i32_0 = arith.constant 0 : i32
    %c0_i32_1 = arith.constant 0 : i32
    return %c0_i32, %c0_i32_0 : i32, i32
  }
}

module attributes {stable_mosaic.version = 14 : i64} {
  func.func @body(%arg0: memref<32x32x128xf32, #tpu.memory_space<vmem>>, %arg1: memref<32x128xf32, #tpu.memory_space<vmem>>, %arg2: memref<48x1xi32, #tpu.memory_space<vmem>>, %arg3: memref<1x48xi32, #tpu.memory_space<vmem>>, %arg4: memref<128x256xf32, #tpu.memory_space<vmem>>, %arg5: memref<1x256xf32, #tpu.memory_space<vmem>>, %arg6: memref<256x32xf32, #tpu.memory_space<vmem>>, %arg7: memref<1x32xf32, #tpu.memory_space<vmem>>, %arg8: memref<32x32xf32, #tpu.memory_space<vmem>>, %arg9: memref<32x1xi32, #tpu.memory_space<vmem>>) attributes {dimension_semantics = [], scalar_prefetch = 0 : i64, scratch_operands = 0 : i64, tpu.core_type = #tpu.core_type<tc>} {
    %get3A = arith.constant 0 : index
    %get3A_0 = arith.constant 0 : index
    %get3A_1 = vector.load %arg1[%get3A, %get3A_0] : memref<32x128xf32, #tpu.memory_space<vmem>>, vector<32x128xf32>
    %get3A_2 = arith.constant 0 : index
    %get3A_3 = arith.constant 0 : index
    %get3A_4 = arith.constant 0 : index
    %get3A_5 = vector.load %arg0[%get3A_2, %get3A_3, %get3A_4] : memref<32x32x128xf32, #tpu.memory_space<vmem>>, vector<1x32x128xf32>
    %get3A_6 = vector.shape_cast %get3A_5 : vector<1x32x128xf32> to vector<32x128xf32>
    %add3A = arith.addf %get3A_1, %get3A_6 : vector<32x128xf32>
    %get3A_7 = arith.constant 1 : index
    %get3A_8 = arith.constant 0 : index
    %get3A_9 = arith.constant 0 : index
    %get3A_10 = vector.load %arg0[%get3A_7, %get3A_8, %get3A_9] : memref<32x32x128xf32, #tpu.memory_space<vmem>>, vector<1x32x128xf32>
    %get3A_11 = vector.shape_cast %get3A_10 : vector<1x32x128xf32> to vector<32x128xf32>
    %add3A_12 = arith.addf %add3A, %get3A_11 : vector<32x128xf32>
    %get3A_13 = arith.constant 2 : index
    %get3A_14 = arith.constant 0 : index
    %get3A_15 = arith.constant 0 : index
    %get3A_16 = vector.load %arg0[%get3A_13, %get3A_14, %get3A_15] : memref<32x32x128xf32, #tpu.memory_space<vmem>>, vector<1x32x128xf32>
    %get3A_17 = vector.shape_cast %get3A_16 : vector<1x32x128xf32> to vector<32x128xf32>
    %add3A_18 = arith.addf %add3A_12, %get3A_17 : vector<32x128xf32>
    %get3A_19 = arith.constant 3 : index
    %get3A_20 = arith.constant 0 : index
    %get3A_21 = arith.constant 0 : index
    %get3A_22 = vector.load %arg0[%get3A_19, %get3A_20, %get3A_21] : memref<32x32x128xf32, #tpu.memory_space<vmem>>, vector<1x32x128xf32>
    %get3A_23 = vector.shape_cast %get3A_22 : vector<1x32x128xf32> to vector<32x128xf32>
    %add3A_24 = arith.addf %add3A_18, %get3A_23 : vector<32x128xf32>
    %get3A_25 = arith.constant 4 : index
    %get3A_26 = arith.constant 0 : index
    %get3A_27 = arith.constant 0 : index
    %get3A_28 = vector.load %arg0[%get3A_25, %get3A_26, %get3A_27] : memref<32x32x128xf32, #tpu.memory_space<vmem>>, vector<1x32x128xf32>
    %get3A_29 = vector.shape_cast %get3A_28 : vector<1x32x128xf32> to vector<32x128xf32>
    %add3A_30 = arith.addf %add3A_24, %get3A_29 : vector<32x128xf32>
    %get3A_31 = arith.constant 5 : index
    %get3A_32 = arith.constant 0 : index
    %get3A_33 = arith.constant 0 : index
    %get3A_34 = vector.load %arg0[%get3A_31, %get3A_32, %get3A_33] : memref<32x32x128xf32, #tpu.memory_space<vmem>>, vector<1x32x128xf32>
    %get3A_35 = vector.shape_cast %get3A_34 : vector<1x32x128xf32> to vector<32x128xf32>
    %add3A_36 = arith.addf %add3A_30, %get3A_35 : vector<32x128xf32>
    %get3A_37 = arith.constant 6 : index
    %get3A_38 = arith.constant 0 : index
    %get3A_39 = arith.constant 0 : index
    %get3A_40 = vector.load %arg0[%get3A_37, %get3A_38, %get3A_39] : memref<32x32x128xf32, #tpu.memory_space<vmem>>, vector<1x32x128xf32>
    %get3A_41 = vector.shape_cast %get3A_40 : vector<1x32x128xf32> to vector<32x128xf32>
    %add3A_42 = arith.addf %add3A_36, %get3A_41 : vector<32x128xf32>
    %get3A_43 = arith.constant 7 : index
    %get3A_44 = arith.constant 0 : index
    %get3A_45 = arith.constant 0 : index
    %get3A_46 = vector.load %arg0[%get3A_43, %get3A_44, %get3A_45] : memref<32x32x128xf32, #tpu.memory_space<vmem>>, vector<1x32x128xf32>
    %get3A_47 = vector.shape_cast %get3A_46 : vector<1x32x128xf32> to vector<32x128xf32>
    %add3A_48 = arith.addf %add3A_42, %get3A_47 : vector<32x128xf32>
    %get3A_49 = arith.constant 8 : index
    %get3A_50 = arith.constant 0 : index
    %get3A_51 = arith.constant 0 : index
    %get3A_52 = vector.load %arg0[%get3A_49, %get3A_50, %get3A_51] : memref<32x32x128xf32, #tpu.memory_space<vmem>>, vector<1x32x128xf32>
    %get3A_53 = vector.shape_cast %get3A_52 : vector<1x32x128xf32> to vector<32x128xf32>
    %add3A_54 = arith.addf %add3A_48, %get3A_53 : vector<32x128xf32>
    %get3A_55 = arith.constant 9 : index
    %get3A_56 = arith.constant 0 : index
    %get3A_57 = arith.constant 0 : index
    %get3A_58 = vector.load %arg0[%get3A_55, %get3A_56, %get3A_57] : memref<32x32x128xf32, #tpu.memory_space<vmem>>, vector<1x32x128xf32>
    %get3A_59 = vector.shape_cast %get3A_58 : vector<1x32x128xf32> to vector<32x128xf32>
    %add3A_60 = arith.addf %add3A_54, %get3A_59 : vector<32x128xf32>
    %get3A_61 = arith.constant 10 : index
    %get3A_62 = arith.constant 0 : index
    %get3A_63 = arith.constant 0 : index
    %get3A_64 = vector.load %arg0[%get3A_61, %get3A_62, %get3A_63] : memref<32x32x128xf32, #tpu.memory_space<vmem>>, vector<1x32x128xf32>
    %get3A_65 = vector.shape_cast %get3A_64 : vector<1x32x128xf32> to vector<32x128xf32>
    %add3A_66 = arith.addf %add3A_60, %get3A_65 : vector<32x128xf32>
    %get3A_67 = arith.constant 11 : index
    %get3A_68 = arith.constant 0 : index
    %get3A_69 = arith.constant 0 : index
    %get3A_70 = vector.load %arg0[%get3A_67, %get3A_68, %get3A_69] : memref<32x32x128xf32, #tpu.memory_space<vmem>>, vector<1x32x128xf32>
    %get3A_71 = vector.shape_cast %get3A_70 : vector<1x32x128xf32> to vector<32x128xf32>
    %add3A_72 = arith.addf %add3A_66, %get3A_71 : vector<32x128xf32>
    %get3A_73 = arith.constant 12 : index
    %get3A_74 = arith.constant 0 : index
    %get3A_75 = arith.constant 0 : index
    %get3A_76 = vector.load %arg0[%get3A_73, %get3A_74, %get3A_75] : memref<32x32x128xf32, #tpu.memory_space<vmem>>, vector<1x32x128xf32>
    %get3A_77 = vector.shape_cast %get3A_76 : vector<1x32x128xf32> to vector<32x128xf32>
    %add3A_78 = arith.addf %add3A_72, %get3A_77 : vector<32x128xf32>
    %get3A_79 = arith.constant 13 : index
    %get3A_80 = arith.constant 0 : index
    %get3A_81 = arith.constant 0 : index
    %get3A_82 = vector.load %arg0[%get3A_79, %get3A_80, %get3A_81] : memref<32x32x128xf32, #tpu.memory_space<vmem>>, vector<1x32x128xf32>
    %get3A_83 = vector.shape_cast %get3A_82 : vector<1x32x128xf32> to vector<32x128xf32>
    %add3A_84 = arith.addf %add3A_78, %get3A_83 : vector<32x128xf32>
    %get3A_85 = arith.constant 14 : index
    %get3A_86 = arith.constant 0 : index
    %get3A_87 = arith.constant 0 : index
    %get3A_88 = vector.load %arg0[%get3A_85, %get3A_86, %get3A_87] : memref<32x32x128xf32, #tpu.memory_space<vmem>>, vector<1x32x128xf32>
    %get3A_89 = vector.shape_cast %get3A_88 : vector<1x32x128xf32> to vector<32x128xf32>
    %add3A_90 = arith.addf %add3A_84, %get3A_89 : vector<32x128xf32>
    %get3A_91 = arith.constant 15 : index
    %get3A_92 = arith.constant 0 : index
    %get3A_93 = arith.constant 0 : index
    %get3A_94 = vector.load %arg0[%get3A_91, %get3A_92, %get3A_93] : memref<32x32x128xf32, #tpu.memory_space<vmem>>, vector<1x32x128xf32>
    %get3A_95 = vector.shape_cast %get3A_94 : vector<1x32x128xf32> to vector<32x128xf32>
    %add3A_96 = arith.addf %add3A_90, %get3A_95 : vector<32x128xf32>
    %get3A_97 = arith.constant 16 : index
    %get3A_98 = arith.constant 0 : index
    %get3A_99 = arith.constant 0 : index
    %get3A_100 = vector.load %arg0[%get3A_97, %get3A_98, %get3A_99] : memref<32x32x128xf32, #tpu.memory_space<vmem>>, vector<1x32x128xf32>
    %get3A_101 = vector.shape_cast %get3A_100 : vector<1x32x128xf32> to vector<32x128xf32>
    %add3A_102 = arith.addf %add3A_96, %get3A_101 : vector<32x128xf32>
    %get3A_103 = arith.constant 17 : index
    %get3A_104 = arith.constant 0 : index
    %get3A_105 = arith.constant 0 : index
    %get3A_106 = vector.load %arg0[%get3A_103, %get3A_104, %get3A_105] : memref<32x32x128xf32, #tpu.memory_space<vmem>>, vector<1x32x128xf32>
    %get3A_107 = vector.shape_cast %get3A_106 : vector<1x32x128xf32> to vector<32x128xf32>
    %add3A_108 = arith.addf %add3A_102, %get3A_107 : vector<32x128xf32>
    %get3A_109 = arith.constant 18 : index
    %get3A_110 = arith.constant 0 : index
    %get3A_111 = arith.constant 0 : index
    %get3A_112 = vector.load %arg0[%get3A_109, %get3A_110, %get3A_111] : memref<32x32x128xf32, #tpu.memory_space<vmem>>, vector<1x32x128xf32>
    %get3A_113 = vector.shape_cast %get3A_112 : vector<1x32x128xf32> to vector<32x128xf32>
    %add3A_114 = arith.addf %add3A_108, %get3A_113 : vector<32x128xf32>
    %get3A_115 = arith.constant 19 : index
    %get3A_116 = arith.constant 0 : index
    %get3A_117 = arith.constant 0 : index
    %get3A_118 = vector.load %arg0[%get3A_115, %get3A_116, %get3A_117] : memref<32x32x128xf32, #tpu.memory_space<vmem>>, vector<1x32x128xf32>
    %get3A_119 = vector.shape_cast %get3A_118 : vector<1x32x128xf32> to vector<32x128xf32>
    %add3A_120 = arith.addf %add3A_114, %get3A_119 : vector<32x128xf32>
    %get3A_121 = arith.constant 20 : index
    %get3A_122 = arith.constant 0 : index
    %get3A_123 = arith.constant 0 : index
    %get3A_124 = vector.load %arg0[%get3A_121, %get3A_122, %get3A_123] : memref<32x32x128xf32, #tpu.memory_space<vmem>>, vector<1x32x128xf32>
    %get3A_125 = vector.shape_cast %get3A_124 : vector<1x32x128xf32> to vector<32x128xf32>
    %add3A_126 = arith.addf %add3A_120, %get3A_125 : vector<32x128xf32>
    %get3A_127 = arith.constant 21 : index
    %get3A_128 = arith.constant 0 : index
    %get3A_129 = arith.constant 0 : index
    %get3A_130 = vector.load %arg0[%get3A_127, %get3A_128, %get3A_129] : memref<32x32x128xf32, #tpu.memory_space<vmem>>, vector<1x32x128xf32>
    %get3A_131 = vector.shape_cast %get3A_130 : vector<1x32x128xf32> to vector<32x128xf32>
    %add3A_132 = arith.addf %add3A_126, %get3A_131 : vector<32x128xf32>
    %get3A_133 = arith.constant 22 : index
    %get3A_134 = arith.constant 0 : index
    %get3A_135 = arith.constant 0 : index
    %get3A_136 = vector.load %arg0[%get3A_133, %get3A_134, %get3A_135] : memref<32x32x128xf32, #tpu.memory_space<vmem>>, vector<1x32x128xf32>
    %get3A_137 = vector.shape_cast %get3A_136 : vector<1x32x128xf32> to vector<32x128xf32>
    %add3A_138 = arith.addf %add3A_132, %get3A_137 : vector<32x128xf32>
    %get3A_139 = arith.constant 23 : index
    %get3A_140 = arith.constant 0 : index
    %get3A_141 = arith.constant 0 : index
    %get3A_142 = vector.load %arg0[%get3A_139, %get3A_140, %get3A_141] : memref<32x32x128xf32, #tpu.memory_space<vmem>>, vector<1x32x128xf32>
    %get3A_143 = vector.shape_cast %get3A_142 : vector<1x32x128xf32> to vector<32x128xf32>
    %add3A_144 = arith.addf %add3A_138, %get3A_143 : vector<32x128xf32>
    %get3A_145 = arith.constant 24 : index
    %get3A_146 = arith.constant 0 : index
    %get3A_147 = arith.constant 0 : index
    %get3A_148 = vector.load %arg0[%get3A_145, %get3A_146, %get3A_147] : memref<32x32x128xf32, #tpu.memory_space<vmem>>, vector<1x32x128xf32>
    %get3A_149 = vector.shape_cast %get3A_148 : vector<1x32x128xf32> to vector<32x128xf32>
    %add3A_150 = arith.addf %add3A_144, %get3A_149 : vector<32x128xf32>
    %get3A_151 = arith.constant 25 : index
    %get3A_152 = arith.constant 0 : index
    %get3A_153 = arith.constant 0 : index
    %get3A_154 = vector.load %arg0[%get3A_151, %get3A_152, %get3A_153] : memref<32x32x128xf32, #tpu.memory_space<vmem>>, vector<1x32x128xf32>
    %get3A_155 = vector.shape_cast %get3A_154 : vector<1x32x128xf32> to vector<32x128xf32>
    %add3A_156 = arith.addf %add3A_150, %get3A_155 : vector<32x128xf32>
    %get3A_157 = arith.constant 26 : index
    %get3A_158 = arith.constant 0 : index
    %get3A_159 = arith.constant 0 : index
    %get3A_160 = vector.load %arg0[%get3A_157, %get3A_158, %get3A_159] : memref<32x32x128xf32, #tpu.memory_space<vmem>>, vector<1x32x128xf32>
    %get3A_161 = vector.shape_cast %get3A_160 : vector<1x32x128xf32> to vector<32x128xf32>
    %add3A_162 = arith.addf %add3A_156, %get3A_161 : vector<32x128xf32>
    %get3A_163 = arith.constant 27 : index
    %get3A_164 = arith.constant 0 : index
    %get3A_165 = arith.constant 0 : index
    %get3A_166 = vector.load %arg0[%get3A_163, %get3A_164, %get3A_165] : memref<32x32x128xf32, #tpu.memory_space<vmem>>, vector<1x32x128xf32>
    %get3A_167 = vector.shape_cast %get3A_166 : vector<1x32x128xf32> to vector<32x128xf32>
    %add3A_168 = arith.addf %add3A_162, %get3A_167 : vector<32x128xf32>
    %get3A_169 = arith.constant 28 : index
    %get3A_170 = arith.constant 0 : index
    %get3A_171 = arith.constant 0 : index
    %get3A_172 = vector.load %arg0[%get3A_169, %get3A_170, %get3A_171] : memref<32x32x128xf32, #tpu.memory_space<vmem>>, vector<1x32x128xf32>
    %get3A_173 = vector.shape_cast %get3A_172 : vector<1x32x128xf32> to vector<32x128xf32>
    %add3A_174 = arith.addf %add3A_168, %get3A_173 : vector<32x128xf32>
    %get3A_175 = arith.constant 29 : index
    %get3A_176 = arith.constant 0 : index
    %get3A_177 = arith.constant 0 : index
    %get3A_178 = vector.load %arg0[%get3A_175, %get3A_176, %get3A_177] : memref<32x32x128xf32, #tpu.memory_space<vmem>>, vector<1x32x128xf32>
    %get3A_179 = vector.shape_cast %get3A_178 : vector<1x32x128xf32> to vector<32x128xf32>
    %add3A_180 = arith.addf %add3A_174, %get3A_179 : vector<32x128xf32>
    %get3A_181 = arith.constant 30 : index
    %get3A_182 = arith.constant 0 : index
    %get3A_183 = arith.constant 0 : index
    %get3A_184 = vector.load %arg0[%get3A_181, %get3A_182, %get3A_183] : memref<32x32x128xf32, #tpu.memory_space<vmem>>, vector<1x32x128xf32>
    %get3A_185 = vector.shape_cast %get3A_184 : vector<1x32x128xf32> to vector<32x128xf32>
    %add3A_186 = arith.addf %add3A_180, %get3A_185 : vector<32x128xf32>
    %get3A_187 = arith.constant 31 : index
    %get3A_188 = arith.constant 0 : index
    %get3A_189 = arith.constant 0 : index
    %get3A_190 = vector.load %arg0[%get3A_187, %get3A_188, %get3A_189] : memref<32x32x128xf32, #tpu.memory_space<vmem>>, vector<1x32x128xf32>
    %get3A_191 = vector.shape_cast %get3A_190 : vector<1x32x128xf32> to vector<32x128xf32>
    %add3A_192 = arith.addf %add3A_186, %get3A_191 : vector<32x128xf32>
    %iota3A = tpu.iota {dimensions = array<i32: 0>} : vector<32x32xi32>
    %iota3A_193 = tpu.iota {dimensions = array<i32: 1>} : vector<32x32xi32>
    %get3A_194 = arith.constant 0 : index
    %get3A_195 = arith.constant 0 : index
    %get3A_196 = vector.load %arg2[%get3A_194, %get3A_195] : memref<48x1xi32, #tpu.memory_space<vmem>>, vector<48x1xi32>
    %slice3A = vector.extract_strided_slice %get3A_196 {offsets = [0, 0], sizes = [32, 1], strides = [1, 1]} : vector<48x1xi32> to vector<32x1xi32>
    %convert_element_type3A = arith.sitofp %slice3A : vector<32x1xi32> to vector<32x1xf32>
    %sub3A = arith.constant 1 : i32
    %sub3A_197 = vector.broadcast %sub3A : i32 to vector<32x32xi32>
    %sub3A_198 = arith.subi %iota3A, %sub3A_197 : vector<32x32xi32>
    %eq3A = arith.cmpi eq, %iota3A_193, %sub3A_198 : vector<32x32xi32>
    %convert_element_type3A_199 = arith.extui %eq3A : vector<32x32xi1> to vector<32x32xi32>
    %convert_element_type3A_200 = arith.sitofp %convert_element_type3A_199 : vector<32x32xi32> to vector<32x32xf32>
    %dot_general3A = arith.constant dense<0.000000e+00> : vector<32x1xf32>
    %dot_general3A_201 = tpu.matmul %convert_element_type3A_200, %convert_element_type3A, %dot_general3A {dimension_numbers = #tpu.dot_dimension_numbers<[1], [0], [0], [1], [0, 0, 1, 1], [], []>, transpose_lhs_hint = false} : vector<32x32xf32>, vector<32x1xf32>, vector<32x1xf32> -> vector<32x1xf32>
    %sub3A_202 = arith.subf %convert_element_type3A, %dot_general3A_201 : vector<32x1xf32>
    %div3A = vector.broadcast %sub3A_202 : vector<32x1xf32> to vector<32x128xf32>
    %div3A_203 = arith.divf %add3A_192, %div3A : vector<32x128xf32>
    %get3A_204 = arith.constant 0 : index
    %get3A_205 = arith.constant 0 : index
    %get3A_206 = vector.load %arg4[%get3A_204, %get3A_205] : memref<128x256xf32, #tpu.memory_space<vmem>>, vector<128x256xf32>
    %dot_general3A_207 = arith.constant dense<0.000000e+00> : vector<32x256xf32>
    %dot_general3A_208 = tpu.matmul %div3A_203, %get3A_206, %dot_general3A_207 {dimension_numbers = #tpu.dot_dimension_numbers<[1], [0], [0], [1], [0, 0, 1, 1], [], []>, transpose_lhs_hint = false} : vector<32x128xf32>, vector<128x256xf32>, vector<32x256xf32> -> vector<32x256xf32>
    %get3A_209 = arith.constant 0 : index
    %get3A_210 = arith.constant 0 : index
    %get3A_211 = vector.load %arg5[%get3A_209, %get3A_210] : memref<1x256xf32, #tpu.memory_space<vmem>>, vector<1x256xf32>
    %add3A_212 = vector.broadcast %get3A_211 : vector<1x256xf32> to vector<32x256xf32>
    %add3A_213 = arith.addf %dot_general3A_208, %add3A_212 : vector<32x256xf32>
    %max3A = arith.constant 0.000000e+00 : f32
    %max3A_214 = vector.broadcast %max3A : f32 to vector<32x256xf32>
    %max3A_215 = arith.maximumf %add3A_213, %max3A_214 : vector<32x256xf32>
    %get3A_216 = arith.constant 0 : index
    %get3A_217 = arith.constant 0 : index
    %get3A_218 = vector.load %arg6[%get3A_216, %get3A_217] : memref<256x32xf32, #tpu.memory_space<vmem>>, vector<256x32xf32>
    %dot_general3A_219 = arith.constant dense<0.000000e+00> : vector<32x32xf32>
    %dot_general3A_220 = tpu.matmul %max3A_215, %get3A_218, %dot_general3A_219 {dimension_numbers = #tpu.dot_dimension_numbers<[1], [0], [0], [1], [0, 0, 1, 1], [], []>, transpose_lhs_hint = false} : vector<32x256xf32>, vector<256x32xf32>, vector<32x32xf32> -> vector<32x32xf32>
    %get3A_221 = arith.constant 0 : index
    %get3A_222 = arith.constant 0 : index
    %get3A_223 = vector.load %arg7[%get3A_221, %get3A_222] : memref<1x32xf32, #tpu.memory_space<vmem>>, vector<1x32xf32>
    %add3A_224 = vector.broadcast %get3A_223 : vector<1x32xf32> to vector<32x32xf32>
    %add3A_225 = arith.addf %dot_general3A_220, %add3A_224 : vector<32x32xf32>
    %reduce_max3A = arith.constant dense<0xFF800000> : vector<32xf32>
    %reduce_max3A_226 = vector.multi_reduction <maximumf>, %add3A_225, %reduce_max3A [1] : vector<32x32xf32> to vector<32xf32>
    %broadcast_in_dim3A = vector.shape_cast %reduce_max3A_226 : vector<32xf32> to vector<32x1xf32>
    %sub3A_227 = vector.broadcast %broadcast_in_dim3A : vector<32x1xf32> to vector<32x32xf32>
    %sub3A_228 = arith.subf %add3A_225, %sub3A_227 : vector<32x32xf32>
    %exp3A = math.exp %sub3A_228 : vector<32x32xf32>
    %reduce_sum3A = arith.constant dense<0.000000e+00> : vector<32xf32>
    %reduce_sum3A_229 = vector.multi_reduction <add>, %exp3A, %reduce_sum3A [1] : vector<32x32xf32> to vector<32xf32>
    %broadcast_in_dim3A_230 = vector.shape_cast %reduce_sum3A_229 : vector<32xf32> to vector<32x1xf32>
    %div3A_231 = vector.broadcast %broadcast_in_dim3A_230 : vector<32x1xf32> to vector<32x32xf32>
    %div3A_232 = arith.divf %exp3A, %div3A_231 : vector<32x32xf32>
    %swap3A = arith.constant 0 : index
    %swap3A_233 = arith.constant 0 : index
    %swap3A_234 = vector.load %arg8[%swap3A, %swap3A_233] : memref<32x32xf32, #tpu.memory_space<vmem>>, vector<32x32xf32>
    tpu.vector_store %arg8[%swap3A, %swap3A_233], %div3A_232 {strides = array<i32>} : memref<32x32xf32, #tpu.memory_space<vmem>>, vector<32x32xf32>,
    %get3A_235 = arith.constant 0 : index
    %get3A_236 = arith.constant 0 : index
    %get3A_237 = vector.load %arg3[%get3A_235, %get3A_236] : memref<1x48xi32, #tpu.memory_space<vmem>>, vector<1x48xi32>
    %slice3A_238 = vector.extract_strided_slice %get3A_237 {offsets = [0, 0], sizes = [1, 32], strides = [1, 1]} : vector<1x48xi32> to vector<1x32xi32>
    %convert_element_type3A_239 = arith.sitofp %slice3A_238 : vector<1x32xi32> to vector<1x32xf32>
    %sub3A_240 = arith.constant 1 : i32
    %sub3A_241 = vector.broadcast %sub3A_240 : i32 to vector<32x32xi32>
    %sub3A_242 = arith.subi %iota3A_193, %sub3A_241 : vector<32x32xi32>
    %eq3A_243 = arith.cmpi eq, %iota3A, %sub3A_242 : vector<32x32xi32>
    %convert_element_type3A_244 = arith.extui %eq3A_243 : vector<32x32xi1> to vector<32x32xi32>
    %convert_element_type3A_245 = arith.sitofp %convert_element_type3A_244 : vector<32x32xi32> to vector<32x32xf32>
    %dot_general3A_246 = arith.constant dense<0.000000e+00> : vector<1x32xf32>
    %dot_general3A_247 = tpu.matmul %convert_element_type3A_239, %convert_element_type3A_245, %dot_general3A_246 {dimension_numbers = #tpu.dot_dimension_numbers<[1], [0], [0], [1], [0, 0, 1, 1], [], []>, transpose_lhs_hint = false} : vector<1x32xf32>, vector<32x32xf32>, vector<1x32xf32> -> vector<1x32xf32>
    %sub3A_248 = arith.subf %convert_element_type3A_239, %dot_general3A_247 : vector<1x32xf32>
    %gt3A = arith.constant 0.000000e+00 : f32
    %gt3A_249 = vector.broadcast %gt3A : f32 to vector<1x32xf32>
    %gt3A_250 = arith.cmpf ogt, %sub3A_248, %gt3A_249 : vector<1x32xf32>
    %convert_element_type3A_251 = arith.extui %gt3A_250 : vector<1x32xi1> to vector<1x32xi32>
    %convert_element_type3A_252 = arith.sitofp %convert_element_type3A_251 : vector<1x32xi32> to vector<1x32xf32>
    %le3A = arith.cmpi sle, %iota3A, %iota3A_193 : vector<32x32xi32>
    %convert_element_type3A_253 = arith.extui %le3A : vector<32x32xi1> to vector<32x32xi32>
    %convert_element_type3A_254 = arith.sitofp %convert_element_type3A_253 : vector<32x32xi32> to vector<32x32xf32>
    %dot_general3A_255 = arith.constant dense<0.000000e+00> : vector<1x32xf32>
    %dot_general3A_256 = tpu.matmul %convert_element_type3A_252, %convert_element_type3A_254, %dot_general3A_255 {dimension_numbers = #tpu.dot_dimension_numbers<[1], [0], [0], [1], [0, 0, 1, 1], [], []>, transpose_lhs_hint = false} : vector<1x32xf32>, vector<32x32xf32>, vector<1x32xf32> -> vector<1x32xf32>
    %sub3A_257 = arith.constant 1.000000e+00 : f32
    %sub3A_258 = vector.broadcast %sub3A_257 : f32 to vector<1x32xf32>
    %sub3A_259 = arith.subf %dot_general3A_256, %sub3A_258 : vector<1x32xf32>
    %reduce_sum3A_260 = vector.shape_cast %convert_element_type3A_252 : vector<1x32xf32> to vector<1x1x32xf32>
    %reduce_sum3A_261 = arith.constant dense<0.000000e+00> : vector<1xf32>
    %reduce_sum3A_262 = vector.multi_reduction <add>, %reduce_sum3A_260, %reduce_sum3A_261 [1, 2] : vector<1x1x32xf32> to vector<1xf32>
    %reduce_sum3A_263 = vector.shape_cast %reduce_sum3A_262 : vector<1xf32> to vector<1x1x1xf32>
    %reduce_sum3A_264 = vector.extract %reduce_sum3A_263[0, 0, 0] : f32 from vector<1x1x1xf32>
    %iota3A_265 = tpu.iota {dimensions = array<i32: 1>} : vector<1x32xi32>
    %convert_element_type3A_266 = arith.sitofp %iota3A_265 : vector<1x32xi32> to vector<1x32xf32>
    %gt3A_267 = arith.constant 0.000000e+00 : f32
    %gt3A_268 = vector.broadcast %gt3A_267 : f32 to vector<1x32xf32>
    %gt3A_269 = arith.cmpf ogt, %convert_element_type3A_252, %gt3A_268 : vector<1x32xf32>
    %jit3A = arith.constant 3.200000e+01 : f32
    %broadcast_in_dim3A_270 = vector.broadcast %jit3A : f32 to vector<1x32xf32>
    %select_n3A = arith.select %gt3A_269, %convert_element_type3A_266, %broadcast_in_dim3A_270 : vector<1x32xi1>, vector<1x32xf32>
    %reduce_min3A = vector.shape_cast %select_n3A : vector<1x32xf32> to vector<1x1x32xf32>
    %reduce_min3A_271 = arith.constant dense<0x7F800000> : vector<1xf32>
    %reduce_min3A_272 = vector.multi_reduction <minimumf>, %reduce_min3A, %reduce_min3A_271 [1, 2] : vector<1x1x32xf32> to vector<1xf32>
    %reduce_min3A_273 = vector.shape_cast %reduce_min3A_272 : vector<1xf32> to vector<1x1x1xf32>
    %reduce_min3A_274 = vector.extract %reduce_min3A_273[0, 0, 0] : f32 from vector<1x1x1xf32>
    %convert_element_type3A_275 = arith.sitofp %iota3A : vector<32x32xi32> to vector<32x32xf32>
    %eq3A_276 = vector.broadcast %sub3A_259 : vector<1x32xf32> to vector<32x32xf32>
    %eq3A_277 = arith.cmpf oeq, %convert_element_type3A_275, %eq3A_276 : vector<32x32xf32>
    %convert_element_type3A_278 = arith.extui %eq3A_277 : vector<32x32xi1> to vector<32x32xi32>
    %convert_element_type3A_279 = arith.sitofp %convert_element_type3A_278 : vector<32x32xi32> to vector<32x32xf32>
    %mul3A = vector.broadcast %convert_element_type3A_252 : vector<1x32xf32> to vector<32x32xf32>
    %mul3A_280 = arith.mulf %convert_element_type3A_279, %mul3A : vector<32x32xf32>
    %iota3A_281 = tpu.iota {dimensions = array<i32: 0>} : vector<32x1xi32>
    %convert_element_type3A_282 = arith.sitofp %iota3A_281 : vector<32x1xi32> to vector<32x1xf32>
    %dot_general3A_283 = arith.constant dense<0.000000e+00> : vector<32x1xf32>
    %dot_general3A_284 = tpu.matmul %mul3A_280, %convert_element_type3A_282, %dot_general3A_283 {dimension_numbers = #tpu.dot_dimension_numbers<[1], [0], [0], [1], [0, 0, 1, 1], [], []>, transpose_lhs_hint = false} : vector<32x32xf32>, vector<32x1xf32>, vector<32x1xf32> -> vector<32x1xf32>
    %lt3A = vector.broadcast %reduce_sum3A_264 : f32 to vector<32x1xf32>
    %lt3A_285 = arith.cmpf olt, %convert_element_type3A_282, %lt3A : vector<32x1xf32>
    %broadcast_in_dim3A_286 = vector.broadcast %reduce_min3A_274 : f32 to vector<32x1xf32>
    %select_n3A_287 = arith.select %lt3A_285, %dot_general3A_284, %broadcast_in_dim3A_286 : vector<32x1xi1>, vector<32x1xf32>
    %convert_element_type3A_288 = arith.fptosi %select_n3A_287 : vector<32x1xf32> to vector<32x1xi32>
    %swap3A_289 = arith.constant 0 : index
    %swap3A_290 = arith.constant 0 : index
    %swap3A_291 = vector.load %arg9[%swap3A_289, %swap3A_290] : memref<32x1xi32, #tpu.memory_space<vmem>>, vector<32x1xi32>
    tpu.vector_store %arg9[%swap3A_289, %swap3A_290], %convert_element_type3A_288 {strides = array<i32>} : memref<32x1xi32, #tpu.memory_space<vmem>>, vector<32x1xi32>,
    return
  }
}

</mosaic_0001>

<sc_bundles>
// kernel: kernel.5.cloned.1.call-start
scs
__scs_entry_jumppad:
0x0: {  	(pc) =	sbr.rel $0x88, $3  }
0x1: {  	(tag) =	ssettag $0x0;
	lr =	simm.s32 $0x1  }
0x2: {  	[smem:$0x3F9B] =	sst lr;
	_ =	strace $0xD0000000  }
0x3: {  	_ = 	snop  }
0x4: {  	_ = 	snop  }
0x5: {  	_ = 	snop  }
0x6: {  	_ = 	snop  }
0x7: {  	_ = 	snop  }
__scs_overlays_trampoline_lowered:
0x8: {  	[smem:$0x3FAA] =	sst s0  }
0x9: {  	[smem:$0x3FAB] =	sst s1  }
0xa: {  	[smem:$0x3FAC] =	sst s2  }
0xb: {  	[smem:$0x3FAD] =	sst s3  }
0xc: {  	[smem:$0x3FAE] =	sst s4  }
0xd: {  	[smem:$0x3FAF] =	sst s5  }
0xe: {  	[smem:$0x3FB0] =	sst s6  }
0xf: {  	[smem:$0x3FB1] =	sst s7  }
0x10: {  	[smem:$0x3FB2] =	sst s8  }
0x11: {  	[smem:$0x3FB3] =	sst s9;
	s0 =	simm.s32 @!p0 $0x0  }
0x12: {  	s1 =	sld [smem:$0x3F99];
	s0 =	simm.s32 @p0 $0x1  }
0x13: {  	[smem:$0x3FB4] =	sst s0;
	s0 =	simm.s32 @!p1 $0x0  }
0x14: {  	s2 =	sld [smem:$0x3F98];
	s0 =	simm.s32 @p1 $0x1  }
0x15: {  	[smem:$0x3FB5] =	sst s0;
	s0 =	simm.s32 @!p2 $0x0  }
0x16: {  	s3 =	sld [smem:$0x3FDB];
	s0 =	simm.s32 @p2 $0x1  }
0x17: {  	s4 =	simm.s32 $0x1BF5;
	[smem:$0x3FB7] =	sst s0  }
0x18: {  	s0 =	sld [smem:$0x3F9A];
	_ =	swait.ge [sflag:s4], $0x0  }
0x19: {  	s7 =	sld [smem:$0x3F9B]  }
0x1a: {  	s8 =	sadd.s32 $0xFFFFE003, lr  }
0x1b: {  	s9 =	sadd.s32 $0xFFFFFEF7, lr;
	s5 =	simm.s32 $0xFFFFFFFF;
	p2 =	slt.u32 s8, $0xFFFFF086  }
0x1c: {  	p1 =	slt.u32 s9, $0xF7A;
	s5 =	simm.s32 @!p2 $0x0  }
0x1d: {  	s5 =	simm.s32 @p1 $0x1;
	p0 =	seq.s32 s7, s2  }
0x1e: {  	s7 =	smul.u32 @!p0 $0xF7A, s2;
	p2 =	seq.s32 @!p0 s5, $0x0  }
0x1f: {  	s9 =	smul.u32 $0xF7A, s1;
	s8 =	simm.s32 @!p0 $0x1BF5;
	p2 =	por !p2, p0  }
0x20: {  	[sflag:s8] =	ssyncset.s32 @!p0 $0xFFFFF086;
	s6 =	sadd.s32 @!p0 s3, s7;
	s7 =	simm.s32 @!p0 $0x108  }
0x21: {  	s3 =	sadd.s32 s3, s9;
	s6 =	sadd.s32 @!p0 $0x88, s6;
	s7 =	simm.s32 @p2 $0x1082  }
0x22: {  	[simem:s7], [sflag:s8] =	dma.local @!p0 [hbm:s6], $0xF7A  }
0x23: {  	s9 =	sor.u32 $0xD0000000, s2;
	s6 =	simm.s32 $0x108;
	_ =	swait.ge @!p0 [sflag:s8], $0x0  }
0x24: {  	s3 =	sadd.s32 $0x88, s3;
	s6 =	simm.s32 @!p1 $0x1082;
	[sflag:s4] =	ssyncset.s32 $0xFFFFF086  }
0x25: {  	[simem:s6], [sflag:s4] =	dma.local [hbm:s3], $0xF7A  }
0x26: {  	[smem:$0x3F9B] =	sst s1;
	(tag) =	ssettag s2;
	_ =	strace s9  }
0x27: {  	s1 =	sld [smem:$0x3FAB]  }
0x28: {  	s2 =	sld [smem:$0x3FAC]  }
0x29: {  	s4 =	sld [smem:$0x3FAE]  }
0x2a: {  	p0 =	seq.s32 s5, $0x0;
	s5 =	sld [smem:$0x3FAF]  }
0x2b: {  	s6 =	sld [smem:$0x3FB0]  }
0x2c: {  	s7 =	sld [smem:$0x3FB1]  }
0x2d: {  	s3 =	simm.s32 $0x108;
	s8 =	sld [smem:$0x3FB2]  }
0x2e: {  	s3 =	simm.s32 @!p0 $0x1082;
	s9 =	sld [smem:$0x3FB3]  }
0x2f: {  	lr =	sadd.s32 s0, s3;
	s0 =	sld [smem:$0x3FAA]  }
0x30: {  	s3 =	sld [smem:$0x3FAD]  }
0x31: {  	[smem:$0x3FB6] =	sst s10  }
0x32: {  	s10 =	sld [smem:$0x3FB4];
	_ =	sdelay $0x3  }
0x33: {  	p0 =	seq.s32 s10, $0x1;
	s10 =	sld [smem:$0x3FB6];
	_ =	sdelay $0x3  }
0x34: {  	[smem:$0x3FB6] =	sst s10  }
0x35: {  	s10 =	sld [smem:$0x3FB5];
	_ =	sdelay $0x3  }
0x36: {  	p1 =	seq.s32 s10, $0x1;
	s10 =	sld [smem:$0x3FB6];
	_ =	sdelay $0x3  }
0x37: {  	[smem:$0x3FB6] =	sst s10  }
0x38: {  	s10 =	sld [smem:$0x3FB7]  }
0x39: {  	_ = 	snop;
	(pc) =	sbr.ind lr, $3  }
0x3a: {  	_ = 	snop  }
0x3b: {  	_ = 	snop  }
0x3c: {  	p2 =	seq.s32 s10, $0x1;
	s10 =	sld [smem:$0x3FB6]  }
0x3d: {  	_ =	shalt  }
0x3e: {  	_ =	shalt  }
0x3f: {  	_ =	shalt  }
0x40: {  	_ =	shalt  }
0x41: {  	_ =	shalt  }
0x42: {  	_ =	shalt  }
0x43: {  	_ =	shalt  }
0x44: {  	_ =	shalt  }
0x45: {  	_ =	shalt  }
0x46: {  	_ =	shalt  }
0x47: {  	_ =	shalt  }
0x48: {  	_ =	shalt  }
0x49: {  	_ =	shalt  }
0x4a: {  	_ =	shalt  }
0x4b: {  	_ =	shalt  }
0x4c: {  	_ =	shalt  }
0x4d: {  	_ =	shalt  }
0x4e: {  	_ =	shalt  }
0x4f: {  	_ =	shalt  }
0x50: {  	_ =	shalt  }
0x51: {  	_ =	shalt  }
0x52: {  	_ =	shalt  }
0x53: {  	_ =	shalt  }
0x54: {  	_ =	shalt  }
0x55: {  	_ =	shalt  }
0x56: {  	_ =	shalt  }
0x57: {  	_ =	shalt  }
0x58: {  	_ =	shalt  }
0x59: {  	_ =	shalt  }
0x5a: {  	_ =	shalt  }
0x5b: {  	_ =	shalt  }
0x5c: {  	_ =	shalt  }
0x5d: {  	_ =	shalt  }
0x5e: {  	_ =	shalt  }
0x5f: {  	_ =	shalt  }
0x60: {  	_ =	shalt  }
0x61: {  	_ =	shalt  }
0x62: {  	_ =	shalt  }
0x63: {  	_ =	shalt  }
0x64: {  	_ =	shalt  }
0x65: {  	_ =	shalt  }
0x66: {  	_ =	shalt  }
0x67: {  	_ =	shalt  }
0x68: {  	_ =	shalt  }
0x69: {  	_ =	shalt  }
0x6a: {  	_ =	shalt  }
0x6b: {  	_ =	shalt  }
0x6c: {  	_ =	shalt  }
0x6d: {  	_ =	shalt  }
0x6e: {  	_ =	shalt  }
0x6f: {  	_ =	shalt  }
0x70: {  	_ =	shalt  }
0x71: {  	_ =	shalt  }
0x72: {  	_ =	shalt  }
0x73: {  	_ =	shalt  }
0x74: {  	_ =	shalt  }
0x75: {  	_ =	shalt  }
0x76: {  	_ =	shalt  }
0x77: {  	_ =	shalt  }
0x78: {  	_ =	shalt  }
0x79: {  	_ =	shalt  }
0x7a: {  	_ =	shalt  }
0x7b: {  	_ =	shalt  }
0x7c: {  	_ =	shalt  }
0x7d: {  	_ =	shalt  }
0x7e: {  	_ =	shalt  }
0x7f: {  	_ =	shalt  }
0x80: {  	_ =	shalt  }
0x81: {  	_ =	shalt  }
0x82: {  	_ =	shalt  }
0x83: {  	_ =	shalt  }
0x84: {  	_ =	shalt  }
0x85: {  	_ =	shalt  }
0x86: {  	_ =	shalt  }
0x87: {  	_ =	shalt  }
.Lfunc_end0:
.L_simem_size_0:
called_computation_lowered:
.L_overlay_start_0:
0x88: {  	s2 =	sld [smem:$0x3FD9]  }
0x89: {  	s3 =	sld [smem:$0x3FFE];
	_ =	sdelay $0x1  }
0x8a: {  	s1 =	srdreg.scid  }
0x8b: {  	s0 =	sand.u32 $0x1, s1  }
0x8c: {  	s14 =	sshll.u32 s0, $0xA;
	s2 =	sadd.s32 s3, s2  }
0x8d: {  	s2 =	sadd.s32 s2, s14  }
0x8e: {  	[smem:$0x3FC2] =	sst s2  }
0x8f: {  	_ = 	snop  }
0x90: {  	s2 =	sld [smem:$0x3FD0];
	_ =	sdelay $0x1  }
0x91: {  	s15 =	sld [smem:$0x3FC9]  }
0x92: {  	s5 =	simm.s32 $0xA;
	s6 =	simm.s32 $0x10;
	s4 =	sld [smem:$0x3FC8]  }
0x93: {  	[smem:s6], [sflag:s5] =	dma.local [hbm:s2], $0x1  }
0x94: {  	_ =	swait.eq [sflag:s5], $0x1  }
0x95: {  	[sflag:s5] =	ssyncset.done $0x0  }
0x96: {  	s16 =	sld [smem:$0x10];
	[sflag:s5] =	ssyncadd.s32 $0xFFFFFFFF  }
0x97: {  	s17 =	sld [smem:$0x11];
	(tm) =	ssettm $0x1  }
0x98: {  	s18 =	sld [smem:$0x3FFB];
	_ =	sdelay $0x3  }
0x99: {  	_ =	strace s18  }
0x9a: {  	s6 =	sld [smem:$0x3FFC];
	_ =	sdelay $0x3  }
0x9b: {  	_ =	strace s6  }
0x9c: {  	s6 =	sld [smem:$0x3FFD];
	_ =	sdelay $0x3  }
0x9d: {  	_ =	strace s6  }
0x9e: {  	_ =	strace $0x8FFFFFFF  }
0x9f: {  	s19 =	sld [smem:$0x3FDB];
	_ =	sdelay $0x1  }
0xa0: {  	s7 =	simm.s32 $_scs_section_size  }
0xa1: {  	s8 =	simm.s32 $_size__tile_overlayer_lowered;
	s9 =	simm.s32 $_tile_overlayer_lowered  }
0xa2: {  	s22 =	simm.s32 $0x1BFF;
	s21 =	sshll.u32 s9, $0x1;
	s6 =	sadd.s32 s7, s19  }
0xa3: {  	s10 =	simm.s32 $0x0;
	s20 =	sshll.u32 s8, $0x1;
	s8 =	sadd.s32 s21, s6  }
0xa4: {  	[timem:s10], [sflag:s22] =	dma.local [hbm:s8], s20  }
0xa5: {  	_ =	swait.ge [sflag:s22], s20  }
0xa6: {  	s7 =	ssub.s32 $0x0, s20;
	[sflag:s22] =	ssyncset.done $0x0  }
0xa7: {  	[sflag:s22] =	ssyncadd.s32 s7;
	_ =	sdelay $0x1  }
0xa8: {  	s23 =	simm.s32 $0x1B8B  }
0xa9: {  	_ =	swait.ge [sflag:s23], $0x1  }
0xaa: {  	[sflag:s23] =	ssyncset.done $0x0  }
0xab: {  	s25 =	simm.s32 $0x1B8E;
	s24 =	sld [smem:$0x3FFE];
	[sflag:s23] =	ssyncadd.s32 $0xFFFFFFFF  }
0xac: {  	s26 =	simm.s32 $execute0_lowered;
	[smem:$0x3FD2] =	sst s25  }
0xad: {  	s8 =	sshll.u32 s26, $0x1;
	_ =	strace $0x80000046;
	[dreg:$0x1] =	wrdreg $0xFFFFFFFF  }
0xae: {  	s28 =	simm.s32 $_size_execute0_lowered;
	s6 =	sadd.s32 s6, s8;
	[dreg:$0x0] =	wrdreg $0x0  }
0xaf: {  	s8 =	sshll.u32 s28, $0x1;
	[dreg:$0x2] =	wrdreg s6  }
0xb0: {  	[dreg:$0x3] =	wrdreg s8  }
0xb1: {  	[dreg:$0x4] =	wrdreg $0xC0  }
0xb2: {  	_ =	task [dreg:s10], $0x5FFFF  }
0xb3: {  	[dreg:$0x1] =	wrdreg $0xFFFFFFFF  }
0xb4: {  	[dreg:$0x0] =	wrdreg $0x60  }
0xb5: {  	[dreg:$0x2] =	wrdreg s15  }
0xb6: {  	[dreg:$0x3] =	wrdreg s4  }
0xb7: {  	[dreg:$0x4] =	wrdreg s24  }
0xb8: {  	[dreg:$0x5] =	wrdreg s17  }
0xb9: {  	[dreg:$0x6] =	wrdreg s16  }
0xba: {  	[dreg:$0x7] =	wrdreg $0x9  }
0xbb: {  	_ =	task.clear_ibuf [dreg:s10], $0x8FFFF;
	_ =	strace $0x90000046  }
0xbc: {  	s29 =	simm.s32 $0x9;
	_ =	strace $0x80000048  }
0xbd: {  	_ =	swait.ge [sflag:s29], $0x1  }
0xbe: {  	[sflag:s29] =	ssyncadd.s32 $0xFFFFFFFF  }
0xbf: {  	_ =	strace $0x90000048  }
0xc0: {  	_ =	sfence  }
0xc1: {  	s30 =	sld [smem:$0x0];
	_ =	sdelay $0x2  }
0xc2: {  	s31 =	sshll.u32 s1, $0xD;
	s1 =	sshrl.u32 s1, $0x2  }
0xc3: {  	s3 =	sand.u32 $0x4000, s31;
	s1 =	sadd.s32 s1, s30  }
0xc4: {  	s0 =	sor.u32 s3, s0;
	s1 =	sshll.u32 s1, $0x11  }
0xc5: {  	s0 =	sor.u32 s1, s0  }
0xc6: {  	s0 =	sadd.s32 $0x8F2B, s0  }
0xc7: {  	[sflag:s0] =	ssyncadd.remote.s32 $0x1  }
0xc8: {  	_ =	sfence.sel $0xFFFF  }
0xc9: {  	[dreg:$0x0] =	wrdreg $0xFFFFFFFF;
	(pc) =	sbr.abs _section_cstart, $3  }
0xca: {  	[dreg:$0x1] =	wrdreg $0xFFFFFFFF  }
0xcb: {  	_ =	task.clear_ibuf [dreg:s10], $0x2FFFF;
	_ =	strace $0x9FFFFFFF  }
0xcc: {  	(tm) =	ssettm $0x7FFFFFFF  }
0xcd: {  	_ =	shalt  }
tec
execute0_lowered:
.L_overlay_start_1:
0x0: {  	(tag) =	ssettag $0x1  }
0x1: {  	s1 =	rddreg [dreg:$0x0]  }
0x2: {  	s0 =	rddreg [dreg:$0x1]  }
0x3: {  	s5 =	rddreg [dreg:$0x2]  }
0x4: {  	s3 =	rddreg [dreg:$0x3]  }
0x5: {  	s8 =	rddreg [dreg:$0x4]  }
0x6: {  	s6 =	srdreg.scid;
	s2 =	stileid.u32  }
0x7: {  	s4 =	simm.s32 $0x0;
	s13 =	simm.s32 $0x1CF00;
	s14 =	simm.s32 $0x1CF80  }
0x8: {  	s15 =	simm.s32 $0x1D780;
	s16 =	simm.s32 $0x0;
	s7 =	sand.u32 $0x1, s6  }
0x9: {  	s24 =	sshll.u32 s2, $0x1;
	[smem:$0x7FF] =	sst s4;
	s26 =	smul.u32 $0x9C4, s2  }
0xa: {  	s28 =	sshll.u32 s2, $0x4;
	s12 =	sor.u32 s7, s24;
	_ =	strace $0x80000047  }
0xb: {  	s9 =	ssub.s32 $0x2, s7;
	s29 =	sshll.u32 s7, $0x8;
	s30 =	sadd.s32 s8, s28  }
.Ltmp0:
0xc: {  	s6 =	sshll.u32 s12, $0x9;
	s25 =	sshrl.u32 s9, $0x1;
	(pc) =	sbr.rel .LBB2_1-.Ltmp0, $4  }
0xd: {  	s7 =	sadd.s32 s29, s30;
	s10 =	sadd.s32 s6, s5;
	s5 =	smul.u32 $0x14FF, s12  }
0xe: {  	v5 =	vlaneseq.u32;
	v2 =	vimm.s32 $0x3FFF;
	s8 =	sadd.s32 s8, s29;
	p0 =	sne.s32 s12, $0x0;
	s11 =	ssub.s32 s9, s25  }
0xf: {  	v4 =	vimm.s32 $0x0;
	v6 =	vimm.f32 $0.0e+00;
	v3 =	vadd.s32 $0x1, v5;
	s6 =	sadd.s32 s0, s26;
	s12 =	simm.s32 $0x3;
	s31 =	sadd.s32 $0x14FE, s5  }
0x10: {  	v5 =	vadd.s32 $0x11, v5;
	s10 =	sadd.s32 $0x1400, s10;
	s11 =	smax.u32 s11, $0x1;
	s9 =	sadd.s32 $0x14FF, s5;
	v0 =	vmov s5;
	v1 =	vmov s31  }
.LBB2_17:
0x11: {  	s16 =	sadd.s32 $0x1, s16  }
0x12: {  	p1 =	sne.s32 s16, s11  }
.Ltmp1:
0x13: {  	_ = 	snop;
	(pc) =	sbr.rel @!p1 .LBB2_18-.Ltmp1, $4  }
0x14: {  	[hbm4b:s10+s4] =	stream.linear.scatter [tilespmem:s15], [sflag:$0x3], $0x1000, $0x38;
	[tilespmem:$0x1E780] =	vst v63  }
0x15: {  	_ =	swait.ge [sflag:s12], $0x1000  }
0x16: {  	[sflag:s12] =	ssyncset.done $0x0  }
0x17: {  	[sflag:s12] =	ssyncadd.s32 $0xFFFFF000  }
.LBB2_1:
0x18: {  	[tilespmem:s4], [sflag:$0x3] =	stream.linear.gather [hbm4b:s6+s4], $0x4E20, $0x38;
	[tilespmem:$0x1E780] =	vst v63  }
0x19: {  	_ =	swait.ge [sflag:s12], $0x4E20  }
0x1a: {  	[sflag:s12] =	ssyncset.done $0x0  }
0x1b: {  	[sflag:s12] =	ssyncadd.s32 $0xFFFFB1E0  }
0x1c: {  	v7 =	vld.idx.msk [tilespmem:v2+s4+$0x0], $0xffff;
	_ =	sdelay $0x4  }
0x1d: {  	vm0 =	vlt.s32 v7, v3  }
0x1e: {  	vm7 =	vlt.s32 v7, v5;
	v8 =	vsel vm0, $0x4000, v4  }
0x1f: {  	v7 =	vsel vm7, $0x4000, v4;
	v9 =	vor.u32 $0x2000, v8  }
0x20: {  	v10 =	vor.u32 $0x2000, v7;
	v11 =	vmin.u32 v9, $0x4E20  }
0x21: {  	v12 =	vmin.u32 v10, $0x4E20;
	v11 =	vadd.s32 $0xFFFFFFFF, v11  }
0x22: {  	v12 =	vadd.s32 $0xFFFFFFFF, v12;
	_ =	sdelay $0x3  }
0x23: {  	v11 =	vld.idx.msk [tilespmem:v11+s4+$0x0], $0xffff  }
0x24: {  	v12 =	vld.idx.msk [tilespmem:v12+s4+$0x0], $0xffff;
	_ =	sdelay $0x3  }
0x25: {  	vm8 =	vlt.u32 v9, $0x4E21;
	vm1 =	vlt.s32 v11, v3  }
0x26: {  	vm9 =	vlt.u32 v10, $0x4E21;
	vm2 =	vlt.s32 v12, v5;
	vm0 =	vmand vm1, vm8  }
0x27: {  	vm10 =	vmand vm2, vm9;
	v8 =	vsel vm0, v9, v8  }
0x28: {  	v7 =	vsel vm10, v10, v7;
	v9 =	vor.u32 $0x1000, v8  }
0x29: {  	v10 =	vor.u32 $0x1000, v7;
	v11 =	vmin.u32 v9, $0x4E20  }
0x2a: {  	v43 =	vmin.u32 v10, $0x4E20;
	v11 =	vadd.s32 $0xFFFFFFFF, v11  }
0x2b: {  	v12 =	vadd.s32 $0xFFFFFFFF, v43;
	_ =	sdelay $0x3  }
0x2c: {  	v11 =	vld.idx.msk [tilespmem:v11+s4+$0x0], $0xffff  }
0x2d: {  	v12 =	vld.idx.msk [tilespmem:v12+s4+$0x0], $0xffff;
	_ =	sdelay $0x3  }
0x2e: {  	vm11 =	vlt.u32 v9, $0x4E21;
	vm12 =	vlt.s32 v11, v3  }
0x2f: {  	vm13 =	vlt.u32 v10, $0x4E21;
	vm14 =	vlt.s32 v12, v5;
	vm0 =	vmand vm12, vm11  }
0x30: {  	vm15 =	vmand vm14, vm13;
	v8 =	vsel vm0, v9, v8  }
0x31: {  	v7 =	vsel vm15, v10, v7;
	v9 =	vor.u32 $0x800, v8  }
0x32: {  	v10 =	vor.u32 $0x800, v7;
	v11 =	vmin.u32 v9, $0x4E20  }
0x33: {  	v44 =	vmin.u32 v10, $0x4E20;
	v11 =	vadd.s32 $0xFFFFFFFF, v11  }
0x34: {  	v12 =	vadd.s32 $0xFFFFFFFF, v44;
	_ =	sdelay $0x3  }
0x35: {  	v11 =	vld.idx.msk [tilespmem:v11+s4+$0x0], $0xffff  }
0x36: {  	v12 =	vld.idx.msk [tilespmem:v12+s4+$0x0], $0xffff;
	_ =	sdelay $0x3  }
0x37: {  	vm4 =	vlt.u32 v9, $0x4E21;
	vm5 =	vlt.s32 v11, v3  }
0x38: {  	vm6 =	vlt.u32 v10, $0x4E21;
	vm7 =	vlt.s32 v12, v5;
	vm0 =	vmand vm5, vm4  }
0x39: {  	vm8 =	vmand vm7, vm6;
	v8 =	vsel vm0, v9, v8  }
0x3a: {  	v7 =	vsel vm8, v10, v7;
	v9 =	vadd.s32 $0x400, v8  }
0x3b: {  	v10 =	vadd.s32 $0x400, v7;
	v11 =	vmin.u32 v9, $0x4E20  }
0x3c: {  	v45 =	vmin.u32 v10, $0x4E20;
	v11 =	vadd.s32 $0xFFFFFFFF, v11  }
0x3d: {  	v12 =	vadd.s32 $0xFFFFFFFF, v45;
	_ =	sdelay $0x3  }
0x3e: {  	v11 =	vld.idx.msk [tilespmem:v11+s4+$0x0], $0xffff  }
0x3f: {  	v12 =	vld.idx.msk [tilespmem:v12+s4+$0x0], $0xffff;
	_ =	sdelay $0x3  }
0x40: {  	vm9 =	vlt.u32 v8, $0x4A21;
	vm10 =	vlt.s32 v11, v3  }
0x41: {  	vm11 =	vlt.u32 v7, $0x4A21;
	vm12 =	vlt.s32 v12, v5;
	vm0 =	vmand vm10, vm9  }
0x42: {  	vm13 =	vmand vm12, vm11;
	v8 =	vsel vm0, v9, v8  }
0x43: {  	v7 =	vsel vm13, v10, v7;
	v9 =	vadd.s32 $0x200, v8  }
0x44: {  	v10 =	vadd.s32 $0x200, v7;
	v11 =	vmin.u32 v9, $0x4E20  }
0x45: {  	v46 =	vmin.u32 v10, $0x4E20;
	v11 =	vadd.s32 $0xFFFFFFFF, v11  }
0x46: {  	v12 =	vadd.s32 $0xFFFFFFFF, v46;
	_ =	sdelay $0x3  }
0x47: {  	v11 =	vld.idx.msk [tilespmem:v11+s4+$0x0], $0xffff  }
0x48: {  	v12 =	vld.idx.msk [tilespmem:v12+s4+$0x0], $0xffff;
	_ =	sdelay $0x3  }
0x49: {  	vm14 =	vlt.u32 v8, $0x4C21;
	vm15 =	vlt.s32 v11, v3  }
0x4a: {  	vm4 =	vlt.u32 v7, $0x4C21;
	vm5 =	vlt.s32 v12, v5;
	vm0 =	vmand vm15, vm14  }
0x4b: {  	vm6 =	vmand vm5, vm4;
	v8 =	vsel vm0, v9, v8  }
0x4c: {  	v7 =	vsel vm6, v10, v7;
	v9 =	vadd.s32 $0x100, v8  }
0x4d: {  	v10 =	vadd.s32 $0x100, v7;
	v11 =	vmin.u32 v9, $0x4E20  }
0x4e: {  	v47 =	vmin.u32 v10, $0x4E20;
	v11 =	vadd.s32 $0xFFFFFFFF, v11  }
0x4f: {  	v12 =	vadd.s32 $0xFFFFFFFF, v47;
	_ =	sdelay $0x3  }
0x50: {  	v11 =	vld.idx.msk [tilespmem:v11+s4+$0x0], $0xffff  }
0x51: {  	v12 =	vld.idx.msk [tilespmem:v12+s4+$0x0], $0xffff;
	_ =	sdelay $0x3  }
0x52: {  	vm7 =	vlt.u32 v8, $0x4D21;
	vm8 =	vlt.s32 v11, v3  }
0x53: {  	vm9 =	vlt.u32 v7, $0x4D21;
	vm10 =	vlt.s32 v12, v5;
	vm0 =	vmand vm8, vm7  }
0x54: {  	vm11 =	vmand vm10, vm9;
	v8 =	vsel vm0, v9, v8  }
0x55: {  	v7 =	vsel vm11, v10, v7;
	v9 =	vadd.s32 $0x80, v8  }
0x56: {  	v10 =	vadd.s32 $0x80, v7;
	v11 =	vmin.u32 v9, $0x4E20  }
0x57: {  	v48 =	vmin.u32 v10, $0x4E20;
	v11 =	vadd.s32 $0xFFFFFFFF, v11  }
0x58: {  	v12 =	vadd.s32 $0xFFFFFFFF, v48;
	_ =	sdelay $0x3  }
0x59: {  	v11 =	vld.idx.msk [tilespmem:v11+s4+$0x0], $0xffff  }
0x5a: {  	v12 =	vld.idx.msk [tilespmem:v12+s4+$0x0], $0xffff;
	_ =	sdelay $0x3  }
0x5b: {  	vm12 =	vlt.u32 v8, $0x4DA1;
	vm13 =	vlt.s32 v11, v3  }
0x5c: {  	vm14 =	vlt.u32 v7, $0x4DA1;
	vm15 =	vlt.s32 v12, v5;
	vm0 =	vmand vm13, vm12  }
0x5d: {  	vm4 =	vmand vm15, vm14;
	v8 =	vsel vm0, v9, v8  }
0x5e: {  	v7 =	vsel vm4, v10, v7;
	v9 =	vadd.s32 $0x40, v8  }
0x5f: {  	v10 =	vadd.s32 $0x40, v7;
	v11 =	vmin.u32 v9, $0x4E20  }
0x60: {  	v49 =	vmin.u32 v10, $0x4E20;
	v11 =	vadd.s32 $0xFFFFFFFF, v11  }
0x61: {  	v12 =	vadd.s32 $0xFFFFFFFF, v49;
	_ =	sdelay $0x3  }
0x62: {  	v11 =	vld.idx.msk [tilespmem:v11+s4+$0x0], $0xffff  }
0x63: {  	v12 =	vld.idx.msk [tilespmem:v12+s4+$0x0], $0xffff;
	_ =	sdelay $0x3  }
0x64: {  	vm5 =	vlt.u32 v8, $0x4DE1;
	vm6 =	vlt.s32 v11, v3  }
0x65: {  	vm7 =	vlt.u32 v7, $0x4DE1;
	vm8 =	vlt.s32 v12, v5;
	vm0 =	vmand vm6, vm5  }
0x66: {  	vm9 =	vmand vm8, vm7;
	v8 =	vsel vm0, v9, v8  }
0x67: {  	v7 =	vsel vm9, v10, v7;
	v9 =	vadd.s32 $0x20, v8  }
0x68: {  	v10 =	vadd.s32 $0x20, v7;
	v11 =	vmin.u32 v9, $0x4E20  }
0x69: {  	v50 =	vmin.u32 v10, $0x4E20;
	v11 =	vadd.s32 $0xFFFFFFFF, v11  }
0x6a: {  	v12 =	vadd.s32 $0xFFFFFFFF, v50;
	_ =	sdelay $0x3  }
0x6b: {  	v11 =	vld.idx.msk [tilespmem:v11+s4+$0x0], $0xffff  }
0x6c: {  	v12 =	vld.idx.msk [tilespmem:v12+s4+$0x0], $0xffff;
	_ =	sdelay $0x3  }
0x6d: {  	vm10 =	vlt.u32 v8, $0x4E01;
	vm11 =	vlt.s32 v11, v3  }
0x6e: {  	vm12 =	vlt.u32 v7, $0x4E01;
	vm13 =	vlt.s32 v12, v5;
	vm0 =	vmand vm11, vm10  }
0x6f: {  	vm14 =	vmand vm13, vm12;
	v8 =	vsel vm0, v9, v8  }
0x70: {  	v7 =	vsel vm14, v10, v7;
	v9 =	vadd.s32 $0x10, v8  }
0x71: {  	v10 =	vadd.s32 $0x10, v7;
	v11 =	vmin.u32 v9, $0x4E20  }
0x72: {  	v51 =	vmin.u32 v10, $0x4E20;
	v11 =	vadd.s32 $0xFFFFFFFF, v11  }
0x73: {  	v12 =	vadd.s32 $0xFFFFFFFF, v51;
	_ =	sdelay $0x3  }
0x74: {  	v11 =	vld.idx.msk [tilespmem:v11+s4+$0x0], $0xffff  }
0x75: {  	v12 =	vld.idx.msk [tilespmem:v12+s4+$0x0], $0xffff;
	_ =	sdelay $0x3  }
0x76: {  	vm15 =	vlt.u32 v8, $0x4E11;
	vm4 =	vlt.s32 v11, v3  }
0x77: {  	vm5 =	vlt.u32 v7, $0x4E11;
	vm6 =	vlt.s32 v12, v5;
	vm0 =	vmand vm4, vm15  }
0x78: {  	vm7 =	vmand vm6, vm5;
	v8 =	vsel vm0, v9, v8  }
0x79: {  	v7 =	vsel vm7, v10, v7;
	v9 =	vadd.s32 $0x8, v8  }
0x7a: {  	v10 =	vadd.s32 $0x8, v7;
	v11 =	vmin.u32 v9, $0x4E20  }
0x7b: {  	v52 =	vmin.u32 v10, $0x4E20;
	v11 =	vadd.s32 $0xFFFFFFFF, v11  }
0x7c: {  	v12 =	vadd.s32 $0xFFFFFFFF, v52;
	_ =	sdelay $0x3  }
0x7d: {  	v11 =	vld.idx.msk [tilespmem:v11+s4+$0x0], $0xffff  }
0x7e: {  	v12 =	vld.idx.msk [tilespmem:v12+s4+$0x0], $0xffff;
	_ =	sdelay $0x3  }
0x7f: {  	vm8 =	vlt.u32 v8, $0x4E19;
	vm9 =	vlt.s32 v11, v3  }
0x80: {  	vm10 =	vlt.u32 v7, $0x4E19;
	vm11 =	vlt.s32 v12, v5;
	vm0 =	vmand vm9, vm8  }
0x81: {  	vm12 =	vmand vm11, vm10;
	v8 =	vsel vm0, v9, v8  }
0x82: {  	v7 =	vsel vm12, v10, v7;
	v9 =	vadd.s32 $0x4, v8  }
0x83: {  	v10 =	vadd.s32 $0x4, v7;
	v11 =	vmin.u32 v9, $0x4E20  }
0x84: {  	v53 =	vmin.u32 v10, $0x4E20;
	v11 =	vadd.s32 $0xFFFFFFFF, v11  }
0x85: {  	v12 =	vadd.s32 $0xFFFFFFFF, v53;
	_ =	sdelay $0x3  }
0x86: {  	v11 =	vld.idx.msk [tilespmem:v11+s4+$0x0], $0xffff  }
0x87: {  	v12 =	vld.idx.msk [tilespmem:v12+s4+$0x0], $0xffff;
	_ =	sdelay $0x3  }
0x88: {  	vm13 =	vlt.u32 v8, $0x4E1D;
	vm14 =	vlt.s32 v11, v3  }
0x89: {  	vm15 =	vlt.u32 v7, $0x4E1D;
	vm4 =	vlt.s32 v12, v5;
	vm0 =	vmand vm14, vm13  }
0x8a: {  	vm5 =	vmand vm4, vm15;
	v8 =	vsel vm0, v9, v8  }
0x8b: {  	v7 =	vsel vm5, v10, v7;
	v9 =	vadd.s32 $0x2, v8  }
0x8c: {  	v10 =	vadd.s32 $0x2, v7;
	v11 =	vmin.u32 v9, $0x4E20  }
0x8d: {  	v54 =	vmin.u32 v10, $0x4E20;
	v11 =	vadd.s32 $0xFFFFFFFF, v11  }
0x8e: {  	v12 =	vadd.s32 $0xFFFFFFFF, v54;
	_ =	sdelay $0x3  }
0x8f: {  	v11 =	vld.idx.msk [tilespmem:v11+s4+$0x0], $0xffff  }
0x90: {  	v12 =	vld.idx.msk [tilespmem:v12+s4+$0x0], $0xffff;
	_ =	sdelay $0x3  }
0x91: {  	vm6 =	vlt.u32 v8, $0x4E1F;
	vm7 =	vlt.s32 v11, v3  }
0x92: {  	vm8 =	vlt.u32 v7, $0x4E1F;
	vm9 =	vlt.s32 v12, v5;
	vm0 =	vmand vm7, vm6  }
0x93: {  	vm10 =	vmand vm9, vm8;
	v8 =	vsel vm0, v9, v8  }
0x94: {  	v7 =	vsel vm10, v10, v7;
	v9 =	vadd.s32 $0x1, v8  }
0x95: {  	v10 =	vadd.s32 $0x1, v7;
	v11 =	vmin.u32 v9, $0x4E20  }
0x96: {  	v55 =	vmin.u32 v10, $0x4E20;
	v11 =	vadd.s32 $0xFFFFFFFF, v11  }
0x97: {  	v12 =	vadd.s32 $0xFFFFFFFF, v55;
	_ =	sdelay $0x3  }
0x98: {  	v11 =	vld.idx.msk [tilespmem:v11+s4+$0x0], $0xffff  }
0x99: {  	v12 =	vld.idx.msk [tilespmem:v12+s4+$0x0], $0xffff;
	_ =	sdelay $0x3  }
0x9a: {  	vm11 =	vlt.u32 v8, $0x4E20;
	vm12 =	vlt.s32 v11, v3  }
0x9b: {  	vm13 =	vlt.u32 v7, $0x4E20;
	vm14 =	vlt.s32 v12, v5;
	vm0 =	vmand vm12, vm11  }
0x9c: {  	vm15 =	vmand vm14, vm13;
	v8 =	vsel vm0, v9, v8  }
0x9d: {  	v7 =	vsel vm15, v10, v7;
	[tilespmem:$0x1CF00] =	vst v8  }
0x9e: {  	[tilespmem:$0x1CF10] =	vst v7  }
0x9f: {  	[hbm4b:s7+s4] =	stream.linear.scatter [tilespmem:s13], [sflag:$0x3], $0x80, $0x38;
	[tilespmem:$0x1E780] =	vst v63  }
0xa0: {  	_ =	swait.ge [sflag:s12], $0x80  }
0xa1: {  	[sflag:s12] =	ssyncset.done $0x0  }
0xa2: {  	[sflag:s12] =	ssyncadd.s32 $0xFFFFFF80  }
0xa3: {  	[bflag:$0x0] =	sbarrier.arrive $0xFFFF  }
0xa4: {  	[tilespmem:s14], [sflag:$0x3] =	stream.linear.gather [hbm4b:s8+s4], $0x800, $0x38;
	[tilespmem:$0x1E780] =	vst v63  }
0xa5: {  	_ =	swait.ge [sflag:s12], $0x800  }
0xa6: {  	[sflag:s12] =	ssyncset.done $0x0  }
0xa7: {  	[sflag:s12] =	ssyncadd.s32 $0xFFFFF800  }
0xa8: {  	v7 =	vld [tilespmem:$0x1CF80]  }
0xa9: {  	v8 =	vld [tilespmem:$0x1CF90]  }
0xaa: {  	v9 =	vld [tilespmem:$0x1D000]  }
0xab: {  	v10 =	vld [tilespmem:$0x1D010]  }
0xac: {  	v11 =	vld [tilespmem:$0x1D080]  }
0xad: {  	v56 =	vld [tilespmem:$0x1D090]  }
0xae: {  	v13 =	vld [tilespmem:$0x1D100]  }
0xaf: {  	v14 =	vld [tilespmem:$0x1D110]  }
0xb0: {  	v15 =	vld [tilespmem:$0x1D180]  }
0xb1: {  	v16 =	vld [tilespmem:$0x1D190]  }
0xb2: {  	v17 =	vld [tilespmem:$0x1D200]  }
0xb3: {  	v18 =	vld [tilespmem:$0x1D210]  }
0xb4: {  	v19 =	vld [tilespmem:$0x1D280]  }
0xb5: {  	v20 =	vld [tilespmem:$0x1D290]  }
0xb6: {  	v21 =	vld [tilespmem:$0x1D300]  }
0xb7: {  	v22 =	vld [tilespmem:$0x1D310]  }
0xb8: {  	v23 =	vld [tilespmem:$0x1D380]  }
0xb9: {  	v24 =	vld [tilespmem:$0x1D390]  }
0xba: {  	v25 =	vld [tilespmem:$0x1D400]  }
0xbb: {  	v26 =	vld [tilespmem:$0x1D410]  }
0xbc: {  	v27 =	vld [tilespmem:$0x1D480]  }
0xbd: {  	v57 =	vld [tilespmem:$0x1D580];
	v7 =	vadd.s32 v7, v9  }
0xbe: {  	v58 =	vld [tilespmem:$0x1D590];
	v8 =	vadd.s32 v8, v10;
	v7 =	vadd.s32 v11, v7  }
0xbf: {  	v59 =	vld [tilespmem:$0x1D600];
	v8 =	vadd.s32 v56, v8;
	v7 =	vadd.s32 v13, v7  }
0xc0: {  	v60 =	vld [tilespmem:$0x1D610];
	v8 =	vadd.s32 v14, v8;
	v7 =	vadd.s32 v15, v7  }
0xc1: {  	v9 =	vld [tilespmem:$0x1D490];
	v8 =	vadd.s32 v16, v8;
	v7 =	vadd.s32 v17, v7  }
0xc2: {  	v10 =	vld [tilespmem:$0x1D500];
	v8 =	vadd.s32 v18, v8;
	v7 =	vadd.s32 v19, v7  }
0xc3: {  	v11 =	vld [tilespmem:$0x1D510];
	v8 =	vadd.s32 v20, v8;
	v7 =	vadd.s32 v21, v7  }
0xc4: {  	v61 =	vld [tilespmem:$0x1D680];
	v8 =	vadd.s32 v22, v8;
	v7 =	vadd.s32 v23, v7  }
0xc5: {  	v62 =	vld [tilespmem:$0x1D690];
	v8 =	vadd.s32 v24, v8;
	v7 =	vadd.s32 v25, v7  }
0xc6: {  	v63 =	vld [tilespmem:$0x1D700];
	v8 =	vadd.s32 v26, v8;
	v7 =	vadd.s32 v27, v7  }
0xc7: {  	v8 =	vadd.s32 v9, v8;
	v9 =	vld [tilespmem:$0x1D710];
	v7 =	vadd.s32 v10, v7  }
0xc8: {  	v8 =	vadd.s32 v11, v8;
	v7 =	vadd.s32 v57, v7  }
0xc9: {  	v8 =	vadd.s32 v58, v8;
	v7 =	vadd.s32 v59, v7  }
0xca: {  	v8 =	vadd.s32 v60, v8;
	v7 =	vadd.s32 v61, v7  }
0xcb: {  	v10 =	vadd.s32 v62, v8;
	v8 =	vadd.s32 v63, v7  }
0xcc: {  	v7 =	vadd.s32 v9, v10;
	[tilespmem:$0x1CE80] =	vst v8  }
0xcd: {  	s0 =	simm.s32 @!p0 $0x0;
	s17 =	simm.s32 @!p0 $0x1CE80;
	[tilespmem:$0x1CE90] =	vst v7  }
0xce: {  	[hbm4b:s3+s0] =	stream.linear.scatter @!p0 [tilespmem:s17], [sflag:$0x3], $0x80, $0x38;
	[tilespmem:$0x1E780] =	vst v63  }
0xcf: {  	s0 =	simm.s32 @!p0 $0x3  }
0xd0: {  	_ =	swait.ge @!p0 [sflag:s0], $0x80  }
0xd1: {  	[sflag:s0] =	ssyncset.done @!p0 $0x0  }
0xd2: {  	s19 =	simm.s32 $0x0;
	[sflag:s0] =	ssyncadd.s32 @!p0 $0xFFFFFF80;
	s0 =	simm.s32 $0x200  }
.LBB2_2:
0xd3: {  	p1 =	sne.s32 s0, $0x3E00;
	[tilespmem:s19+$0x1D7F0] =	vst v6  }
0xd4: {  	[tilespmem:s19+$0x1D780] =	vst v6  }
0xd5: {  	[tilespmem:s19+$0x1D790] =	vst v6  }
.Ltmp2:
0xd6: {  	[tilespmem:s19+$0x1D7A0] =	vst v6;
	(pc) =	sbr.rel @p1 .LBB2_2-.Ltmp2, $4  }
0xd7: {  	[tilespmem:s19+$0x1D7B0] =	vst v6  }
0xd8: {  	[tilespmem:s19+$0x1D7C0] =	vst v6  }
0xd9: {  	[tilespmem:s19+$0x1D7D0] =	vst v6  }
0xda: {  	[tilespmem:s19+$0x1D7E0] =	vst v6;
	s19 =	sshra.s32 s0, $0x2;
	s0 =	sadd.s32 $0x200, s0  }
0xdb: {  	vm0 =	vle.s32 v8, v0  }
0xdc: {  	vm13 =	vle.s32 v7, v0;
	v9 =	vsel vm0, $0x1, v4  }
0xdd: {  	vm14 =	vle.s32 v8, v1;
	v63 =	vsel vm13, $0x1, v4;
	(xrf0) =	vadd.scan.msk.s32 $0xffff, v9  }
0xde: {  	vm15 =	vle.s32 v7, v1;
	v8 =	vsel vm14, $0x1, v4;
	(xrf0) =	vadd.scan.msk.s32 $0xffff, v63  }
0xdf: {  	v7 =	vsel vm15, $0x1, v4;
	(xrf0) =	vadd.scan.msk.s32 $0xffff, v8  }
0xe0: {  	(xrf0) =	vadd.scan.msk.s32 $0xffff, v7;
	_ =	sdelay $0x2  }
0xe1: {  	v7, _, _ =	vpop (xrf0)  }
0xe2: {  	v8, _, _ =	vpop (xrf0);
	(v2sf) =	vpush v7, $0xF  }
0xe3: {  	v7, _, _ =	vpop (xrf0);
	(v2sf) =	vpush v8, $0xF  }
0xe4: {  	(v2sf) =	vpush v7, $0xF;
	v7, _, _ =	vpop (xrf0)  }
0xe5: {  	(v2sf) =	vpush v7, $0xF;
	_ =	sdelay $0xb  }
0xe6: {  	s0 =	spop (v2sf)  }
0xe7: {  	s17 =	spop (v2sf)  }
0xe8: {  	s18 =	spop (v2sf)  }
0xe9: {  	s20 =	spop (v2sf)  }
0xea: {  	[tilespmem:s19+$0x1D7F0] =	vst v6;
	s18 =	sadd.s32 s20, s18  }
0xeb: {  	[tilespmem:s19+$0x1D780] =	vst v6;
	s17 =	sadd.s32 s0, s17;
	s18 =	sadd.s32 $0x1, s18  }
0xec: {  	[tilespmem:s19+$0x1D790] =	vst v6;
	p1 =	sge.s32 s17, s18  }
.Ltmp3:
0xed: {  	[tilespmem:s19+$0x1D7A0] =	vst v6;
	(pc) =	sbr.rel @p1 .LBB2_17-.Ltmp3, $4  }
.Ltmp4:
0xee: {  	[tilespmem:s19+$0x1D7B0] =	vst v6;
	(pc) =	sbr.rel @!p1 .LBB2_4-.Ltmp4, $4  }
0xef: {  	[tilespmem:s19+$0x1D7C0] =	vst v6  }
0xf0: {  	[tilespmem:s19+$0x1D7D0] =	vst v6  }
0xf1: {  	[tilespmem:s19+$0x1D7E0] =	vst v6  }
0xf2: {  	_ = 	snop  }
.LBB2_5:
0xf3: {  	v14 =	vimm.f32 $0.0e+00;
	v13 =	vimm.f32 $0.0e+00  }
0xf4: {  	v12 =	vimm.f32 $0.0e+00;
	v11 =	vimm.f32 $0.0e+00;
	v10 =	vimm.f32 $0.0e+00  }
0xf5: {  	v9 =	vimm.f32 $0.0e+00;
	v8 =	vimm.f32 $0.0e+00;
	v7 =	vimm.f32 $0.0e+00  }
.LBB2_16:
0xf6: {  	s0 =	sshll.u32 s17, $0x9  }
0xf7: {  	s0 =	sshra.s32 s0, $0x2  }
0xf8: {  	[tilespmem:s0+$0x1D780] =	vst v14  }
0xf9: {  	s17 =	sadd.s32 $0x1, s17;
	[tilespmem:s0+$0x1D790] =	vst v13  }
0xfa: {  	p1 =	slt.s32 s17, s18;
	[tilespmem:s0+$0x1D7A0] =	vst v12  }
.Ltmp5:
0xfb: {  	[tilespmem:s0+$0x1D7B0] =	vst v11;
	(pc) =	sbr.rel @!p1 .LBB2_17-.Ltmp5, $4  }
0xfc: {  	[tilespmem:s0+$0x1D7C0] =	vst v10  }
0xfd: {  	[tilespmem:s0+$0x1D7D0] =	vst v9  }
0xfe: {  	[tilespmem:s0+$0x1D7E0] =	vst v8  }
0xff: {  	[tilespmem:s0+$0x1D7F0] =	vst v7  }
.LBB2_4:
0x100: {  	s0 =	sadd.s32 $0xFFFFFFFF, s17  }
0x101: {  	p1 =	sgt.s32 s0, $0x0  }
0x102: {  	s0 =	simm.s32 @!p1 $0x0  }
0x103: {  	v7 =	vld [tilespmem:s0+$0x1CE80];
	_ =	sdelay $0x4  }
0x104: {  	(v2sf) =	vpush v7, $0x0  }
0x105: {  	(v2sf) =	vpush v7, $0x1;
	_ =	sdelay $0xd  }
0x106: {  	s22 =	smov.u32 s5;
	s0 =	spop (v2sf)  }
0x107: {  	p1 =	seq.s32 s17, $0x0;
	p2 =	sgt.s32 s0, s5;
	s19 =	spop (v2sf)  }
0x108: {  	s22 =	smov.u32 @p2 s0;
	s19 =	smov.u32 @p1 s0  }
0x109: {  	s0 =	smov.u32 s9;
	s22 =	smov.u32 @p1 s5;
	p1 =	slt.s32 s19, s9  }
0x10a: {  	s0 =	smov.u32 @p1 s19;
	s19 =	smin.u32 s22, $0x29FE0  }
0x10b: {  	p1 =	sgt.s32 s19, s0  }
0x10c: {  	s0 =	smov.u32 @p1 s19  }
0x10d: {  	s21 =	sand.u32 $0x3FFF8, s19;
	s20 =	smin.u32 s0, $0x29FE0  }
0x10e: {  	s0 =	ssub.s32 s20, s21  }
0x10f: {  	s0 =	sadd.s32 $0x17F, s0  }
0x110: {  	s23 =	smulhi.u32 $0x2AAAAAAB, s0;
	s0 =	sshra.s32 s0, $0x1F  }
0x111: {  	s0 =	smul.u32 $0x2AAAAAAB, s0;
	_ =	sdelay $0x1  }
0x112: {  	s0 =	sadd.s32 s0, s23  }
0x113: {  	s23 =	sshrl.u32 s0, $0x1F;
	s0 =	sshra.s32 s0, $0x6  }
0x114: {  	p1 =	slt.u32 s22, s20;
	s22 =	sadd.s32 s23, s0  }
0x115: {  	s22 =	simm.s32 @!p1 $0x0  }
0x116: {  	p1 =	slt.s32 s22, $0x1;
	s29 =	sadd.s32 $0x1, s22;
	p5 =	slt.s32 s22, $0x0  }
0x117: {  	s0 =	sshll.u32 @!p1 s21, $0x4;
	s23 =	simm.s32 @!p1 $0x0;
	s30 =	sand.u32 $0x1, s29  }
0x118: {  	s24 =	simm.s32 @!p1 $0x4E80;
	s0 =	sadd.s32 @!p1 s1, s0;
	p6 =	seq.s32 s30, $0x1  }
0x119: {  	[tilespmem:s24], [sflag:$0x1] =	stream.linear.gather @!p1 [hbm4b:s0+s23], $0xC000, $0x38;
	[tilespmem:$0x1E780] =	vst v63  }
0x11a: {  	s31 =	sshrl.u32 s29, $0x1F;
	p1 =	por !p5, !p6  }
0x11b: {  	s0 =	sadd.s32 s31, s29;
	s23 =	simm.s32 $0x1;
	p1 =	por !p1, !p1  }
0x11c: {  	s0 =	sshra.s32 s0, $0x1;
	s23 =	simm.s32 @!p1 $0x0  }
0x11d: {  	s23 =	ssub.s32 s0, s23  }
0x11e: {  	p1 =	slt.s32 s23, $0x1  }
.Ltmp6:
0x11f: {  	_ = 	snop;
	(pc) =	sbr.rel @p1 .LBB2_5-.Ltmp6, $1  }
0x120: {  	_ =	sdelay $0x3  }
.Ltmp7:
0x121: {  	(pc) =	sbr.rel .LBB2_7-.Ltmp7, $4  }
0x122: {  	_ = 	snop  }
0x123: {  	v7 =	vimm.f32 $0.0e+00;
	v8 =	vimm.f32 $0.0e+00  }
0x124: {  	v9 =	vimm.f32 $0.0e+00;
	v10 =	vimm.f32 $0.0e+00;
	v11 =	vimm.f32 $0.0e+00  }
0x125: {  	s24 =	sadd.s32 $0x180, s21;
	s25 =	simm.s32 $0x0;
	s26 =	smov.u32 s21;
	v12 =	vimm.f32 $0.0e+00;
	v13 =	vimm.f32 $0.0e+00;
	v14 =	vimm.f32 $0.0e+00  }
.LBB2_14:
0x126: {  	_ = 	snop  }
0x127: {  	v11 =	vadd.f32 v16, v11  }
0x128: {  	v10 =	vadd.f32 v15, v10;
	v9 =	vadd.f32 v17, v9  }
0x129: {  	v8 =	vadd.f32 v18, v8;
	v14 =	vadd.f32 v19, v14  }
.LBB2_15:
0x12a: {  	s25 =	sadd.s32 $0x1, s25  }
0x12b: {  	p1 =	sne.s32 s25, s23  }
.Ltmp8:
0x12c: {  	_ = 	snop;
	(pc) =	sbr.rel @!p1 .LBB2_16-.Ltmp8, $2  }
0x12d: {  	_ =	sdelay $0x2  }
0x12e: {  	s26 =	sadd.s32 $0x300, s26;
	s24 =	sadd.s32 $0x300, s24  }
.LBB2_7:
0x12f: {  	s28 =	sshllo.u32 s25, $0x1  }
0x130: {  	p1 =	sge.s32 s28, s22  }
0x131: {  	s0 =	smul.u32 @!p1 $0x180, s28;
	_ =	sdelay $0x1  }
0x132: {  	s0 =	sadd.s32 @!p1 s21, s0  }
0x133: {  	p2 =	slt.s32 @!p1 s0, $0x4E080  }
0x134: {  	p2 =	por !p2, p1  }
0x135: {  	s0 =	simm.s32 @p2 $0x4E080  }
0x136: {  	s31 =	smul.u32 $0x300, s25;
	s0 =	sshll.u32 @!p1 s0, $0x4  }
0x137: {  	s29 =	simm.s32 @!p1 $0x0;
	s30 =	simm.s32 @!p1 $0x10E80;
	s0 =	sadd.s32 @!p1 s1, s0  }
0x138: {  	[tilespmem:s30], [sflag:$0x2] =	stream.linear.gather @!p1 [hbm4b:s0+s29], $0xC000, $0x38;
	[tilespmem:$0x1E780] =	vst v63  }
0x139: {  	s30 =	sadd.s32 s21, s31  }
0x13a: {  	p2 =	slt.s32 s30, $0x4E080  }
0x13b: {  	s30 =	simm.s32 @!p2 $0x4E080  }
0x13c: {  	p2 =	sgt.s32 s19, s30;
	s0 =	smov.u32 s30;
	s31 =	sadd.s32 $0x180, s30  }
0x13d: {  	s0 =	smov.u32 @p2 s19;
	p2 =	slt.s32 s20, s31  }
0x13e: {  	s29 =	sshll.u32 s25, $0x1;
	s0 =	ssub.s32 s0, s30;
	s31 =	smov.u32 @p2 s20  }
0x13f: {  	p2 =	slt.s32 s29, s22;
	s31 =	ssub.s32 s31, s30;
	s30 =	smov.u32 s0  }
0x140: {  	s30 =	smov.u32 @p2 s31  }
0x141: {  	p2 =	sge.s32 s0, s30  }
.Ltmp9:
0x142: {  	p3 =	sge.s32 s29, s22;
	(pc) =	sbr.rel @p2 .LBB2_11-.Ltmp9, $4  }
0x143: {  	s2 =	simm.s32 @!p3 $0x1  }
0x144: {  	_ =	swait.ge @!p3 [sflag:s2], $0xC000  }
0x145: {  	[sflag:s2] =	ssyncset.done @!p3 $0x0  }
0x146: {  	[sflag:s2] =	ssyncadd.s32 @!p3 $0xFFFF4000  }
0x147: {  	p2 =	slt.s32 s26, $0x4E080;
	s2 =	smov.u32 s26  }
0x148: {  	s2 =	simm.s32 @!p2 $0x4E080  }
0x149: {  	s31 =	smov.u32 s19;
	p2 =	sgt.s32 s2, s19  }
0x14a: {  	s31 =	smov.u32 @p2 s2  }
0x14b: {  	s2 =	sshll.u32 s2, $0x9;
	s31 =	sshll.u32 s31, $0x9  }
0x14c: {  	s2 =	ssub.s32 s31, s2  }
0x14d: {  	s2 =	sshra.s32 s2, $0x2  }
0x14e: {  	s2 =	sadd.s32 $0x4EC0, s2  }
0x14f: {  	v18 =	vld [tilespmem:s2+$0x30]  }
0x150: {  	s31 =	sadd.s32 $0x1, s0;
	v19 =	vld [tilespmem:s2+$0xFFFFFFD0]  }
0x151: {  	p2 =	slt.s32 s31, s30;
	v20 =	vld [tilespmem:s2+$0xFFFFFFE0]  }
.Ltmp10:
0x152: {  	v16 =	vld [tilespmem:s2+$0xFFFFFFF0];
	(pc) =	sbr.rel @!p2 .LBB2_10-.Ltmp10, $4  }
0x153: {  	v15 =	vld [tilespmem:s2+$0x0]  }
0x154: {  	v17 =	vld [tilespmem:s2+$0x10]  }
0x155: {  	v7 =	vadd.f32 v18, v7;
	v18 =	vld [tilespmem:s2+$0x20]  }
0x156: {  	s0 =	sadd.s32 $0x80, s2;
	v13 =	vadd.f32 v19, v13;
	v19 =	vld [tilespmem:s2+$0xFFFFFFC0];
	v12 =	vadd.f32 v20, v12  }
.LBB2_9:
0x157: {  	v20 =	vld [tilespmem:s0+$0x30];
	s31 =	sadd.s32 $0x1, s31;
	v11 =	vadd.f32 v16, v11  }
0x158: {  	v21 =	vld [tilespmem:s0+$0xFFFFFFD0];
	p2 =	slt.s32 s31, s30;
	v10 =	vadd.f32 v15, v10  }
0x159: {  	v22 =	vld [tilespmem:s0+$0xFFFFFFE0];
	v9 =	vadd.f32 v17, v9  }
.Ltmp11:
0x15a: {  	v16 =	vld [tilespmem:s0+$0xFFFFFFF0];
	v8 =	vadd.f32 v18, v8;
	(pc) =	sbr.rel @p2 .LBB2_9-.Ltmp11, $4  }
0x15b: {  	v15 =	vld [tilespmem:s0+$0x0];
	v14 =	vadd.f32 v19, v14  }
0x15c: {  	v17 =	vld [tilespmem:s0+$0x10];
	v7 =	vadd.f32 v20, v7  }
0x15d: {  	v13 =	vadd.f32 v21, v13;
	v18 =	vld [tilespmem:s0+$0x20]  }
0x15e: {  	v19 =	vld [tilespmem:s0+$0xFFFFFFC0];
	v12 =	vadd.f32 v22, v12;
	s0 =	sadd.s32 $0x80, s0  }
.LBB2_10:
0x15f: {  	_ =	sdelay $0x1  }
0x160: {  	v11 =	vadd.f32 v16, v11  }
0x161: {  	v10 =	vadd.f32 v15, v10;
	v9 =	vadd.f32 v17, v9  }
0x162: {  	v8 =	vadd.f32 v18, v8;
	v14 =	vadd.f32 v19, v14  }
.LBB2_11:
0x163: {  	s0 =	sadd.s32 $0x2, s29  }
0x164: {  	p2 =	sge.s32 s0, s22  }
0x165: {  	s0 =	smul.u32 @!p2 $0x180, s0;
	_ =	sdelay $0x1  }
0x166: {  	s0 =	sadd.s32 @!p2 s21, s0  }
0x167: {  	p3 =	slt.s32 @!p2 s0, $0x4E080  }
0x168: {  	p3 =	por !p3, p2  }
0x169: {  	s0 =	simm.s32 @p3 $0x4E080  }
0x16a: {  	s30 =	smul.u32 $0x180, s28;
	s0 =	sshll.u32 @!p2 s0, $0x4  }
0x16b: {  	s2 =	simm.s32 @!p2 $0x0;
	s29 =	simm.s32 @!p2 $0x4E80;
	s0 =	sadd.s32 @!p2 s1, s0  }
0x16c: {  	[tilespmem:s29], [sflag:$0x1] =	stream.linear.gather @!p2 [hbm4b:s0+s2], $0xC000, $0x38;
	[tilespmem:$0x1E780] =	vst v63  }
0x16d: {  	s2 =	sadd.s32 s21, s30  }
0x16e: {  	p2 =	slt.s32 s2, $0x4E080  }
0x16f: {  	s2 =	simm.s32 @!p2 $0x4E080  }
0x170: {  	p2 =	sgt.s32 s19, s2;
	s0 =	smov.u32 s2;
	s29 =	sadd.s32 $0x180, s2  }
0x171: {  	s0 =	smov.u32 @p2 s19;
	p2 =	slt.s32 s20, s29  }
0x172: {  	s0 =	ssub.s32 s0, s2;
	s29 =	smov.u32 @p2 s20  }
0x173: {  	p2 =	slt.s32 s28, s22;
	s2 =	ssub.s32 s29, s2;
	s28 =	smov.u32 s0  }
0x174: {  	s28 =	smov.u32 @p2 s2  }
0x175: {  	p2 =	sge.s32 s0, s28  }
.Ltmp12:
0x176: {  	_ = 	snop;
	(pc) =	sbr.rel @p2 .LBB2_15-.Ltmp12, $4  }
0x177: {  	s30 =	simm.s32 @!p1 $0x2  }
0x178: {  	_ =	swait.ge @!p1 [sflag:s30], $0xC000  }
0x179: {  	[sflag:s30] =	ssyncset.done @!p1 $0x0  }
0x17a: {  	[sflag:s30] =	ssyncadd.s32 @!p1 $0xFFFF4000  }
0x17b: {  	p1 =	slt.s32 s24, $0x4E080;
	s2 =	smov.u32 s24  }
0x17c: {  	s2 =	simm.s32 @!p1 $0x4E080  }
0x17d: {  	s29 =	smov.u32 s19;
	p1 =	sgt.s32 s2, s19  }
0x17e: {  	s29 =	smov.u32 @p1 s2  }
0x17f: {  	s2 =	sshll.u32 s2, $0x9;
	s29 =	sshll.u32 s29, $0x9  }
0x180: {  	s2 =	ssub.s32 s29, s2  }
0x181: {  	s2 =	sshra.s32 s2, $0x2  }
0x182: {  	s2 =	sadd.s32 $0x10EC0, s2  }
0x183: {  	v18 =	vld [tilespmem:s2+$0x30]  }
0x184: {  	v19 =	vld [tilespmem:s2+$0xFFFFFFD0]  }
0x185: {  	s29 =	sadd.s32 $0x1, s0;
	v20 =	vld [tilespmem:s2+$0xFFFFFFE0]  }
0x186: {  	p1 =	slt.s32 s29, s28;
	v16 =	vld [tilespmem:s2+$0xFFFFFFF0]  }
.Ltmp13:
0x187: {  	v15 =	vld [tilespmem:s2+$0x0];
	(pc) =	sbr.rel @!p1 .LBB2_14-.Ltmp13, $4  }
0x188: {  	v17 =	vld [tilespmem:s2+$0x10]  }
0x189: {  	v7 =	vadd.f32 v18, v7;
	v18 =	vld [tilespmem:s2+$0x20]  }
0x18a: {  	v13 =	vadd.f32 v19, v13;
	v19 =	vld [tilespmem:s2+$0xFFFFFFC0]  }
0x18b: {  	s0 =	sadd.s32 $0x80, s2;
	v12 =	vadd.f32 v20, v12  }
.LBB2_13:
0x18c: {  	v20 =	vld [tilespmem:s0+$0x30];
	s29 =	sadd.s32 $0x1, s29;
	v11 =	vadd.f32 v16, v11  }
0x18d: {  	v10 =	vadd.f32 v15, v10;
	v21 =	vld [tilespmem:s0+$0xFFFFFFD0];
	p1 =	slt.s32 s29, s28  }
0x18e: {  	v9 =	vadd.f32 v17, v9;
	v22 =	vld [tilespmem:s0+$0xFFFFFFE0]  }
.Ltmp14:
0x18f: {  	v8 =	vadd.f32 v18, v8;
	v16 =	vld [tilespmem:s0+$0xFFFFFFF0];
	(pc) =	sbr.rel @p1 .LBB2_13-.Ltmp14, $4  }
0x190: {  	v14 =	vadd.f32 v19, v14;
	v15 =	vld [tilespmem:s0+$0x0]  }
0x191: {  	v17 =	vld [tilespmem:s0+$0x10];
	v7 =	vadd.f32 v20, v7  }
0x192: {  	v13 =	vadd.f32 v21, v13;
	v18 =	vld [tilespmem:s0+$0x20]  }
0x193: {  	v19 =	vld [tilespmem:s0+$0xFFFFFFC0];
	v12 =	vadd.f32 v22, v12;
	s0 =	sadd.s32 $0x80, s0  }
.Ltmp15:
0x194: {  	_ = 	snop;
	(pc) =	sbr.rel .LBB2_14-.Ltmp15, $1  }
0x195: {  	_ =	sdelay $0x3  }
.LBB2_18:
0x196: {  	_ =	sfence.sel $0x180000  }
0x197: {  	[bflag:$0x0] =	sbarrier.arrive $0xFFFF  }
0x198: {  	_ =	strace $0x90000047  }
0x199: {  	s0 =	stileid.u32;
	[bflag:$0x2] =	sbarrier.arrive $0xFFFF  }
0x19a: {  	p0 =	sne.s32 s0, $0x0;
	s0 =	rddreg [dreg:$0x5]  }
0x19b: {  	s0 =	sadd.s32 @!p0 $0x100000, s0  }
0x19c: {  	[sflag:s0] =	ssyncadd.tile.s32 @!p0 $0x1;
	_ =	shalt  }
.Lfunc_end2:
_tile_overlayer_lowered:
.L_overlay_start_2:
0x19d: {  	(tag) =	ssettag $0x2  }
0x19e: {  	s0 =	rddreg [dreg:$0x0];
	s2 =	stileid.u32  }
0x19f: {  	s1 =	rddreg [dreg:$0x1];
	p0 =	sne.s32 s2, $0x0  }
0x1a0: {  	s3 =	rddreg [dreg:$0x2];
	[bflag:$0x3] =	sbarrier.arrive $0xFFFF;
	s2 =	simm.s32 @!p0 $0x1C03  }
0x1a1: {  	[timem:s3], [sflag:s2] =	dma.local @!p0 [hbm:s0], s1  }
0x1a2: {  	s0 =	simm.s32 @!p0 $0x3  }
0x1a3: {  	_ =	swait.ge @!p0 [sflag:s0], s1  }
0x1a4: {  	s1 =	ssub.s32 @!p0 $0x0, s1;
	[sflag:s0] =	ssyncset.done @!p0 $0x0  }
0x1a5: {  	[sflag:s0] =	ssyncadd.s32 @!p0 s1  }
0x1a6: {  	[bflag:$0x3] =	sbarrier.arrive $0xFFFF  }
0x1a7: {  	_ =	shalt  }

</sc_bundles>
